<compile_context>
chip_gen: v7x
topology: tpu7x:2x2x1
jax: 0.10.2.dev20260603
libtpu: 0.0.44.dev20260713+nightly
codegen_flags: <defaults>
</compile_context>

<pallas_src>
import jax
import jax.numpy as jnp
from jax import lax
from jax.experimental import pallas as pl
from jax.experimental.pallas import tpu as pltpu
import jax.experimental.pallas.tpu_sc as plsc

Q = 2048
K = 2048
H = 16
NSHIFT = 8
NPHASE = 16
TWC = 256
TW = TWC * 16
TWP = 3968
UU = 4
GROUPS = Q // NSHIFT

_THRESH = (12, 16, 23, 32, 46, 64, 91)


def _sc_body(bias_hbm, var_hbm, bias_v, tbl_v, sem):
    c = lax.axis_index("c")
    s = lax.axis_index("s")
    h = s

    pltpu.sync_copy(bias_hbm, bias_v)

    lane = lax.iota(jnp.int32, 16)
    hvec = jnp.full((16,), h, jnp.int32)

    for uu in range(UU):
        ushift = 7 - uu - (Q - 1)

        def build(t, carry, _ushift=ushift, _uu=uu):
            d = t * 16 + (_ushift - 4 * c) + lane
            pos = d > 0
            a = jnp.abs(d)
            large = jnp.full((16,), 8, jnp.int32)
            for idx, thr in enumerate(_THRESH):
                large = jnp.where(a >= thr, 9 + idx, large)
            sub = jnp.where(a < 8, a, large)
            bkt = jnp.where(pos, sub + 16, sub)
            vals = plsc.load_gather(bias_v, [bkt, hvec])
            tbl_v[pl.ds((_uu * TWC + t) * 16, 16)] = vals
            return carry

        lax.fori_loop(0, TWC, build, 0)

    for uu in range(UU):
        for m in range(NPHASE):
            src = tbl_v.at[pl.ds(uu * TW + (120 - 8 * m), TWP)]
            dst_off = ((h * NPHASE + m) * NSHIFT + 4 * c + uu) * TWP
            pltpu.async_copy(src, var_hbm.at[pl.ds(dst_off, TWP)], sem)
    for _ in range(UU * NPHASE):
        pltpu.make_async_copy(
            var_hbm.at[pl.ds(0, TWP)], tbl_v.at[pl.ds(0, TWP)], sem
        ).wait()


_DEPTH = 8
_NSTEP = H * (GROUPS // NPHASE)


def _tc_body(var_ref, out_ref, sem):
    h = pl.program_id(0)
    qq = pl.program_id(1)
    step = h * (GROUPS // NPHASE) + qq
    col = 128 * (15 - qq)

    for half in range(2):
        pltpu.async_copy(
            var_ref.at[0, pl.ds(64 * half, 64), pl.ds(col, K)],
            out_ref.at[0, h, pl.ds(128 * qq + 64 * half, 64), :],
            sem,
        )

    @pl.when(step >= _DEPTH)
    def _retire():
        for _ in range(2):
            pltpu.make_async_copy(
                var_ref.at[0, pl.ds(0, 64), pl.ds(0, K)],
                out_ref.at[0, 0, pl.ds(0, 64), :],
                sem,
            ).wait()

    @pl.when(step == _NSTEP - 1)
    def _drain():
        for _ in range(2 * _DEPTH):
            pltpu.make_async_copy(
                var_ref.at[0, pl.ds(0, 64), pl.ds(0, K)],
                out_ref.at[0, 0, pl.ds(0, 64), :],
                sem,
            ).wait()


@jax.jit
def _bias_grid(relative_attention_bias):
    mesh = plsc.VectorSubcoreMesh(
        core_axis_name="c", subcore_axis_name="s", num_cores=2, num_subcores=16
    )
    var_flat = pl.kernel(
        _sc_body,
        out_type=jax.ShapeDtypeStruct((H * NPHASE * NSHIFT * TWP,), jnp.float32),
        mesh=mesh,
        scratch_types=[
            pltpu.VMEM((32, H), jnp.float32),
            pltpu.VMEM((UU * TW,), jnp.float32),
            pltpu.SemaphoreType.DMA,
        ],
        compiler_params=pltpu.CompilerParams(needs_layout_passes=False),
    )(relative_attention_bias)

    var3 = var_flat.reshape(H, NPHASE * NSHIFT, TWP)

    return pl.pallas_call(
        _tc_body,
        grid=(H, GROUPS // NPHASE),
        in_specs=[
            pl.BlockSpec((1, NPHASE * NSHIFT, TWP), lambda hh, qq: (hh, 0, 0)),
        ],
        out_specs=pl.BlockSpec(memory_space=pl.ANY),
        out_shape=jax.ShapeDtypeStruct((1, H, Q, K), jnp.float32),
        scratch_shapes=[pltpu.SemaphoreType.DMA],
    )(var3)


def kernel(encoder_hidden, decoder_hidden, relative_attention_bias):
    return _bias_grid(relative_attention_bias)

# --- scband reference (transcript-rebuilt; emitter-appended) ---
"""Pipeline reference for scband-relative-position-embedding-816043786785 (READ-ONLY COPY).

The authoritative reference and input builder live on the scoring server;
editing this copy changes nothing except your own understanding.
"""

import math
import jax, jax.numpy as jnp
import numpy as np

NUM_BUCKETS = 32
MAX_DISTANCE = 128
HEADS = 16
BIDIRECTIONAL = True


def setup_inputs(seed: int = 0) -> dict:
    key = jax.random.key(seed)
    k1, k2, k3 = jax.random.split(key, 3)
    encoder_hidden = jax.random.normal(k1, (2, 2048, 1024), dtype=jnp.float32)
    decoder_hidden = jax.random.normal(k2, (2, 2048, 1024), dtype=jnp.float32)
    relative_attention_bias = jax.random.normal(k3, (NUM_BUCKETS, HEADS), dtype=jnp.float32) * 0.02
    return {
        "encoder_hidden": encoder_hidden,
        "decoder_hidden": decoder_hidden,
        "relative_attention_bias": relative_attention_bias,
    }


def _relative_position_bucket(relative_position, bidirectional, num_buckets, max_distance):
    relative_buckets = jnp.zeros_like(relative_position)
    if bidirectional:
        num_buckets = num_buckets // 2
        relative_buckets = relative_buckets + (relative_position > 0).astype(jnp.int32) * num_buckets
        relative_position = jnp.abs(relative_position)
    else:
        relative_position = -jnp.minimum(relative_position, jnp.zeros_like(relative_position))
    max_exact = num_buckets // 2
    is_small = relative_position < max_exact
    # safe value to avoid log(0); result is masked by is_small anyway
    rp_safe = jnp.maximum(relative_position, 1).astype(jnp.float32)
    rel_if_large = max_exact + (
        jnp.log(rp_safe / max_exact) / math.log(max_distance / max_exact) * (num_buckets - max_exact)
    ).astype(jnp.int32)
    rel_if_large = jnp.minimum(rel_if_large, jnp.full_like(rel_if_large, num_buckets - 1))
    relative_buckets = relative_buckets + jnp.where(is_small, relative_position, rel_if_large)
    return relative_buckets


def reference(encoder_hidden, decoder_hidden, relative_attention_bias):
    query_length = encoder_hidden.shape[1]
    key_length = decoder_hidden.shape[1]
    context_position = jnp.arange(query_length, dtype=jnp.int32)[:, None]
    memory_position = jnp.arange(key_length, dtype=jnp.int32)[None, :]
    relative_position = memory_position - context_position
    buckets = _relative_position_bucket(relative_position, BIDIRECTIONAL, NUM_BUCKETS, MAX_DISTANCE)
    # embedding lookup: [q, k] -> [q, k, heads]
    values = jnp.take(relative_attention_bias, buckets, axis=0)
    # permute [2, 0, 1] then unsqueeze -> [1, heads, q, k]
    values = jnp.transpose(values, (2, 0, 1))[None, :, :, :]
    return values

if __name__ == "__main__":
    import jax
    _d = setup_inputs()
    print(jax.jit(kernel)(*tuple(_d.values())))

</pallas_src>

<mosaic_0001>
#map = affine_map<(d0, d1) -> (0, 0)>
#map1 = affine_map<(d0, d1) -> (0)>
module attributes {stable_mosaic.version = 14 : i64} {
  func.func @_sc_body(%arg0: i32, %arg1: i32, %arg2: memref<32x16xf32, #tpu.memory_space<hbm>>, %arg3: memref<8126464xf32, #tpu.memory_space<hbm>>, %arg4: memref<32x16xf32, #tpu.memory_space<vmem>>, %arg5: memref<16384xf32, #tpu.memory_space<vmem>>, %arg6: memref<!tpu.dma_semaphore, #tpu.memory_space<semaphore_mem>>) attributes {dimension_semantics = [#tpu.dimension_semantics<core_parallel>, #tpu.dimension_semantics<subcore_parallel>], iteration_bounds = array<i64: 2, 16>, scalar_prefetch = 0 : i64, scratch_operands = 3 : i64, tpu.core_type = #tpu.core_type<sc_vector_subcore>, window_params = [{transform_indices = #map}, {transform_indices = #map1}]} {
    "tpu.region"() ({
      %run_scoped3A = tpu.sem_alloc : memref<!tpu.dma_semaphore, #tpu.memory_space<semaphore_mem>>
      tpu.enqueue_dma source(%arg2 : memref<32x16xf32, #tpu.memory_space<hbm>>) target(%arg4 : memref<32x16xf32, #tpu.memory_space<vmem>>) target_semaphore(%run_scoped3A : memref<!tpu.dma_semaphore, #tpu.memory_space<semaphore_mem>>)
      tpu.wait_dma2 semaphore(%run_scoped3A : memref<!tpu.dma_semaphore, #tpu.memory_space<semaphore_mem>>) src(%arg2 : memref<32x16xf32, #tpu.memory_space<hbm>>) dst(%arg4 : memref<32x16xf32, #tpu.memory_space<vmem>>)
      tpu.yield
    }) : () -> ()
    %iota3A = tpu.iota {dimensions = array<i32: 0>} : vector<16xi32>
    %broadcast_in_dim3A = vector.broadcast %arg1 : i32 to vector<16xi32>
    %scan3A = arith.constant 0 : i32
    %scan3A_0 = arith.constant 0 : i32
    %scan3A_1 = arith.constant 256 : i32
    %scan3A_2 = arith.addi %scan3A_0, %scan3A_1 : i32
    %scan3A_3 = arith.constant 1 : i32
    scf.for %scan3A_1747 = %scan3A_0 to %scan3A_2 step %scan3A_3  : i32 {
      %mul3A_1748 = arith.constant 16 : i32
      %mul3A_1749 = arith.muli %scan3A_1747, %mul3A_1748 : i32
      %mul3A_1750 = arith.constant 4 : i32
      %mul3A_1751 = arith.muli %mul3A_1750, %arg0 : i32
      %sub3A = arith.constant -2040 : i32
      %sub3A_1752 = arith.subi %sub3A, %mul3A_1751 : i32
      %add3A_1753 = arith.addi %mul3A_1749, %sub3A_1752 : i32
      %add3A_1754 = vector.broadcast %add3A_1753 : i32 to vector<16xi32>
      %add3A_1755 = arith.addi %add3A_1754, %iota3A : vector<16xi32>
      %gt3A = arith.constant 0 : i32
      %gt3A_1756 = vector.broadcast %gt3A : i32 to vector<16xi32>
      %gt3A_1757 = arith.cmpi sgt, %add3A_1755, %gt3A_1756 : vector<16xi32>
      %abs3A = math.absi %add3A_1755 : vector<16xi32>
      %broadcast_in_dim3A_1758 = arith.constant 8 : i32
      %broadcast_in_dim3A_1759 = vector.broadcast %broadcast_in_dim3A_1758 : i32 to vector<16xi32>
      %ge3A = arith.constant 12 : i32
      %ge3A_1760 = vector.broadcast %ge3A : i32 to vector<16xi32>
      %ge3A_1761 = arith.cmpi sge, %abs3A, %ge3A_1760 : vector<16xi32>
      %jit3A = arith.constant 9 : i32
      %broadcast_in_dim3A_1762 = vector.broadcast %jit3A : i32 to vector<16xi32>
      %select_n3A = arith.select %ge3A_1761, %broadcast_in_dim3A_1762, %broadcast_in_dim3A_1759 : vector<16xi1>, vector<16xi32>
      %ge3A_1763 = arith.constant 16 : i32
      %ge3A_1764 = vector.broadcast %ge3A_1763 : i32 to vector<16xi32>
      %ge3A_1765 = arith.cmpi sge, %abs3A, %ge3A_1764 : vector<16xi32>
      %jit3A_1766 = arith.constant 10 : i32
      %broadcast_in_dim3A_1767 = vector.broadcast %jit3A_1766 : i32 to vector<16xi32>
      %select_n3A_1768 = arith.select %ge3A_1765, %broadcast_in_dim3A_1767, %select_n3A : vector<16xi1>, vector<16xi32>
      %ge3A_1769 = arith.constant 23 : i32
      %ge3A_1770 = vector.broadcast %ge3A_1769 : i32 to vector<16xi32>
      %ge3A_1771 = arith.cmpi sge, %abs3A, %ge3A_1770 : vector<16xi32>
      %jit3A_1772 = arith.constant 11 : i32
      %broadcast_in_dim3A_1773 = vector.broadcast %jit3A_1772 : i32 to vector<16xi32>
      %select_n3A_1774 = arith.select %ge3A_1771, %broadcast_in_dim3A_1773, %select_n3A_1768 : vector<16xi1>, vector<16xi32>
      %ge3A_1775 = arith.constant 32 : i32
      %ge3A_1776 = vector.broadcast %ge3A_1775 : i32 to vector<16xi32>
      %ge3A_1777 = arith.cmpi sge, %abs3A, %ge3A_1776 : vector<16xi32>
      %jit3A_1778 = arith.constant 12 : i32
      %broadcast_in_dim3A_1779 = vector.broadcast %jit3A_1778 : i32 to vector<16xi32>
      %select_n3A_1780 = arith.select %ge3A_1777, %broadcast_in_dim3A_1779, %select_n3A_1774 : vector<16xi1>, vector<16xi32>
      %ge3A_1781 = arith.constant 46 : i32
      %ge3A_1782 = vector.broadcast %ge3A_1781 : i32 to vector<16xi32>
      %ge3A_1783 = arith.cmpi sge, %abs3A, %ge3A_1782 : vector<16xi32>
      %jit3A_1784 = arith.constant 13 : i32
      %broadcast_in_dim3A_1785 = vector.broadcast %jit3A_1784 : i32 to vector<16xi32>
      %select_n3A_1786 = arith.select %ge3A_1783, %broadcast_in_dim3A_1785, %select_n3A_1780 : vector<16xi1>, vector<16xi32>
      %ge3A_1787 = arith.constant 64 : i32
      %ge3A_1788 = vector.broadcast %ge3A_1787 : i32 to vector<16xi32>
      %ge3A_1789 = arith.cmpi sge, %abs3A, %ge3A_1788 : vector<16xi32>
      %jit3A_1790 = arith.constant 14 : i32
      %broadcast_in_dim3A_1791 = vector.broadcast %jit3A_1790 : i32 to vector<16xi32>
      %select_n3A_1792 = arith.select %ge3A_1789, %broadcast_in_dim3A_1791, %select_n3A_1786 : vector<16xi1>, vector<16xi32>
      %ge3A_1793 = arith.constant 91 : i32
      %ge3A_1794 = vector.broadcast %ge3A_1793 : i32 to vector<16xi32>
      %ge3A_1795 = arith.cmpi sge, %abs3A, %ge3A_1794 : vector<16xi32>
      %jit3A_1796 = arith.constant 15 : i32
      %broadcast_in_dim3A_1797 = vector.broadcast %jit3A_1796 : i32 to vector<16xi32>
      %select_n3A_1798 = arith.select %ge3A_1795, %broadcast_in_dim3A_1797, %select_n3A_1792 : vector<16xi1>, vector<16xi32>
      %lt3A = arith.constant 8 : i32
      %lt3A_1799 = vector.broadcast %lt3A : i32 to vector<16xi32>
      %lt3A_1800 = arith.cmpi slt, %abs3A, %lt3A_1799 : vector<16xi32>
      %select_n3A_1801 = arith.select %lt3A_1800, %abs3A, %select_n3A_1798 : vector<16xi1>, vector<16xi32>
      %add3A_1802 = arith.constant 16 : i32
      %add3A_1803 = vector.broadcast %add3A_1802 : i32 to vector<16xi32>
      %add3A_1804 = arith.addi %select_n3A_1801, %add3A_1803 : vector<16xi32>
      %select_n3A_1805 = arith.select %gt3A_1757, %add3A_1804, %select_n3A_1801 : vector<16xi1>, vector<16xi32>
      %gather3A = tpu.vector_load_idx %arg4[%select_n3A_1805, %broadcast_in_dim3A] : memref<32x16xf32, #tpu.memory_space<vmem>>[vector<16xi32>, vector<16xi32>], vector<16xf32>,
      %add3A_1806 = arith.constant 0 : i32
      %add3A_1807 = arith.addi %add3A_1806, %scan3A_1747 : i32
      %mul3A_1808 = arith.constant 16 : i32
      %mul3A_1809 = arith.muli %add3A_1807, %mul3A_1808 : i32
      %swap3A = arith.index_cast %mul3A_1809 : i32 to index
      %swap3A_1810 = tpu.vector_load %arg5[%swap3A] {strides = array<i32>} : memref<16384xf32, #tpu.memory_space<vmem>>, vector<16xf32>,
      tpu.vector_store %arg5[%swap3A], %gather3A {strides = array<i32>} : memref<16384xf32, #tpu.memory_space<vmem>>, vector<16xf32>,
    }
    %scan3A_4 = arith.constant 256 : i32
    %scan3A_5 = arith.constant 0 : i32
    %scan3A_6 = arith.constant 0 : i32
    %scan3A_7 = arith.constant 256 : i32
    %scan3A_8 = arith.addi %scan3A_6, %scan3A_7 : i32
    %scan3A_9 = arith.constant 1 : i32
    scf.for %scan3A_1747 = %scan3A_6 to %scan3A_8 step %scan3A_9  : i32 {
      %mul3A_1748 = arith.constant 16 : i32
      %mul3A_1749 = arith.muli %scan3A_1747, %mul3A_1748 : i32
      %mul3A_1750 = arith.constant 4 : i32
      %mul3A_1751 = arith.muli %mul3A_1750, %arg0 : i32
      %sub3A = arith.constant -2041 : i32
      %sub3A_1752 = arith.subi %sub3A, %mul3A_1751 : i32
      %add3A_1753 = arith.addi %mul3A_1749, %sub3A_1752 : i32
      %add3A_1754 = vector.broadcast %add3A_1753 : i32 to vector<16xi32>
      %add3A_1755 = arith.addi %add3A_1754, %iota3A : vector<16xi32>
      %gt3A = arith.constant 0 : i32
      %gt3A_1756 = vector.broadcast %gt3A : i32 to vector<16xi32>
      %gt3A_1757 = arith.cmpi sgt, %add3A_1755, %gt3A_1756 : vector<16xi32>
      %abs3A = math.absi %add3A_1755 : vector<16xi32>
      %broadcast_in_dim3A_1758 = arith.constant 8 : i32
      %broadcast_in_dim3A_1759 = vector.broadcast %broadcast_in_dim3A_1758 : i32 to vector<16xi32>
      %ge3A = arith.constant 12 : i32
      %ge3A_1760 = vector.broadcast %ge3A : i32 to vector<16xi32>
      %ge3A_1761 = arith.cmpi sge, %abs3A, %ge3A_1760 : vector<16xi32>
      %jit3A = arith.constant 9 : i32
      %broadcast_in_dim3A_1762 = vector.broadcast %jit3A : i32 to vector<16xi32>
      %select_n3A = arith.select %ge3A_1761, %broadcast_in_dim3A_1762, %broadcast_in_dim3A_1759 : vector<16xi1>, vector<16xi32>
      %ge3A_1763 = arith.constant 16 : i32
      %ge3A_1764 = vector.broadcast %ge3A_1763 : i32 to vector<16xi32>
      %ge3A_1765 = arith.cmpi sge, %abs3A, %ge3A_1764 : vector<16xi32>
      %jit3A_1766 = arith.constant 10 : i32
      %broadcast_in_dim3A_1767 = vector.broadcast %jit3A_1766 : i32 to vector<16xi32>
      %select_n3A_1768 = arith.select %ge3A_1765, %broadcast_in_dim3A_1767, %select_n3A : vector<16xi1>, vector<16xi32>
      %ge3A_1769 = arith.constant 23 : i32
      %ge3A_1770 = vector.broadcast %ge3A_1769 : i32 to vector<16xi32>
      %ge3A_1771 = arith.cmpi sge, %abs3A, %ge3A_1770 : vector<16xi32>
      %jit3A_1772 = arith.constant 11 : i32
      %broadcast_in_dim3A_1773 = vector.broadcast %jit3A_1772 : i32 to vector<16xi32>
      %select_n3A_1774 = arith.select %ge3A_1771, %broadcast_in_dim3A_1773, %select_n3A_1768 : vector<16xi1>, vector<16xi32>
      %ge3A_1775 = arith.constant 32 : i32
      %ge3A_1776 = vector.broadcast %ge3A_1775 : i32 to vector<16xi32>
      %ge3A_1777 = arith.cmpi sge, %abs3A, %ge3A_1776 : vector<16xi32>
      %jit3A_1778 = arith.constant 12 : i32
      %broadcast_in_dim3A_1779 = vector.broadcast %jit3A_1778 : i32 to vector<16xi32>
      %select_n3A_1780 = arith.select %ge3A_1777, %broadcast_in_dim3A_1779, %select_n3A_1774 : vector<16xi1>, vector<16xi32>
      %ge3A_1781 = arith.constant 46 : i32
      %ge3A_1782 = vector.broadcast %ge3A_1781 : i32 to vector<16xi32>
      %ge3A_1783 = arith.cmpi sge, %abs3A, %ge3A_1782 : vector<16xi32>
      %jit3A_1784 = arith.constant 13 : i32
      %broadcast_in_dim3A_1785 = vector.broadcast %jit3A_1784 : i32 to vector<16xi32>
      %select_n3A_1786 = arith.select %ge3A_1783, %broadcast_in_dim3A_1785, %select_n3A_1780 : vector<16xi1>, vector<16xi32>
      %ge3A_1787 = arith.constant 64 : i32
      %ge3A_1788 = vector.broadcast %ge3A_1787 : i32 to vector<16xi32>
      %ge3A_1789 = arith.cmpi sge, %abs3A, %ge3A_1788 : vector<16xi32>
      %jit3A_1790 = arith.constant 14 : i32
      %broadcast_in_dim3A_1791 = vector.broadcast %jit3A_1790 : i32 to vector<16xi32>
      %select_n3A_1792 = arith.select %ge3A_1789, %broadcast_in_dim3A_1791, %select_n3A_1786 : vector<16xi1>, vector<16xi32>
      %ge3A_1793 = arith.constant 91 : i32
      %ge3A_1794 = vector.broadcast %ge3A_1793 : i32 to vector<16xi32>
      %ge3A_1795 = arith.cmpi sge, %abs3A, %ge3A_1794 : vector<16xi32>
      %jit3A_1796 = arith.constant 15 : i32
      %broadcast_in_dim3A_1797 = vector.broadcast %jit3A_1796 : i32 to vector<16xi32>
      %select_n3A_1798 = arith.select %ge3A_1795, %broadcast_in_dim3A_1797, %select_n3A_1792 : vector<16xi1>, vector<16xi32>
      %lt3A = arith.constant 8 : i32
      %lt3A_1799 = vector.broadcast %lt3A : i32 to vector<16xi32>
      %lt3A_1800 = arith.cmpi slt, %abs3A, %lt3A_1799 : vector<16xi32>
      %select_n3A_1801 = arith.select %lt3A_1800, %abs3A, %select_n3A_1798 : vector<16xi1>, vector<16xi32>
      %add3A_1802 = arith.constant 16 : i32
      %add3A_1803 = vector.broadcast %add3A_1802 : i32 to vector<16xi32>
      %add3A_1804 = arith.addi %select_n3A_1801, %add3A_1803 : vector<16xi32>
      %select_n3A_1805 = arith.select %gt3A_1757, %add3A_1804, %select_n3A_1801 : vector<16xi1>, vector<16xi32>
      %gather3A = tpu.vector_load_idx %arg4[%select_n3A_1805, %broadcast_in_dim3A] : memref<32x16xf32, #tpu.memory_space<vmem>>[vector<16xi32>, vector<16xi32>], vector<16xf32>,
      %add3A_1806 = arith.constant 256 : i32
      %add3A_1807 = arith.addi %add3A_1806, %scan3A_1747 : i32
      %mul3A_1808 = arith.constant 16 : i32
      %mul3A_1809 = arith.muli %add3A_1807, %mul3A_1808 : i32
      %swap3A = arith.index_cast %mul3A_1809 : i32 to index
      %swap3A_1810 = tpu.vector_load %arg5[%swap3A] {strides = array<i32>} : memref<16384xf32, #tpu.memory_space<vmem>>, vector<16xf32>,
      tpu.vector_store %arg5[%swap3A], %gather3A {strides = array<i32>} : memref<16384xf32, #tpu.memory_space<vmem>>, vector<16xf32>,
    }
    %scan3A_10 = arith.constant 256 : i32
    %scan3A_11 = arith.constant 0 : i32
    %scan3A_12 = arith.constant 0 : i32
    %scan3A_13 = arith.constant 256 : i32
    %scan3A_14 = arith.addi %scan3A_12, %scan3A_13 : i32
    %scan3A_15 = arith.constant 1 : i32
    scf.for %scan3A_1747 = %scan3A_12 to %scan3A_14 step %scan3A_15  : i32 {
      %mul3A_1748 = arith.constant 16 : i32
      %mul3A_1749 = arith.muli %scan3A_1747, %mul3A_1748 : i32
      %mul3A_1750 = arith.constant 4 : i32
      %mul3A_1751 = arith.muli %mul3A_1750, %arg0 : i32
      %sub3A = arith.constant -2042 : i32
      %sub3A_1752 = arith.subi %sub3A, %mul3A_1751 : i32
      %add3A_1753 = arith.addi %mul3A_1749, %sub3A_1752 : i32
      %add3A_1754 = vector.broadcast %add3A_1753 : i32 to vector<16xi32>
      %add3A_1755 = arith.addi %add3A_1754, %iota3A : vector<16xi32>
      %gt3A = arith.constant 0 : i32
      %gt3A_1756 = vector.broadcast %gt3A : i32 to vector<16xi32>
      %gt3A_1757 = arith.cmpi sgt, %add3A_1755, %gt3A_1756 : vector<16xi32>
      %abs3A = math.absi %add3A_1755 : vector<16xi32>
      %broadcast_in_dim3A_1758 = arith.constant 8 : i32
      %broadcast_in_dim3A_1759 = vector.broadcast %broadcast_in_dim3A_1758 : i32 to vector<16xi32>
      %ge3A = arith.constant 12 : i32
      %ge3A_1760 = vector.broadcast %ge3A : i32 to vector<16xi32>
      %ge3A_1761 = arith.cmpi sge, %abs3A, %ge3A_1760 : vector<16xi32>
      %jit3A = arith.constant 9 : i32
      %broadcast_in_dim3A_1762 = vector.broadcast %jit3A : i32 to vector<16xi32>
      %select_n3A = arith.select %ge3A_1761, %broadcast_in_dim3A_1762, %broadcast_in_dim3A_1759 : vector<16xi1>, vector<16xi32>
      %ge3A_1763 = arith.constant 16 : i32
      %ge3A_1764 = vector.broadcast %ge3A_1763 : i32 to vector<16xi32>
      %ge3A_1765 = arith.cmpi sge, %abs3A, %ge3A_1764 : vector<16xi32>
      %jit3A_1766 = arith.constant 10 : i32
      %broadcast_in_dim3A_1767 = vector.broadcast %jit3A_1766 : i32 to vector<16xi32>
      %select_n3A_1768 = arith.select %ge3A_1765, %broadcast_in_dim3A_1767, %select_n3A : vector<16xi1>, vector<16xi32>
      %ge3A_1769 = arith.constant 23 : i32
      %ge3A_1770 = vector.broadcast %ge3A_1769 : i32 to vector<16xi32>
      %ge3A_1771 = arith.cmpi sge, %abs3A, %ge3A_1770 : vector<16xi32>
      %jit3A_1772 = arith.constant 11 : i32
      %broadcast_in_dim3A_1773 = vector.broadcast %jit3A_1772 : i32 to vector<16xi32>
      %select_n3A_1774 = arith.select %ge3A_1771, %broadcast_in_dim3A_1773, %select_n3A_1768 : vector<16xi1>, vector<16xi32>
      %ge3A_1775 = arith.constant 32 : i32
      %ge3A_1776 = vector.broadcast %ge3A_1775 : i32 to vector<16xi32>
      %ge3A_1777 = arith.cmpi sge, %abs3A, %ge3A_1776 : vector<16xi32>
      %jit3A_1778 = arith.constant 12 : i32
      %broadcast_in_dim3A_1779 = vector.broadcast %jit3A_1778 : i32 to vector<16xi32>
      %select_n3A_1780 = arith.select %ge3A_1777, %broadcast_in_dim3A_1779, %select_n3A_1774 : vector<16xi1>, vector<16xi32>
      %ge3A_1781 = arith.constant 46 : i32
      %ge3A_1782 = vector.broadcast %ge3A_1781 : i32 to vector<16xi32>
      %ge3A_1783 = arith.cmpi sge, %abs3A, %ge3A_1782 : vector<16xi32>
      %jit3A_1784 = arith.constant 13 : i32
      %broadcast_in_dim3A_1785 = vector.broadcast %jit3A_1784 : i32 to vector<16xi32>
      %select_n3A_1786 = arith.select %ge3A_1783, %broadcast_in_dim3A_1785, %select_n3A_1780 : vector<16xi1>, vector<16xi32>
      %ge3A_1787 = arith.constant 64 : i32
      %ge3A_1788 = vector.broadcast %ge3A_1787 : i32 to vector<16xi32>
      %ge3A_1789 = arith.cmpi sge, %abs3A, %ge3A_1788 : vector<16xi32>
      %jit3A_1790 = arith.constant 14 : i32
      %broadcast_in_dim3A_1791 = vector.broadcast %jit3A_1790 : i32 to vector<16xi32>
      %select_n3A_1792 = arith.select %ge3A_1789, %broadcast_in_dim3A_1791, %select_n3A_1786 : vector<16xi1>, vector<16xi32>
      %ge3A_1793 = arith.constant 91 : i32
      %ge3A_1794 = vector.broadcast %ge3A_1793 : i32 to vector<16xi32>
      %ge3A_1795 = arith.cmpi sge, %abs3A, %ge3A_1794 : vector<16xi32>
      %jit3A_1796 = arith.constant 15 : i32
      %broadcast_in_dim3A_1797 = vector.broadcast %jit3A_1796 : i32 to vector<16xi32>
      %select_n3A_1798 = arith.select %ge3A_1795, %broadcast_in_dim3A_1797, %select_n3A_1792 : vector<16xi1>, vector<16xi32>
      %lt3A = arith.constant 8 : i32
      %lt3A_1799 = vector.broadcast %lt3A : i32 to vector<16xi32>
      %lt3A_1800 = arith.cmpi slt, %abs3A, %lt3A_1799 : vector<16xi32>
      %select_n3A_1801 = arith.select %lt3A_1800, %abs3A, %select_n3A_1798 : vector<16xi1>, vector<16xi32>
      %add3A_1802 = arith.constant 16 : i32
      %add3A_1803 = vector.broadcast %add3A_1802 : i32 to vector<16xi32>
      %add3A_1804 = arith.addi %select_n3A_1801, %add3A_1803 : vector<16xi32>
      %select_n3A_1805 = arith.select %gt3A_1757, %add3A_1804, %select_n3A_1801 : vector<16xi1>, vector<16xi32>
      %gather3A = tpu.vector_load_idx %arg4[%select_n3A_1805, %broadcast_in_dim3A] : memref<32x16xf32, #tpu.memory_space<vmem>>[vector<16xi32>, vector<16xi32>], vector<16xf32>,
      %add3A_1806 = arith.constant 512 : i32
      %add3A_1807 = arith.addi %add3A_1806, %scan3A_1747 : i32
      %mul3A_1808 = arith.constant 16 : i32
      %mul3A_1809 = arith.muli %add3A_1807, %mul3A_1808 : i32
      %swap3A = arith.index_cast %mul3A_1809 : i32 to index
      %swap3A_1810 = tpu.vector_load %arg5[%swap3A] {strides = array<i32>} : memref<16384xf32, #tpu.memory_space<vmem>>, vector<16xf32>,
      tpu.vector_store %arg5[%swap3A], %gather3A {strides = array<i32>} : memref<16384xf32, #tpu.memory_space<vmem>>, vector<16xf32>,
    }
    %scan3A_16 = arith.constant 256 : i32
    %scan3A_17 = arith.constant 0 : i32
    %scan3A_18 = arith.constant 0 : i32
    %scan3A_19 = arith.constant 256 : i32
    %scan3A_20 = arith.addi %scan3A_18, %scan3A_19 : i32
    %scan3A_21 = arith.constant 1 : i32
    scf.for %scan3A_1747 = %scan3A_18 to %scan3A_20 step %scan3A_21  : i32 {
      %mul3A_1748 = arith.constant 16 : i32
      %mul3A_1749 = arith.muli %scan3A_1747, %mul3A_1748 : i32
      %mul3A_1750 = arith.constant 4 : i32
      %mul3A_1751 = arith.muli %mul3A_1750, %arg0 : i32
      %sub3A = arith.constant -2043 : i32
      %sub3A_1752 = arith.subi %sub3A, %mul3A_1751 : i32
      %add3A_1753 = arith.addi %mul3A_1749, %sub3A_1752 : i32
      %add3A_1754 = vector.broadcast %add3A_1753 : i32 to vector<16xi32>
      %add3A_1755 = arith.addi %add3A_1754, %iota3A : vector<16xi32>
      %gt3A = arith.constant 0 : i32
      %gt3A_1756 = vector.broadcast %gt3A : i32 to vector<16xi32>
      %gt3A_1757 = arith.cmpi sgt, %add3A_1755, %gt3A_1756 : vector<16xi32>
      %abs3A = math.absi %add3A_1755 : vector<16xi32>
      %broadcast_in_dim3A_1758 = arith.constant 8 : i32
      %broadcast_in_dim3A_1759 = vector.broadcast %broadcast_in_dim3A_1758 : i32 to vector<16xi32>
      %ge3A = arith.constant 12 : i32
      %ge3A_1760 = vector.broadcast %ge3A : i32 to vector<16xi32>
      %ge3A_1761 = arith.cmpi sge, %abs3A, %ge3A_1760 : vector<16xi32>
      %jit3A = arith.constant 9 : i32
      %broadcast_in_dim3A_1762 = vector.broadcast %jit3A : i32 to vector<16xi32>
      %select_n3A = arith.select %ge3A_1761, %broadcast_in_dim3A_1762, %broadcast_in_dim3A_1759 : vector<16xi1>, vector<16xi32>
      %ge3A_1763 = arith.constant 16 : i32
      %ge3A_1764 = vector.broadcast %ge3A_1763 : i32 to vector<16xi32>
      %ge3A_1765 = arith.cmpi sge, %abs3A, %ge3A_1764 : vector<16xi32>
      %jit3A_1766 = arith.constant 10 : i32
      %broadcast_in_dim3A_1767 = vector.broadcast %jit3A_1766 : i32 to vector<16xi32>
      %select_n3A_1768 = arith.select %ge3A_1765, %broadcast_in_dim3A_1767, %select_n3A : vector<16xi1>, vector<16xi32>
      %ge3A_1769 = arith.constant 23 : i32
      %ge3A_1770 = vector.broadcast %ge3A_1769 : i32 to vector<16xi32>
      %ge3A_1771 = arith.cmpi sge, %abs3A, %ge3A_1770 : vector<16xi32>
      %jit3A_1772 = arith.constant 11 : i32
      %broadcast_in_dim3A_1773 = vector.broadcast %jit3A_1772 : i32 to vector<16xi32>
      %select_n3A_1774 = arith.select %ge3A_1771, %broadcast_in_dim3A_1773, %select_n3A_1768 : vector<16xi1>, vector<16xi32>
      %ge3A_1775 = arith.constant 32 : i32
      %ge3A_1776 = vector.broadcast %ge3A_1775 : i32 to vector<16xi32>
      %ge3A_1777 = arith.cmpi sge, %abs3A, %ge3A_1776 : vector<16xi32>
      %jit3A_1778 = arith.constant 12 : i32
      %broadcast_in_dim3A_1779 = vector.broadcast %jit3A_1778 : i32 to vector<16xi32>
      %select_n3A_1780 = arith.select %ge3A_1777, %broadcast_in_dim3A_1779, %select_n3A_1774 : vector<16xi1>, vector<16xi32>
      %ge3A_1781 = arith.constant 46 : i32
      %ge3A_1782 = vector.broadcast %ge3A_1781 : i32 to vector<16xi32>
      %ge3A_1783 = arith.cmpi sge, %abs3A, %ge3A_1782 : vector<16xi32>
      %jit3A_1784 = arith.constant 13 : i32
      %broadcast_in_dim3A_1785 = vector.broadcast %jit3A_1784 : i32 to vector<16xi32>
      %select_n3A_1786 = arith.select %ge3A_1783, %broadcast_in_dim3A_1785, %select_n3A_1780 : vector<16xi1>, vector<16xi32>
      %ge3A_1787 = arith.constant 64 : i32
      %ge3A_1788 = vector.broadcast %ge3A_1787 : i32 to vector<16xi32>
      %ge3A_1789 = arith.cmpi sge, %abs3A, %ge3A_1788 : vector<16xi32>
      %jit3A_1790 = arith.constant 14 : i32
      %broadcast_in_dim3A_1791 = vector.broadcast %jit3A_1790 : i32 to vector<16xi32>
      %select_n3A_1792 = arith.select %ge3A_1789, %broadcast_in_dim3A_1791, %select_n3A_1786 : vector<16xi1>, vector<16xi32>
      %ge3A_1793 = arith.constant 91 : i32
      %ge3A_1794 = vector.broadcast %ge3A_1793 : i32 to vector<16xi32>
      %ge3A_1795 = arith.cmpi sge, %abs3A, %ge3A_1794 : vector<16xi32>
      %jit3A_1796 = arith.constant 15 : i32
      %broadcast_in_dim3A_1797 = vector.broadcast %jit3A_1796 : i32 to vector<16xi32>
      %select_n3A_1798 = arith.select %ge3A_1795, %broadcast_in_dim3A_1797, %select_n3A_1792 : vector<16xi1>, vector<16xi32>
      %lt3A = arith.constant 8 : i32
      %lt3A_1799 = vector.broadcast %lt3A : i32 to vector<16xi32>
      %lt3A_1800 = arith.cmpi slt, %abs3A, %lt3A_1799 : vector<16xi32>
      %select_n3A_1801 = arith.select %lt3A_1800, %abs3A, %select_n3A_1798 : vector<16xi1>, vector<16xi32>
      %add3A_1802 = arith.constant 16 : i32
      %add3A_1803 = vector.broadcast %add3A_1802 : i32 to vector<16xi32>
      %add3A_1804 = arith.addi %select_n3A_1801, %add3A_1803 : vector<16xi32>
      %select_n3A_1805 = arith.select %gt3A_1757, %add3A_1804, %select_n3A_1801 : vector<16xi1>, vector<16xi32>
      %gather3A = tpu.vector_load_idx %arg4[%select_n3A_1805, %broadcast_in_dim3A] : memref<32x16xf32, #tpu.memory_space<vmem>>[vector<16xi32>, vector<16xi32>], vector<16xf32>,
      %add3A_1806 = arith.constant 768 : i32
      %add3A_1807 = arith.addi %add3A_1806, %scan3A_1747 : i32
      %mul3A_1808 = arith.constant 16 : i32
      %mul3A_1809 = arith.muli %add3A_1807, %mul3A_1808 : i32
      %swap3A = arith.index_cast %mul3A_1809 : i32 to index
      %swap3A_1810 = tpu.vector_load %arg5[%swap3A] {strides = array<i32>} : memref<16384xf32, #tpu.memory_space<vmem>>, vector<16xf32>,
      tpu.vector_store %arg5[%swap3A], %gather3A {strides = array<i32>} : memref<16384xf32, #tpu.memory_space<vmem>>, vector<16xf32>,
    }
    %scan3A_22 = arith.constant 256 : i32
    %mul3A = arith.constant 16 : i32
    %mul3A_23 = arith.muli %arg1, %mul3A : i32
    %add3A = arith.constant 0 : i32
    %add3A_24 = arith.addi %mul3A_23, %add3A : i32
    %mul3A_25 = arith.constant 8 : i32
    %mul3A_26 = arith.muli %add3A_24, %mul3A_25 : i32
    %mul3A_27 = arith.constant 4 : i32
    %mul3A_28 = arith.muli %mul3A_27, %arg0 : i32
    %add3A_29 = arith.addi %mul3A_26, %mul3A_28 : i32
    %add3A_30 = arith.constant 0 : i32
    %add3A_31 = arith.addi %add3A_29, %add3A_30 : i32
    %mul3A_32 = arith.constant 3968 : i32
    %mul3A_33 = arith.muli %add3A_31, %mul3A_32 : i32
    %dma_start3A = arith.constant 120 : i32
    %dma_start3A_34 = tpu.memref_slice %arg5[%dma_start3A] : memref<16384xf32, #tpu.memory_space<vmem>> -> memref<3968xf32, #tpu.memory_space<vmem>>
    %dma_start3A_35 = tpu.memref_slice %arg3[%mul3A_33] : memref<8126464xf32, #tpu.memory_space<hbm>> -> memref<3968xf32, #tpu.memory_space<hbm>>
    %dma_start3A_36 = tpu.memref_slice %arg3[%mul3A_33] : memref<8126464xf32, #tpu.memory_space<hbm>> -> memref<3968xf32, #tpu.memory_space<hbm>>
    %dma_start3A_37 = arith.constant 120 : i32
    %dma_start3A_38 = tpu.memref_slice %arg5[%dma_start3A_37] : memref<16384xf32, #tpu.memory_space<vmem>> -> memref<3968xf32, #tpu.memory_space<vmem>>
    tpu.enqueue_dma source(%dma_start3A_38 : memref<3968xf32, #tpu.memory_space<vmem>>) target(%dma_start3A_36 : memref<3968xf32, #tpu.memory_space<hbm>>) target_semaphore(%arg6 : memref<!tpu.dma_semaphore, #tpu.memory_space<semaphore_mem>>)
    %mul3A_39 = arith.constant 16 : i32
    %mul3A_40 = arith.muli %arg1, %mul3A_39 : i32
    %add3A_41 = arith.constant 1 : i32
    %add3A_42 = arith.addi %mul3A_40, %add3A_41 : i32
    %mul3A_43 = arith.constant 8 : i32
    %mul3A_44 = arith.muli %add3A_42, %mul3A_43 : i32
    %mul3A_45 = arith.constant 4 : i32
    %mul3A_46 = arith.muli %mul3A_45, %arg0 : i32
    %add3A_47 = arith.addi %mul3A_44, %mul3A_46 : i32
    %add3A_48 = arith.constant 0 : i32
    %add3A_49 = arith.addi %add3A_47, %add3A_48 : i32
    %mul3A_50 = arith.constant 3968 : i32
    %mul3A_51 = arith.muli %add3A_49, %mul3A_50 : i32
    %dma_start3A_52 = arith.constant 112 : i32
    %dma_start3A_53 = tpu.memref_slice %arg5[%dma_start3A_52] : memref<16384xf32, #tpu.memory_space<vmem>> -> memref<3968xf32, #tpu.memory_space<vmem>>
    %dma_start3A_54 = tpu.memref_slice %arg3[%mul3A_51] : memref<8126464xf32, #tpu.memory_space<hbm>> -> memref<3968xf32, #tpu.memory_space<hbm>>
    %dma_start3A_55 = tpu.memref_slice %arg3[%mul3A_51] : memref<8126464xf32, #tpu.memory_space<hbm>> -> memref<3968xf32, #tpu.memory_space<hbm>>
    %dma_start3A_56 = arith.constant 112 : i32
    %dma_start3A_57 = tpu.memref_slice %arg5[%dma_start3A_56] : memref<16384xf32, #tpu.memory_space<vmem>> -> memref<3968xf32, #tpu.memory_space<vmem>>
    tpu.enqueue_dma source(%dma_start3A_57 : memref<3968xf32, #tpu.memory_space<vmem>>) target(%dma_start3A_55 : memref<3968xf32, #tpu.memory_space<hbm>>) target_semaphore(%arg6 : memref<!tpu.dma_semaphore, #tpu.memory_space<semaphore_mem>>)
    %mul3A_58 = arith.constant 16 : i32
    %mul3A_59 = arith.muli %arg1, %mul3A_58 : i32
    %add3A_60 = arith.constant 2 : i32
    %add3A_61 = arith.addi %mul3A_59, %add3A_60 : i32
    %mul3A_62 = arith.constant 8 : i32
    %mul3A_63 = arith.muli %add3A_61, %mul3A_62 : i32
    %mul3A_64 = arith.constant 4 : i32
    %mul3A_65 = arith.muli %mul3A_64, %arg0 : i32
    %add3A_66 = arith.addi %mul3A_63, %mul3A_65 : i32
    %add3A_67 = arith.constant 0 : i32
    %add3A_68 = arith.addi %add3A_66, %add3A_67 : i32
    %mul3A_69 = arith.constant 3968 : i32
    %mul3A_70 = arith.muli %add3A_68, %mul3A_69 : i32
    %dma_start3A_71 = arith.constant 104 : i32
    %dma_start3A_72 = tpu.memref_slice %arg5[%dma_start3A_71] : memref<16384xf32, #tpu.memory_space<vmem>> -> memref<3968xf32, #tpu.memory_space<vmem>>
    %dma_start3A_73 = tpu.memref_slice %arg3[%mul3A_70] : memref<8126464xf32, #tpu.memory_space<hbm>> -> memref<3968xf32, #tpu.memory_space<hbm>>
    %dma_start3A_74 = tpu.memref_slice %arg3[%mul3A_70] : memref<8126464xf32, #tpu.memory_space<hbm>> -> memref<3968xf32, #tpu.memory_space<hbm>>
    %dma_start3A_75 = arith.constant 104 : i32
    %dma_start3A_76 = tpu.memref_slice %arg5[%dma_start3A_75] : memref<16384xf32, #tpu.memory_space<vmem>> -> memref<3968xf32, #tpu.memory_space<vmem>>
    tpu.enqueue_dma source(%dma_start3A_76 : memref<3968xf32, #tpu.memory_space<vmem>>) target(%dma_start3A_74 : memref<3968xf32, #tpu.memory_space<hbm>>) target_semaphore(%arg6 : memref<!tpu.dma_semaphore, #tpu.memory_space<semaphore_mem>>)
    %mul3A_77 = arith.constant 16 : i32
    %mul3A_78 = arith.muli %arg1, %mul3A_77 : i32
    %add3A_79 = arith.constant 3 : i32
    %add3A_80 = arith.addi %mul3A_78, %add3A_79 : i32
    %mul3A_81 = arith.constant 8 : i32
    %mul3A_82 = arith.muli %add3A_80, %mul3A_81 : i32
    %mul3A_83 = arith.constant 4 : i32
    %mul3A_84 = arith.muli %mul3A_83, %arg0 : i32
    %add3A_85 = arith.addi %mul3A_82, %mul3A_84 : i32
    %add3A_86 = arith.constant 0 : i32
    %add3A_87 = arith.addi %add3A_85, %add3A_86 : i32
    %mul3A_88 = arith.constant 3968 : i32
    %mul3A_89 = arith.muli %add3A_87, %mul3A_88 : i32
    %dma_start3A_90 = arith.constant 96 : i32
    %dma_start3A_91 = tpu.memref_slice %arg5[%dma_start3A_90] : memref<16384xf32, #tpu.memory_space<vmem>> -> memref<3968xf32, #tpu.memory_space<vmem>>
    %dma_start3A_92 = tpu.memref_slice %arg3[%mul3A_89] : memref<8126464xf32, #tpu.memory_space<hbm>> -> memref<3968xf32, #tpu.memory_space<hbm>>
    %dma_start3A_93 = tpu.memref_slice %arg3[%mul3A_89] : memref<8126464xf32, #tpu.memory_space<hbm>> -> memref<3968xf32, #tpu.memory_space<hbm>>
    %dma_start3A_94 = arith.constant 96 : i32
    %dma_start3A_95 = tpu.memref_slice %arg5[%dma_start3A_94] : memref<16384xf32, #tpu.memory_space<vmem>> -> memref<3968xf32, #tpu.memory_space<vmem>>
    tpu.enqueue_dma source(%dma_start3A_95 : memref<3968xf32, #tpu.memory_space<vmem>>) target(%dma_start3A_93 : memref<3968xf32, #tpu.memory_space<hbm>>) target_semaphore(%arg6 : memref<!tpu.dma_semaphore, #tpu.memory_space<semaphore_mem>>)
    %mul3A_96 = arith.constant 16 : i32
    %mul3A_97 = arith.muli %arg1, %mul3A_96 : i32
    %add3A_98 = arith.constant 4 : i32
    %add3A_99 = arith.addi %mul3A_97, %add3A_98 : i32
    %mul3A_100 = arith.constant 8 : i32
    %mul3A_101 = arith.muli %add3A_99, %mul3A_100 : i32
    %mul3A_102 = arith.constant 4 : i32
    %mul3A_103 = arith.muli %mul3A_102, %arg0 : i32
    %add3A_104 = arith.addi %mul3A_101, %mul3A_103 : i32
    %add3A_105 = arith.constant 0 : i32
    %add3A_106 = arith.addi %add3A_104, %add3A_105 : i32
    %mul3A_107 = arith.constant 3968 : i32
    %mul3A_108 = arith.muli %add3A_106, %mul3A_107 : i32
    %dma_start3A_109 = arith.constant 88 : i32
    %dma_start3A_110 = tpu.memref_slice %arg5[%dma_start3A_109] : memref<16384xf32, #tpu.memory_space<vmem>> -> memref<3968xf32, #tpu.memory_space<vmem>>
    %dma_start3A_111 = tpu.memref_slice %arg3[%mul3A_108] : memref<8126464xf32, #tpu.memory_space<hbm>> -> memref<3968xf32, #tpu.memory_space<hbm>>
    %dma_start3A_112 = tpu.memref_slice %arg3[%mul3A_108] : memref<8126464xf32, #tpu.memory_space<hbm>> -> memref<3968xf32, #tpu.memory_space<hbm>>
    %dma_start3A_113 = arith.constant 88 : i32
    %dma_start3A_114 = tpu.memref_slice %arg5[%dma_start3A_113] : memref<16384xf32, #tpu.memory_space<vmem>> -> memref<3968xf32, #tpu.memory_space<vmem>>
    tpu.enqueue_dma source(%dma_start3A_114 : memref<3968xf32, #tpu.memory_space<vmem>>) target(%dma_start3A_112 : memref<3968xf32, #tpu.memory_space<hbm>>) target_semaphore(%arg6 : memref<!tpu.dma_semaphore, #tpu.memory_space<semaphore_mem>>)
    %mul3A_115 = arith.constant 16 : i32
    %mul3A_116 = arith.muli %arg1, %mul3A_115 : i32
    %add3A_117 = arith.constant 5 : i32
    %add3A_118 = arith.addi %mul3A_116, %add3A_117 : i32
    %mul3A_119 = arith.constant 8 : i32
    %mul3A_120 = arith.muli %add3A_118, %mul3A_119 : i32
    %mul3A_121 = arith.constant 4 : i32
    %mul3A_122 = arith.muli %mul3A_121, %arg0 : i32
    %add3A_123 = arith.addi %mul3A_120, %mul3A_122 : i32
    %add3A_124 = arith.constant 0 : i32
    %add3A_125 = arith.addi %add3A_123, %add3A_124 : i32
    %mul3A_126 = arith.constant 3968 : i32
    %mul3A_127 = arith.muli %add3A_125, %mul3A_126 : i32
    %dma_start3A_128 = arith.constant 80 : i32
    %dma_start3A_129 = tpu.memref_slice %arg5[%dma_start3A_128] : memref<16384xf32, #tpu.memory_space<vmem>> -> memref<3968xf32, #tpu.memory_space<vmem>>
    %dma_start3A_130 = tpu.memref_slice %arg3[%mul3A_127] : memref<8126464xf32, #tpu.memory_space<hbm>> -> memref<3968xf32, #tpu.memory_space<hbm>>
    %dma_start3A_131 = tpu.memref_slice %arg3[%mul3A_127] : memref<8126464xf32, #tpu.memory_space<hbm>> -> memref<3968xf32, #tpu.memory_space<hbm>>
    %dma_start3A_132 = arith.constant 80 : i32
    %dma_start3A_133 = tpu.memref_slice %arg5[%dma_start3A_132] : memref<16384xf32, #tpu.memory_space<vmem>> -> memref<3968xf32, #tpu.memory_space<vmem>>
    tpu.enqueue_dma source(%dma_start3A_133 : memref<3968xf32, #tpu.memory_space<vmem>>) target(%dma_start3A_131 : memref<3968xf32, #tpu.memory_space<hbm>>) target_semaphore(%arg6 : memref<!tpu.dma_semaphore, #tpu.memory_space<semaphore_mem>>)
    %mul3A_134 = arith.constant 16 : i32
    %mul3A_135 = arith.muli %arg1, %mul3A_134 : i32
    %add3A_136 = arith.constant 6 : i32
    %add3A_137 = arith.addi %mul3A_135, %add3A_136 : i32
    %mul3A_138 = arith.constant 8 : i32
    %mul3A_139 = arith.muli %add3A_137, %mul3A_138 : i32
    %mul3A_140 = arith.constant 4 : i32
    %mul3A_141 = arith.muli %mul3A_140, %arg0 : i32
    %add3A_142 = arith.addi %mul3A_139, %mul3A_141 : i32
    %add3A_143 = arith.constant 0 : i32
    %add3A_144 = arith.addi %add3A_142, %add3A_143 : i32
    %mul3A_145 = arith.constant 3968 : i32
    %mul3A_146 = arith.muli %add3A_144, %mul3A_145 : i32
    %dma_start3A_147 = arith.constant 72 : i32
    %dma_start3A_148 = tpu.memref_slice %arg5[%dma_start3A_147] : memref<16384xf32, #tpu.memory_space<vmem>> -> memref<3968xf32, #tpu.memory_space<vmem>>
    %dma_start3A_149 = tpu.memref_slice %arg3[%mul3A_146] : memref<8126464xf32, #tpu.memory_space<hbm>> -> memref<3968xf32, #tpu.memory_space<hbm>>
    %dma_start3A_150 = tpu.memref_slice %arg3[%mul3A_146] : memref<8126464xf32, #tpu.memory_space<hbm>> -> memref<3968xf32, #tpu.memory_space<hbm>>
    %dma_start3A_151 = arith.constant 72 : i32
    %dma_start3A_152 = tpu.memref_slice %arg5[%dma_start3A_151] : memref<16384xf32, #tpu.memory_space<vmem>> -> memref<3968xf32, #tpu.memory_space<vmem>>
    tpu.enqueue_dma source(%dma_start3A_152 : memref<3968xf32, #tpu.memory_space<vmem>>) target(%dma_start3A_150 : memref<3968xf32, #tpu.memory_space<hbm>>) target_semaphore(%arg6 : memref<!tpu.dma_semaphore, #tpu.memory_space<semaphore_mem>>)
    %mul3A_153 = arith.constant 16 : i32
    %mul3A_154 = arith.muli %arg1, %mul3A_153 : i32
    %add3A_155 = arith.constant 7 : i32
    %add3A_156 = arith.addi %mul3A_154, %add3A_155 : i32
    %mul3A_157 = arith.constant 8 : i32
    %mul3A_158 = arith.muli %add3A_156, %mul3A_157 : i32
    %mul3A_159 = arith.constant 4 : i32
    %mul3A_160 = arith.muli %mul3A_159, %arg0 : i32
    %add3A_161 = arith.addi %mul3A_158, %mul3A_160 : i32
    %add3A_162 = arith.constant 0 : i32
    %add3A_163 = arith.addi %add3A_161, %add3A_162 : i32
    %mul3A_164 = arith.constant 3968 : i32
    %mul3A_165 = arith.muli %add3A_163, %mul3A_164 : i32
    %dma_start3A_166 = arith.constant 64 : i32
    %dma_start3A_167 = tpu.memref_slice %arg5[%dma_start3A_166] : memref<16384xf32, #tpu.memory_space<vmem>> -> memref<3968xf32, #tpu.memory_space<vmem>>
    %dma_start3A_168 = tpu.memref_slice %arg3[%mul3A_165] : memref<8126464xf32, #tpu.memory_space<hbm>> -> memref<3968xf32, #tpu.memory_space<hbm>>
    %dma_start3A_169 = tpu.memref_slice %arg3[%mul3A_165] : memref<8126464xf32, #tpu.memory_space<hbm>> -> memref<3968xf32, #tpu.memory_space<hbm>>
    %dma_start3A_170 = arith.constant 64 : i32
    %dma_start3A_171 = tpu.memref_slice %arg5[%dma_start3A_170] : memref<16384xf32, #tpu.memory_space<vmem>> -> memref<3968xf32, #tpu.memory_space<vmem>>
    tpu.enqueue_dma source(%dma_start3A_171 : memref<3968xf32, #tpu.memory_space<vmem>>) target(%dma_start3A_169 : memref<3968xf32, #tpu.memory_space<hbm>>) target_semaphore(%arg6 : memref<!tpu.dma_semaphore, #tpu.memory_space<semaphore_mem>>)
    %mul3A_172 = arith.constant 16 : i32
    %mul3A_173 = arith.muli %arg1, %mul3A_172 : i32
    %add3A_174 = arith.constant 8 : i32
    %add3A_175 = arith.addi %mul3A_173, %add3A_174 : i32
    %mul3A_176 = arith.constant 8 : i32
    %mul3A_177 = arith.muli %add3A_175, %mul3A_176 : i32
    %mul3A_178 = arith.constant 4 : i32
    %mul3A_179 = arith.muli %mul3A_178, %arg0 : i32
    %add3A_180 = arith.addi %mul3A_177, %mul3A_179 : i32
    %add3A_181 = arith.constant 0 : i32
    %add3A_182 = arith.addi %add3A_180, %add3A_181 : i32
    %mul3A_183 = arith.constant 3968 : i32
    %mul3A_184 = arith.muli %add3A_182, %mul3A_183 : i32
    %dma_start3A_185 = arith.constant 56 : i32
    %dma_start3A_186 = tpu.memref_slice %arg5[%dma_start3A_185] : memref<16384xf32, #tpu.memory_space<vmem>> -> memref<3968xf32, #tpu.memory_space<vmem>>
    %dma_start3A_187 = tpu.memref_slice %arg3[%mul3A_184] : memref<8126464xf32, #tpu.memory_space<hbm>> -> memref<3968xf32, #tpu.memory_space<hbm>>
    %dma_start3A_188 = tpu.memref_slice %arg3[%mul3A_184] : memref<8126464xf32, #tpu.memory_space<hbm>> -> memref<3968xf32, #tpu.memory_space<hbm>>
    %dma_start3A_189 = arith.constant 56 : i32
    %dma_start3A_190 = tpu.memref_slice %arg5[%dma_start3A_189] : memref<16384xf32, #tpu.memory_space<vmem>> -> memref<3968xf32, #tpu.memory_space<vmem>>
    tpu.enqueue_dma source(%dma_start3A_190 : memref<3968xf32, #tpu.memory_space<vmem>>) target(%dma_start3A_188 : memref<3968xf32, #tpu.memory_space<hbm>>) target_semaphore(%arg6 : memref<!tpu.dma_semaphore, #tpu.memory_space<semaphore_mem>>)
    %mul3A_191 = arith.constant 16 : i32
    %mul3A_192 = arith.muli %arg1, %mul3A_191 : i32
    %add3A_193 = arith.constant 9 : i32
    %add3A_194 = arith.addi %mul3A_192, %add3A_193 : i32
    %mul3A_195 = arith.constant 8 : i32
    %mul3A_196 = arith.muli %add3A_194, %mul3A_195 : i32
    %mul3A_197 = arith.constant 4 : i32
    %mul3A_198 = arith.muli %mul3A_197, %arg0 : i32
    %add3A_199 = arith.addi %mul3A_196, %mul3A_198 : i32
    %add3A_200 = arith.constant 0 : i32
    %add3A_201 = arith.addi %add3A_199, %add3A_200 : i32
    %mul3A_202 = arith.constant 3968 : i32
    %mul3A_203 = arith.muli %add3A_201, %mul3A_202 : i32
    %dma_start3A_204 = arith.constant 48 : i32
    %dma_start3A_205 = tpu.memref_slice %arg5[%dma_start3A_204] : memref<16384xf32, #tpu.memory_space<vmem>> -> memref<3968xf32, #tpu.memory_space<vmem>>
    %dma_start3A_206 = tpu.memref_slice %arg3[%mul3A_203] : memref<8126464xf32, #tpu.memory_space<hbm>> -> memref<3968xf32, #tpu.memory_space<hbm>>
    %dma_start3A_207 = tpu.memref_slice %arg3[%mul3A_203] : memref<8126464xf32, #tpu.memory_space<hbm>> -> memref<3968xf32, #tpu.memory_space<hbm>>
    %dma_start3A_208 = arith.constant 48 : i32
    %dma_start3A_209 = tpu.memref_slice %arg5[%dma_start3A_208] : memref<16384xf32, #tpu.memory_space<vmem>> -> memref<3968xf32, #tpu.memory_space<vmem>>
    tpu.enqueue_dma source(%dma_start3A_209 : memref<3968xf32, #tpu.memory_space<vmem>>) target(%dma_start3A_207 : memref<3968xf32, #tpu.memory_space<hbm>>) target_semaphore(%arg6 : memref<!tpu.dma_semaphore, #tpu.memory_space<semaphore_mem>>)
    %mul3A_210 = arith.constant 16 : i32
    %mul3A_211 = arith.muli %arg1, %mul3A_210 : i32
    %add3A_212 = arith.constant 10 : i32
    %add3A_213 = arith.addi %mul3A_211, %add3A_212 : i32
    %mul3A_214 = arith.constant 8 : i32
    %mul3A_215 = arith.muli %add3A_213, %mul3A_214 : i32
    %mul3A_216 = arith.constant 4 : i32
    %mul3A_217 = arith.muli %mul3A_216, %arg0 : i32
    %add3A_218 = arith.addi %mul3A_215, %mul3A_217 : i32
    %add3A_219 = arith.constant 0 : i32
    %add3A_220 = arith.addi %add3A_218, %add3A_219 : i32
    %mul3A_221 = arith.constant 3968 : i32
    %mul3A_222 = arith.muli %add3A_220, %mul3A_221 : i32
    %dma_start3A_223 = arith.constant 40 : i32
    %dma_start3A_224 = tpu.memref_slice %arg5[%dma_start3A_223] : memref<16384xf32, #tpu.memory_space<vmem>> -> memref<3968xf32, #tpu.memory_space<vmem>>
    %dma_start3A_225 = tpu.memref_slice %arg3[%mul3A_222] : memref<8126464xf32, #tpu.memory_space<hbm>> -> memref<3968xf32, #tpu.memory_space<hbm>>
    %dma_start3A_226 = tpu.memref_slice %arg3[%mul3A_222] : memref<8126464xf32, #tpu.memory_space<hbm>> -> memref<3968xf32, #tpu.memory_space<hbm>>
    %dma_start3A_227 = arith.constant 40 : i32
    %dma_start3A_228 = tpu.memref_slice %arg5[%dma_start3A_227] : memref<16384xf32, #tpu.memory_space<vmem>> -> memref<3968xf32, #tpu.memory_space<vmem>>
    tpu.enqueue_dma source(%dma_start3A_228 : memref<3968xf32, #tpu.memory_space<vmem>>) target(%dma_start3A_226 : memref<3968xf32, #tpu.memory_space<hbm>>) target_semaphore(%arg6 : memref<!tpu.dma_semaphore, #tpu.memory_space<semaphore_mem>>)
    %mul3A_229 = arith.constant 16 : i32
    %mul3A_230 = arith.muli %arg1, %mul3A_229 : i32
    %add3A_231 = arith.constant 11 : i32
    %add3A_232 = arith.addi %mul3A_230, %add3A_231 : i32
    %mul3A_233 = arith.constant 8 : i32
    %mul3A_234 = arith.muli %add3A_232, %mul3A_233 : i32
    %mul3A_235 = arith.constant 4 : i32
    %mul3A_236 = arith.muli %mul3A_235, %arg0 : i32
    %add3A_237 = arith.addi %mul3A_234, %mul3A_236 : i32
    %add3A_238 = arith.constant 0 : i32
    %add3A_239 = arith.addi %add3A_237, %add3A_238 : i32
    %mul3A_240 = arith.constant 3968 : i32
    %mul3A_241 = arith.muli %add3A_239, %mul3A_240 : i32
    %dma_start3A_242 = arith.constant 32 : i32
    %dma_start3A_243 = tpu.memref_slice %arg5[%dma_start3A_242] : memref<16384xf32, #tpu.memory_space<vmem>> -> memref<3968xf32, #tpu.memory_space<vmem>>
    %dma_start3A_244 = tpu.memref_slice %arg3[%mul3A_241] : memref<8126464xf32, #tpu.memory_space<hbm>> -> memref<3968xf32, #tpu.memory_space<hbm>>
    %dma_start3A_245 = tpu.memref_slice %arg3[%mul3A_241] : memref<8126464xf32, #tpu.memory_space<hbm>> -> memref<3968xf32, #tpu.memory_space<hbm>>
    %dma_start3A_246 = arith.constant 32 : i32
    %dma_start3A_247 = tpu.memref_slice %arg5[%dma_start3A_246] : memref<16384xf32, #tpu.memory_space<vmem>> -> memref<3968xf32, #tpu.memory_space<vmem>>
    tpu.enqueue_dma source(%dma_start3A_247 : memref<3968xf32, #tpu.memory_space<vmem>>) target(%dma_start3A_245 : memref<3968xf32, #tpu.memory_space<hbm>>) target_semaphore(%arg6 : memref<!tpu.dma_semaphore, #tpu.memory_space<semaphore_mem>>)
    %mul3A_248 = arith.constant 16 : i32
    %mul3A_249 = arith.muli %arg1, %mul3A_248 : i32
    %add3A_250 = arith.constant 12 : i32
    %add3A_251 = arith.addi %mul3A_249, %add3A_250 : i32
    %mul3A_252 = arith.constant 8 : i32
    %mul3A_253 = arith.muli %add3A_251, %mul3A_252 : i32
    %mul3A_254 = arith.constant 4 : i32
    %mul3A_255 = arith.muli %mul3A_254, %arg0 : i32
    %add3A_256 = arith.addi %mul3A_253, %mul3A_255 : i32
    %add3A_257 = arith.constant 0 : i32
    %add3A_258 = arith.addi %add3A_256, %add3A_257 : i32
    %mul3A_259 = arith.constant 3968 : i32
    %mul3A_260 = arith.muli %add3A_258, %mul3A_259 : i32
    %dma_start3A_261 = arith.constant 24 : i32
    %dma_start3A_262 = tpu.memref_slice %arg5[%dma_start3A_261] : memref<16384xf32, #tpu.memory_space<vmem>> -> memref<3968xf32, #tpu.memory_space<vmem>>
    %dma_start3A_263 = tpu.memref_slice %arg3[%mul3A_260] : memref<8126464xf32, #tpu.memory_space<hbm>> -> memref<3968xf32, #tpu.memory_space<hbm>>
    %dma_start3A_264 = tpu.memref_slice %arg3[%mul3A_260] : memref<8126464xf32, #tpu.memory_space<hbm>> -> memref<3968xf32, #tpu.memory_space<hbm>>
    %dma_start3A_265 = arith.constant 24 : i32
    %dma_start3A_266 = tpu.memref_slice %arg5[%dma_start3A_265] : memref<16384xf32, #tpu.memory_space<vmem>> -> memref<3968xf32, #tpu.memory_space<vmem>>
    tpu.enqueue_dma source(%dma_start3A_266 : memref<3968xf32, #tpu.memory_space<vmem>>) target(%dma_start3A_264 : memref<3968xf32, #tpu.memory_space<hbm>>) target_semaphore(%arg6 : memref<!tpu.dma_semaphore, #tpu.memory_space<semaphore_mem>>)
    %mul3A_267 = arith.constant 16 : i32
    %mul3A_268 = arith.muli %arg1, %mul3A_267 : i32
    %add3A_269 = arith.constant 13 : i32
    %add3A_270 = arith.addi %mul3A_268, %add3A_269 : i32
    %mul3A_271 = arith.constant 8 : i32
    %mul3A_272 = arith.muli %add3A_270, %mul3A_271 : i32
    %mul3A_273 = arith.constant 4 : i32
    %mul3A_274 = arith.muli %mul3A_273, %arg0 : i32
    %add3A_275 = arith.addi %mul3A_272, %mul3A_274 : i32
    %add3A_276 = arith.constant 0 : i32
    %add3A_277 = arith.addi %add3A_275, %add3A_276 : i32
    %mul3A_278 = arith.constant 3968 : i32
    %mul3A_279 = arith.muli %add3A_277, %mul3A_278 : i32
    %dma_start3A_280 = arith.constant 16 : i32
    %dma_start3A_281 = tpu.memref_slice %arg5[%dma_start3A_280] : memref<16384xf32, #tpu.memory_space<vmem>> -> memref<3968xf32, #tpu.memory_space<vmem>>
    %dma_start3A_282 = tpu.memref_slice %arg3[%mul3A_279] : memref<8126464xf32, #tpu.memory_space<hbm>> -> memref<3968xf32, #tpu.memory_space<hbm>>
    %dma_start3A_283 = tpu.memref_slice %arg3[%mul3A_279] : memref<8126464xf32, #tpu.memory_space<hbm>> -> memref<3968xf32, #tpu.memory_space<hbm>>
    %dma_start3A_284 = arith.constant 16 : i32
    %dma_start3A_285 = tpu.memref_slice %arg5[%dma_start3A_284] : memref<16384xf32, #tpu.memory_space<vmem>> -> memref<3968xf32, #tpu.memory_space<vmem>>
    tpu.enqueue_dma source(%dma_start3A_285 : memref<3968xf32, #tpu.memory_space<vmem>>) target(%dma_start3A_283 : memref<3968xf32, #tpu.memory_space<hbm>>) target_semaphore(%arg6 : memref<!tpu.dma_semaphore, #tpu.memory_space<semaphore_mem>>)
    %mul3A_286 = arith.constant 16 : i32
    %mul3A_287 = arith.muli %arg1, %mul3A_286 : i32
    %add3A_288 = arith.constant 14 : i32
    %add3A_289 = arith.addi %mul3A_287, %add3A_288 : i32
    %mul3A_290 = arith.constant 8 : i32
    %mul3A_291 = arith.muli %add3A_289, %mul3A_290 : i32
    %mul3A_292 = arith.constant 4 : i32
    %mul3A_293 = arith.muli %mul3A_292, %arg0 : i32
    %add3A_294 = arith.addi %mul3A_291, %mul3A_293 : i32
    %add3A_295 = arith.constant 0 : i32
    %add3A_296 = arith.addi %add3A_294, %add3A_295 : i32
    %mul3A_297 = arith.constant 3968 : i32
    %mul3A_298 = arith.muli %add3A_296, %mul3A_297 : i32
    %dma_start3A_299 = arith.constant 8 : i32
    %dma_start3A_300 = tpu.memref_slice %arg5[%dma_start3A_299] : memref<16384xf32, #tpu.memory_space<vmem>> -> memref<3968xf32, #tpu.memory_space<vmem>>
    %dma_start3A_301 = tpu.memref_slice %arg3[%mul3A_298] : memref<8126464xf32, #tpu.memory_space<hbm>> -> memref<3968xf32, #tpu.memory_space<hbm>>
    %dma_start3A_302 = tpu.memref_slice %arg3[%mul3A_298] : memref<8126464xf32, #tpu.memory_space<hbm>> -> memref<3968xf32, #tpu.memory_space<hbm>>
    %dma_start3A_303 = arith.constant 8 : i32
    %dma_start3A_304 = tpu.memref_slice %arg5[%dma_start3A_303] : memref<16384xf32, #tpu.memory_space<vmem>> -> memref<3968xf32, #tpu.memory_space<vmem>>
    tpu.enqueue_dma source(%dma_start3A_304 : memref<3968xf32, #tpu.memory_space<vmem>>) target(%dma_start3A_302 : memref<3968xf32, #tpu.memory_space<hbm>>) target_semaphore(%arg6 : memref<!tpu.dma_semaphore, #tpu.memory_space<semaphore_mem>>)
    %mul3A_305 = arith.constant 16 : i32
    %mul3A_306 = arith.muli %arg1, %mul3A_305 : i32
    %add3A_307 = arith.constant 15 : i32
    %add3A_308 = arith.addi %mul3A_306, %add3A_307 : i32
    %mul3A_309 = arith.constant 8 : i32
    %mul3A_310 = arith.muli %add3A_308, %mul3A_309 : i32
    %mul3A_311 = arith.constant 4 : i32
    %mul3A_312 = arith.muli %mul3A_311, %arg0 : i32
    %add3A_313 = arith.addi %mul3A_310, %mul3A_312 : i32
    %add3A_314 = arith.constant 0 : i32
    %add3A_315 = arith.addi %add3A_313, %add3A_314 : i32
    %mul3A_316 = arith.constant 3968 : i32
    %mul3A_317 = arith.muli %add3A_315, %mul3A_316 : i32
    %dma_start3A_318 = arith.constant 0 : i32
    %dma_start3A_319 = tpu.memref_slice %arg5[%dma_start3A_318] : memref<16384xf32, #tpu.memory_space<vmem>> -> memref<3968xf32, #tpu.memory_space<vmem>>
    %dma_start3A_320 = tpu.memref_slice %arg3[%mul3A_317] : memref<8126464xf32, #tpu.memory_space<hbm>> -> memref<3968xf32, #tpu.memory_space<hbm>>
    %dma_start3A_321 = tpu.memref_slice %arg3[%mul3A_317] : memref<8126464xf32, #tpu.memory_space<hbm>> -> memref<3968xf32, #tpu.memory_space<hbm>>
    %dma_start3A_322 = arith.constant 0 : i32
    %dma_start3A_323 = tpu.memref_slice %arg5[%dma_start3A_322] : memref<16384xf32, #tpu.memory_space<vmem>> -> memref<3968xf32, #tpu.memory_space<vmem>>
    tpu.enqueue_dma source(%dma_start3A_323 : memref<3968xf32, #tpu.memory_space<vmem>>) target(%dma_start3A_321 : memref<3968xf32, #tpu.memory_space<hbm>>) target_semaphore(%arg6 : memref<!tpu.dma_semaphore, #tpu.memory_space<semaphore_mem>>)
    %mul3A_324 = arith.constant 16 : i32
    %mul3A_325 = arith.muli %arg1, %mul3A_324 : i32
    %add3A_326 = arith.constant 0 : i32
    %add3A_327 = arith.addi %mul3A_325, %add3A_326 : i32
    %mul3A_328 = arith.constant 8 : i32
    %mul3A_329 = arith.muli %add3A_327, %mul3A_328 : i32
    %mul3A_330 = arith.constant 4 : i32
    %mul3A_331 = arith.muli %mul3A_330, %arg0 : i32
    %add3A_332 = arith.addi %mul3A_329, %mul3A_331 : i32
    %add3A_333 = arith.constant 1 : i32
    %add3A_334 = arith.addi %add3A_332, %add3A_333 : i32
    %mul3A_335 = arith.constant 3968 : i32
    %mul3A_336 = arith.muli %add3A_334, %mul3A_335 : i32
    %dma_start3A_337 = arith.constant 4216 : i32
    %dma_start3A_338 = tpu.memref_slice %arg5[%dma_start3A_337] : memref<16384xf32, #tpu.memory_space<vmem>> -> memref<3968xf32, #tpu.memory_space<vmem>>
    %dma_start3A_339 = tpu.memref_slice %arg3[%mul3A_336] : memref<8126464xf32, #tpu.memory_space<hbm>> -> memref<3968xf32, #tpu.memory_space<hbm>>
    %dma_start3A_340 = tpu.memref_slice %arg3[%mul3A_336] : memref<8126464xf32, #tpu.memory_space<hbm>> -> memref<3968xf32, #tpu.memory_space<hbm>>
    %dma_start3A_341 = arith.constant 4216 : i32
    %dma_start3A_342 = tpu.memref_slice %arg5[%dma_start3A_341] : memref<16384xf32, #tpu.memory_space<vmem>> -> memref<3968xf32, #tpu.memory_space<vmem>>
    tpu.enqueue_dma source(%dma_start3A_342 : memref<3968xf32, #tpu.memory_space<vmem>>) target(%dma_start3A_340 : memref<3968xf32, #tpu.memory_space<hbm>>) target_semaphore(%arg6 : memref<!tpu.dma_semaphore, #tpu.memory_space<semaphore_mem>>)
    %mul3A_343 = arith.constant 16 : i32
    %mul3A_344 = arith.muli %arg1, %mul3A_343 : i32
    %add3A_345 = arith.constant 1 : i32
    %add3A_346 = arith.addi %mul3A_344, %add3A_345 : i32
    %mul3A_347 = arith.constant 8 : i32
    %mul3A_348 = arith.muli %add3A_346, %mul3A_347 : i32
    %mul3A_349 = arith.constant 4 : i32
    %mul3A_350 = arith.muli %mul3A_349, %arg0 : i32
    %add3A_351 = arith.addi %mul3A_348, %mul3A_350 : i32
    %add3A_352 = arith.constant 1 : i32
    %add3A_353 = arith.addi %add3A_351, %add3A_352 : i32
    %mul3A_354 = arith.constant 3968 : i32
    %mul3A_355 = arith.muli %add3A_353, %mul3A_354 : i32
    %dma_start3A_356 = arith.constant 4208 : i32
    %dma_start3A_357 = tpu.memref_slice %arg5[%dma_start3A_356] : memref<16384xf32, #tpu.memory_space<vmem>> -> memref<3968xf32, #tpu.memory_space<vmem>>
    %dma_start3A_358 = tpu.memref_slice %arg3[%mul3A_355] : memref<8126464xf32, #tpu.memory_space<hbm>> -> memref<3968xf32, #tpu.memory_space<hbm>>
    %dma_start3A_359 = tpu.memref_slice %arg3[%mul3A_355] : memref<8126464xf32, #tpu.memory_space<hbm>> -> memref<3968xf32, #tpu.memory_space<hbm>>
    %dma_start3A_360 = arith.constant 4208 : i32
    %dma_start3A_361 = tpu.memref_slice %arg5[%dma_start3A_360] : memref<16384xf32, #tpu.memory_space<vmem>> -> memref<3968xf32, #tpu.memory_space<vmem>>
    tpu.enqueue_dma source(%dma_start3A_361 : memref<3968xf32, #tpu.memory_space<vmem>>) target(%dma_start3A_359 : memref<3968xf32, #tpu.memory_space<hbm>>) target_semaphore(%arg6 : memref<!tpu.dma_semaphore, #tpu.memory_space<semaphore_mem>>)
    %mul3A_362 = arith.constant 16 : i32
    %mul3A_363 = arith.muli %arg1, %mul3A_362 : i32
    %add3A_364 = arith.constant 2 : i32
    %add3A_365 = arith.addi %mul3A_363, %add3A_364 : i32
    %mul3A_366 = arith.constant 8 : i32
    %mul3A_367 = arith.muli %add3A_365, %mul3A_366 : i32
    %mul3A_368 = arith.constant 4 : i32
    %mul3A_369 = arith.muli %mul3A_368, %arg0 : i32
    %add3A_370 = arith.addi %mul3A_367, %mul3A_369 : i32
    %add3A_371 = arith.constant 1 : i32
    %add3A_372 = arith.addi %add3A_370, %add3A_371 : i32
    %mul3A_373 = arith.constant 3968 : i32
    %mul3A_374 = arith.muli %add3A_372, %mul3A_373 : i32
    %dma_start3A_375 = arith.constant 4200 : i32
    %dma_start3A_376 = tpu.memref_slice %arg5[%dma_start3A_375] : memref<16384xf32, #tpu.memory_space<vmem>> -> memref<3968xf32, #tpu.memory_space<vmem>>
    %dma_start3A_377 = tpu.memref_slice %arg3[%mul3A_374] : memref<8126464xf32, #tpu.memory_space<hbm>> -> memref<3968xf32, #tpu.memory_space<hbm>>
    %dma_start3A_378 = tpu.memref_slice %arg3[%mul3A_374] : memref<8126464xf32, #tpu.memory_space<hbm>> -> memref<3968xf32, #tpu.memory_space<hbm>>
    %dma_start3A_379 = arith.constant 4200 : i32
    %dma_start3A_380 = tpu.memref_slice %arg5[%dma_start3A_379] : memref<16384xf32, #tpu.memory_space<vmem>> -> memref<3968xf32, #tpu.memory_space<vmem>>
    tpu.enqueue_dma source(%dma_start3A_380 : memref<3968xf32, #tpu.memory_space<vmem>>) target(%dma_start3A_378 : memref<3968xf32, #tpu.memory_space<hbm>>) target_semaphore(%arg6 : memref<!tpu.dma_semaphore, #tpu.memory_space<semaphore_mem>>)
    %mul3A_381 = arith.constant 16 : i32
    %mul3A_382 = arith.muli %arg1, %mul3A_381 : i32
    %add3A_383 = arith.constant 3 : i32
    %add3A_384 = arith.addi %mul3A_382, %add3A_383 : i32
    %mul3A_385 = arith.constant 8 : i32
    %mul3A_386 = arith.muli %add3A_384, %mul3A_385 : i32
    %mul3A_387 = arith.constant 4 : i32
    %mul3A_388 = arith.muli %mul3A_387, %arg0 : i32
    %add3A_389 = arith.addi %mul3A_386, %mul3A_388 : i32
    %add3A_390 = arith.constant 1 : i32
    %add3A_391 = arith.addi %add3A_389, %add3A_390 : i32
    %mul3A_392 = arith.constant 3968 : i32
    %mul3A_393 = arith.muli %add3A_391, %mul3A_392 : i32
    %dma_start3A_394 = arith.constant 4192 : i32
    %dma_start3A_395 = tpu.memref_slice %arg5[%dma_start3A_394] : memref<16384xf32, #tpu.memory_space<vmem>> -> memref<3968xf32, #tpu.memory_space<vmem>>
    %dma_start3A_396 = tpu.memref_slice %arg3[%mul3A_393] : memref<8126464xf32, #tpu.memory_space<hbm>> -> memref<3968xf32, #tpu.memory_space<hbm>>
    %dma_start3A_397 = tpu.memref_slice %arg3[%mul3A_393] : memref<8126464xf32, #tpu.memory_space<hbm>> -> memref<3968xf32, #tpu.memory_space<hbm>>
    %dma_start3A_398 = arith.constant 4192 : i32
    %dma_start3A_399 = tpu.memref_slice %arg5[%dma_start3A_398] : memref<16384xf32, #tpu.memory_space<vmem>> -> memref<3968xf32, #tpu.memory_space<vmem>>
    tpu.enqueue_dma source(%dma_start3A_399 : memref<3968xf32, #tpu.memory_space<vmem>>) target(%dma_start3A_397 : memref<3968xf32, #tpu.memory_space<hbm>>) target_semaphore(%arg6 : memref<!tpu.dma_semaphore, #tpu.memory_space<semaphore_mem>>)
    %mul3A_400 = arith.constant 16 : i32
    %mul3A_401 = arith.muli %arg1, %mul3A_400 : i32
    %add3A_402 = arith.constant 4 : i32
    %add3A_403 = arith.addi %mul3A_401, %add3A_402 : i32
    %mul3A_404 = arith.constant 8 : i32
    %mul3A_405 = arith.muli %add3A_403, %mul3A_404 : i32
    %mul3A_406 = arith.constant 4 : i32
    %mul3A_407 = arith.muli %mul3A_406, %arg0 : i32
    %add3A_408 = arith.addi %mul3A_405, %mul3A_407 : i32
    %add3A_409 = arith.constant 1 : i32
    %add3A_410 = arith.addi %add3A_408, %add3A_409 : i32
    %mul3A_411 = arith.constant 3968 : i32
    %mul3A_412 = arith.muli %add3A_410, %mul3A_411 : i32
    %dma_start3A_413 = arith.constant 4184 : i32
    %dma_start3A_414 = tpu.memref_slice %arg5[%dma_start3A_413] : memref<16384xf32, #tpu.memory_space<vmem>> -> memref<3968xf32, #tpu.memory_space<vmem>>
    %dma_start3A_415 = tpu.memref_slice %arg3[%mul3A_412] : memref<8126464xf32, #tpu.memory_space<hbm>> -> memref<3968xf32, #tpu.memory_space<hbm>>
    %dma_start3A_416 = tpu.memref_slice %arg3[%mul3A_412] : memref<8126464xf32, #tpu.memory_space<hbm>> -> memref<3968xf32, #tpu.memory_space<hbm>>
    %dma_start3A_417 = arith.constant 4184 : i32
    %dma_start3A_418 = tpu.memref_slice %arg5[%dma_start3A_417] : memref<16384xf32, #tpu.memory_space<vmem>> -> memref<3968xf32, #tpu.memory_space<vmem>>
    tpu.enqueue_dma source(%dma_start3A_418 : memref<3968xf32, #tpu.memory_space<vmem>>) target(%dma_start3A_416 : memref<3968xf32, #tpu.memory_space<hbm>>) target_semaphore(%arg6 : memref<!tpu.dma_semaphore, #tpu.memory_space<semaphore_mem>>)
    %mul3A_419 = arith.constant 16 : i32
    %mul3A_420 = arith.muli %arg1, %mul3A_419 : i32
    %add3A_421 = arith.constant 5 : i32
    %add3A_422 = arith.addi %mul3A_420, %add3A_421 : i32
    %mul3A_423 = arith.constant 8 : i32
    %mul3A_424 = arith.muli %add3A_422, %mul3A_423 : i32
    %mul3A_425 = arith.constant 4 : i32
    %mul3A_426 = arith.muli %mul3A_425, %arg0 : i32
    %add3A_427 = arith.addi %mul3A_424, %mul3A_426 : i32
    %add3A_428 = arith.constant 1 : i32
    %add3A_429 = arith.addi %add3A_427, %add3A_428 : i32
    %mul3A_430 = arith.constant 3968 : i32
    %mul3A_431 = arith.muli %add3A_429, %mul3A_430 : i32
    %dma_start3A_432 = arith.constant 4176 : i32
    %dma_start3A_433 = tpu.memref_slice %arg5[%dma_start3A_432] : memref<16384xf32, #tpu.memory_space<vmem>> -> memref<3968xf32, #tpu.memory_space<vmem>>
    %dma_start3A_434 = tpu.memref_slice %arg3[%mul3A_431] : memref<8126464xf32, #tpu.memory_space<hbm>> -> memref<3968xf32, #tpu.memory_space<hbm>>
    %dma_start3A_435 = tpu.memref_slice %arg3[%mul3A_431] : memref<8126464xf32, #tpu.memory_space<hbm>> -> memref<3968xf32, #tpu.memory_space<hbm>>
    %dma_start3A_436 = arith.constant 4176 : i32
    %dma_start3A_437 = tpu.memref_slice %arg5[%dma_start3A_436] : memref<16384xf32, #tpu.memory_space<vmem>> -> memref<3968xf32, #tpu.memory_space<vmem>>
    tpu.enqueue_dma source(%dma_start3A_437 : memref<3968xf32, #tpu.memory_space<vmem>>) target(%dma_start3A_435 : memref<3968xf32, #tpu.memory_space<hbm>>) target_semaphore(%arg6 : memref<!tpu.dma_semaphore, #tpu.memory_space<semaphore_mem>>)
    %mul3A_438 = arith.constant 16 : i32
    %mul3A_439 = arith.muli %arg1, %mul3A_438 : i32
    %add3A_440 = arith.constant 6 : i32
    %add3A_441 = arith.addi %mul3A_439, %add3A_440 : i32
    %mul3A_442 = arith.constant 8 : i32
    %mul3A_443 = arith.muli %add3A_441, %mul3A_442 : i32
    %mul3A_444 = arith.constant 4 : i32
    %mul3A_445 = arith.muli %mul3A_444, %arg0 : i32
    %add3A_446 = arith.addi %mul3A_443, %mul3A_445 : i32
    %add3A_447 = arith.constant 1 : i32
    %add3A_448 = arith.addi %add3A_446, %add3A_447 : i32
    %mul3A_449 = arith.constant 3968 : i32
    %mul3A_450 = arith.muli %add3A_448, %mul3A_449 : i32
    %dma_start3A_451 = arith.constant 4168 : i32
    %dma_start3A_452 = tpu.memref_slice %arg5[%dma_start3A_451] : memref<16384xf32, #tpu.memory_space<vmem>> -> memref<3968xf32, #tpu.memory_space<vmem>>
    %dma_start3A_453 = tpu.memref_slice %arg3[%mul3A_450] : memref<8126464xf32, #tpu.memory_space<hbm>> -> memref<3968xf32, #tpu.memory_space<hbm>>
    %dma_start3A_454 = tpu.memref_slice %arg3[%mul3A_450] : memref<8126464xf32, #tpu.memory_space<hbm>> -> memref<3968xf32, #tpu.memory_space<hbm>>
    %dma_start3A_455 = arith.constant 4168 : i32
    %dma_start3A_456 = tpu.memref_slice %arg5[%dma_start3A_455] : memref<16384xf32, #tpu.memory_space<vmem>> -> memref<3968xf32, #tpu.memory_space<vmem>>
    tpu.enqueue_dma source(%dma_start3A_456 : memref<3968xf32, #tpu.memory_space<vmem>>) target(%dma_start3A_454 : memref<3968xf32, #tpu.memory_space<hbm>>) target_semaphore(%arg6 : memref<!tpu.dma_semaphore, #tpu.memory_space<semaphore_mem>>)
    %mul3A_457 = arith.constant 16 : i32
    %mul3A_458 = arith.muli %arg1, %mul3A_457 : i32
    %add3A_459 = arith.constant 7 : i32
    %add3A_460 = arith.addi %mul3A_458, %add3A_459 : i32
    %mul3A_461 = arith.constant 8 : i32
    %mul3A_462 = arith.muli %add3A_460, %mul3A_461 : i32
    %mul3A_463 = arith.constant 4 : i32
    %mul3A_464 = arith.muli %mul3A_463, %arg0 : i32
    %add3A_465 = arith.addi %mul3A_462, %mul3A_464 : i32
    %add3A_466 = arith.constant 1 : i32
    %add3A_467 = arith.addi %add3A_465, %add3A_466 : i32
    %mul3A_468 = arith.constant 3968 : i32
    %mul3A_469 = arith.muli %add3A_467, %mul3A_468 : i32
    %dma_start3A_470 = arith.constant 4160 : i32
    %dma_start3A_471 = tpu.memref_slice %arg5[%dma_start3A_470] : memref<16384xf32, #tpu.memory_space<vmem>> -> memref<3968xf32, #tpu.memory_space<vmem>>
    %dma_start3A_472 = tpu.memref_slice %arg3[%mul3A_469] : memref<8126464xf32, #tpu.memory_space<hbm>> -> memref<3968xf32, #tpu.memory_space<hbm>>
    %dma_start3A_473 = tpu.memref_slice %arg3[%mul3A_469] : memref<8126464xf32, #tpu.memory_space<hbm>> -> memref<3968xf32, #tpu.memory_space<hbm>>
    %dma_start3A_474 = arith.constant 4160 : i32
    %dma_start3A_475 = tpu.memref_slice %arg5[%dma_start3A_474] : memref<16384xf32, #tpu.memory_space<vmem>> -> memref<3968xf32, #tpu.memory_space<vmem>>
    tpu.enqueue_dma source(%dma_start3A_475 : memref<3968xf32, #tpu.memory_space<vmem>>) target(%dma_start3A_473 : memref<3968xf32, #tpu.memory_space<hbm>>) target_semaphore(%arg6 : memref<!tpu.dma_semaphore, #tpu.memory_space<semaphore_mem>>)
    %mul3A_476 = arith.constant 16 : i32
    %mul3A_477 = arith.muli %arg1, %mul3A_476 : i32
    %add3A_478 = arith.constant 8 : i32
    %add3A_479 = arith.addi %mul3A_477, %add3A_478 : i32
    %mul3A_480 = arith.constant 8 : i32
    %mul3A_481 = arith.muli %add3A_479, %mul3A_480 : i32
    %mul3A_482 = arith.constant 4 : i32
    %mul3A_483 = arith.muli %mul3A_482, %arg0 : i32
    %add3A_484 = arith.addi %mul3A_481, %mul3A_483 : i32
    %add3A_485 = arith.constant 1 : i32
    %add3A_486 = arith.addi %add3A_484, %add3A_485 : i32
    %mul3A_487 = arith.constant 3968 : i32
    %mul3A_488 = arith.muli %add3A_486, %mul3A_487 : i32
    %dma_start3A_489 = arith.constant 4152 : i32
    %dma_start3A_490 = tpu.memref_slice %arg5[%dma_start3A_489] : memref<16384xf32, #tpu.memory_space<vmem>> -> memref<3968xf32, #tpu.memory_space<vmem>>
    %dma_start3A_491 = tpu.memref_slice %arg3[%mul3A_488] : memref<8126464xf32, #tpu.memory_space<hbm>> -> memref<3968xf32, #tpu.memory_space<hbm>>
    %dma_start3A_492 = tpu.memref_slice %arg3[%mul3A_488] : memref<8126464xf32, #tpu.memory_space<hbm>> -> memref<3968xf32, #tpu.memory_space<hbm>>
    %dma_start3A_493 = arith.constant 4152 : i32
    %dma_start3A_494 = tpu.memref_slice %arg5[%dma_start3A_493] : memref<16384xf32, #tpu.memory_space<vmem>> -> memref<3968xf32, #tpu.memory_space<vmem>>
    tpu.enqueue_dma source(%dma_start3A_494 : memref<3968xf32, #tpu.memory_space<vmem>>) target(%dma_start3A_492 : memref<3968xf32, #tpu.memory_space<hbm>>) target_semaphore(%arg6 : memref<!tpu.dma_semaphore, #tpu.memory_space<semaphore_mem>>)
    %mul3A_495 = arith.constant 16 : i32
    %mul3A_496 = arith.muli %arg1, %mul3A_495 : i32
    %add3A_497 = arith.constant 9 : i32
    %add3A_498 = arith.addi %mul3A_496, %add3A_497 : i32
    %mul3A_499 = arith.constant 8 : i32
    %mul3A_500 = arith.muli %add3A_498, %mul3A_499 : i32
    %mul3A_501 = arith.constant 4 : i32
    %mul3A_502 = arith.muli %mul3A_501, %arg0 : i32
    %add3A_503 = arith.addi %mul3A_500, %mul3A_502 : i32
    %add3A_504 = arith.constant 1 : i32
    %add3A_505 = arith.addi %add3A_503, %add3A_504 : i32
    %mul3A_506 = arith.constant 3968 : i32
    %mul3A_507 = arith.muli %add3A_505, %mul3A_506 : i32
    %dma_start3A_508 = arith.constant 4144 : i32
    %dma_start3A_509 = tpu.memref_slice %arg5[%dma_start3A_508] : memref<16384xf32, #tpu.memory_space<vmem>> -> memref<3968xf32, #tpu.memory_space<vmem>>
    %dma_start3A_510 = tpu.memref_slice %arg3[%mul3A_507] : memref<8126464xf32, #tpu.memory_space<hbm>> -> memref<3968xf32, #tpu.memory_space<hbm>>
    %dma_start3A_511 = tpu.memref_slice %arg3[%mul3A_507] : memref<8126464xf32, #tpu.memory_space<hbm>> -> memref<3968xf32, #tpu.memory_space<hbm>>
    %dma_start3A_512 = arith.constant 4144 : i32
    %dma_start3A_513 = tpu.memref_slice %arg5[%dma_start3A_512] : memref<16384xf32, #tpu.memory_space<vmem>> -> memref<3968xf32, #tpu.memory_space<vmem>>
    tpu.enqueue_dma source(%dma_start3A_513 : memref<3968xf32, #tpu.memory_space<vmem>>) target(%dma_start3A_511 : memref<3968xf32, #tpu.memory_space<hbm>>) target_semaphore(%arg6 : memref<!tpu.dma_semaphore, #tpu.memory_space<semaphore_mem>>)
    %mul3A_514 = arith.constant 16 : i32
    %mul3A_515 = arith.muli %arg1, %mul3A_514 : i32
    %add3A_516 = arith.constant 10 : i32
    %add3A_517 = arith.addi %mul3A_515, %add3A_516 : i32
    %mul3A_518 = arith.constant 8 : i32
    %mul3A_519 = arith.muli %add3A_517, %mul3A_518 : i32
    %mul3A_520 = arith.constant 4 : i32
    %mul3A_521 = arith.muli %mul3A_520, %arg0 : i32
    %add3A_522 = arith.addi %mul3A_519, %mul3A_521 : i32
    %add3A_523 = arith.constant 1 : i32
    %add3A_524 = arith.addi %add3A_522, %add3A_523 : i32
    %mul3A_525 = arith.constant 3968 : i32
    %mul3A_526 = arith.muli %add3A_524, %mul3A_525 : i32
    %dma_start3A_527 = arith.constant 4136 : i32
    %dma_start3A_528 = tpu.memref_slice %arg5[%dma_start3A_527] : memref<16384xf32, #tpu.memory_space<vmem>> -> memref<3968xf32, #tpu.memory_space<vmem>>
    %dma_start3A_529 = tpu.memref_slice %arg3[%mul3A_526] : memref<8126464xf32, #tpu.memory_space<hbm>> -> memref<3968xf32, #tpu.memory_space<hbm>>
    %dma_start3A_530 = tpu.memref_slice %arg3[%mul3A_526] : memref<8126464xf32, #tpu.memory_space<hbm>> -> memref<3968xf32, #tpu.memory_space<hbm>>
    %dma_start3A_531 = arith.constant 4136 : i32
    %dma_start3A_532 = tpu.memref_slice %arg5[%dma_start3A_531] : memref<16384xf32, #tpu.memory_space<vmem>> -> memref<3968xf32, #tpu.memory_space<vmem>>
    tpu.enqueue_dma source(%dma_start3A_532 : memref<3968xf32, #tpu.memory_space<vmem>>) target(%dma_start3A_530 : memref<3968xf32, #tpu.memory_space<hbm>>) target_semaphore(%arg6 : memref<!tpu.dma_semaphore, #tpu.memory_space<semaphore_mem>>)
    %mul3A_533 = arith.constant 16 : i32
    %mul3A_534 = arith.muli %arg1, %mul3A_533 : i32
    %add3A_535 = arith.constant 11 : i32
    %add3A_536 = arith.addi %mul3A_534, %add3A_535 : i32
    %mul3A_537 = arith.constant 8 : i32
    %mul3A_538 = arith.muli %add3A_536, %mul3A_537 : i32
    %mul3A_539 = arith.constant 4 : i32
    %mul3A_540 = arith.muli %mul3A_539, %arg0 : i32
    %add3A_541 = arith.addi %mul3A_538, %mul3A_540 : i32
    %add3A_542 = arith.constant 1 : i32
    %add3A_543 = arith.addi %add3A_541, %add3A_542 : i32
    %mul3A_544 = arith.constant 3968 : i32
    %mul3A_545 = arith.muli %add3A_543, %mul3A_544 : i32
    %dma_start3A_546 = arith.constant 4128 : i32
    %dma_start3A_547 = tpu.memref_slice %arg5[%dma_start3A_546] : memref<16384xf32, #tpu.memory_space<vmem>> -> memref<3968xf32, #tpu.memory_space<vmem>>
    %dma_start3A_548 = tpu.memref_slice %arg3[%mul3A_545] : memref<8126464xf32, #tpu.memory_space<hbm>> -> memref<3968xf32, #tpu.memory_space<hbm>>
    %dma_start3A_549 = tpu.memref_slice %arg3[%mul3A_545] : memref<8126464xf32, #tpu.memory_space<hbm>> -> memref<3968xf32, #tpu.memory_space<hbm>>
    %dma_start3A_550 = arith.constant 4128 : i32
    %dma_start3A_551 = tpu.memref_slice %arg5[%dma_start3A_550] : memref<16384xf32, #tpu.memory_space<vmem>> -> memref<3968xf32, #tpu.memory_space<vmem>>
    tpu.enqueue_dma source(%dma_start3A_551 : memref<3968xf32, #tpu.memory_space<vmem>>) target(%dma_start3A_549 : memref<3968xf32, #tpu.memory_space<hbm>>) target_semaphore(%arg6 : memref<!tpu.dma_semaphore, #tpu.memory_space<semaphore_mem>>)
    %mul3A_552 = arith.constant 16 : i32
    %mul3A_553 = arith.muli %arg1, %mul3A_552 : i32
    %add3A_554 = arith.constant 12 : i32
    %add3A_555 = arith.addi %mul3A_553, %add3A_554 : i32
    %mul3A_556 = arith.constant 8 : i32
    %mul3A_557 = arith.muli %add3A_555, %mul3A_556 : i32
    %mul3A_558 = arith.constant 4 : i32
    %mul3A_559 = arith.muli %mul3A_558, %arg0 : i32
    %add3A_560 = arith.addi %mul3A_557, %mul3A_559 : i32
    %add3A_561 = arith.constant 1 : i32
    %add3A_562 = arith.addi %add3A_560, %add3A_561 : i32
    %mul3A_563 = arith.constant 3968 : i32
    %mul3A_564 = arith.muli %add3A_562, %mul3A_563 : i32
    %dma_start3A_565 = arith.constant 4120 : i32
    %dma_start3A_566 = tpu.memref_slice %arg5[%dma_start3A_565] : memref<16384xf32, #tpu.memory_space<vmem>> -> memref<3968xf32, #tpu.memory_space<vmem>>
    %dma_start3A_567 = tpu.memref_slice %arg3[%mul3A_564] : memref<8126464xf32, #tpu.memory_space<hbm>> -> memref<3968xf32, #tpu.memory_space<hbm>>
    %dma_start3A_568 = tpu.memref_slice %arg3[%mul3A_564] : memref<8126464xf32, #tpu.memory_space<hbm>> -> memref<3968xf32, #tpu.memory_space<hbm>>
    %dma_start3A_569 = arith.constant 4120 : i32
    %dma_start3A_570 = tpu.memref_slice %arg5[%dma_start3A_569] : memref<16384xf32, #tpu.memory_space<vmem>> -> memref<3968xf32, #tpu.memory_space<vmem>>
    tpu.enqueue_dma source(%dma_start3A_570 : memref<3968xf32, #tpu.memory_space<vmem>>) target(%dma_start3A_568 : memref<3968xf32, #tpu.memory_space<hbm>>) target_semaphore(%arg6 : memref<!tpu.dma_semaphore, #tpu.memory_space<semaphore_mem>>)
    %mul3A_571 = arith.constant 16 : i32
    %mul3A_572 = arith.muli %arg1, %mul3A_571 : i32
    %add3A_573 = arith.constant 13 : i32
    %add3A_574 = arith.addi %mul3A_572, %add3A_573 : i32
    %mul3A_575 = arith.constant 8 : i32
    %mul3A_576 = arith.muli %add3A_574, %mul3A_575 : i32
    %mul3A_577 = arith.constant 4 : i32
    %mul3A_578 = arith.muli %mul3A_577, %arg0 : i32
    %add3A_579 = arith.addi %mul3A_576, %mul3A_578 : i32
    %add3A_580 = arith.constant 1 : i32
    %add3A_581 = arith.addi %add3A_579, %add3A_580 : i32
    %mul3A_582 = arith.constant 3968 : i32
    %mul3A_583 = arith.muli %add3A_581, %mul3A_582 : i32
    %dma_start3A_584 = arith.constant 4112 : i32
    %dma_start3A_585 = tpu.memref_slice %arg5[%dma_start3A_584] : memref<16384xf32, #tpu.memory_space<vmem>> -> memref<3968xf32, #tpu.memory_space<vmem>>
    %dma_start3A_586 = tpu.memref_slice %arg3[%mul3A_583] : memref<8126464xf32, #tpu.memory_space<hbm>> -> memref<3968xf32, #tpu.memory_space<hbm>>
    %dma_start3A_587 = tpu.memref_slice %arg3[%mul3A_583] : memref<8126464xf32, #tpu.memory_space<hbm>> -> memref<3968xf32, #tpu.memory_space<hbm>>
    %dma_start3A_588 = arith.constant 4112 : i32
    %dma_start3A_589 = tpu.memref_slice %arg5[%dma_start3A_588] : memref<16384xf32, #tpu.memory_space<vmem>> -> memref<3968xf32, #tpu.memory_space<vmem>>
    tpu.enqueue_dma source(%dma_start3A_589 : memref<3968xf32, #tpu.memory_space<vmem>>) target(%dma_start3A_587 : memref<3968xf32, #tpu.memory_space<hbm>>) target_semaphore(%arg6 : memref<!tpu.dma_semaphore, #tpu.memory_space<semaphore_mem>>)
    %mul3A_590 = arith.constant 16 : i32
    %mul3A_591 = arith.muli %arg1, %mul3A_590 : i32
    %add3A_592 = arith.constant 14 : i32
    %add3A_593 = arith.addi %mul3A_591, %add3A_592 : i32
    %mul3A_594 = arith.constant 8 : i32
    %mul3A_595 = arith.muli %add3A_593, %mul3A_594 : i32
    %mul3A_596 = arith.constant 4 : i32
    %mul3A_597 = arith.muli %mul3A_596, %arg0 : i32
    %add3A_598 = arith.addi %mul3A_595, %mul3A_597 : i32
    %add3A_599 = arith.constant 1 : i32
    %add3A_600 = arith.addi %add3A_598, %add3A_599 : i32
    %mul3A_601 = arith.constant 3968 : i32
    %mul3A_602 = arith.muli %add3A_600, %mul3A_601 : i32
    %dma_start3A_603 = arith.constant 4104 : i32
    %dma_start3A_604 = tpu.memref_slice %arg5[%dma_start3A_603] : memref<16384xf32, #tpu.memory_space<vmem>> -> memref<3968xf32, #tpu.memory_space<vmem>>
    %dma_start3A_605 = tpu.memref_slice %arg3[%mul3A_602] : memref<8126464xf32, #tpu.memory_space<hbm>> -> memref<3968xf32, #tpu.memory_space<hbm>>
    %dma_start3A_606 = tpu.memref_slice %arg3[%mul3A_602] : memref<8126464xf32, #tpu.memory_space<hbm>> -> memref<3968xf32, #tpu.memory_space<hbm>>
    %dma_start3A_607 = arith.constant 4104 : i32
    %dma_start3A_608 = tpu.memref_slice %arg5[%dma_start3A_607] : memref<16384xf32, #tpu.memory_space<vmem>> -> memref<3968xf32, #tpu.memory_space<vmem>>
    tpu.enqueue_dma source(%dma_start3A_608 : memref<3968xf32, #tpu.memory_space<vmem>>) target(%dma_start3A_606 : memref<3968xf32, #tpu.memory_space<hbm>>) target_semaphore(%arg6 : memref<!tpu.dma_semaphore, #tpu.memory_space<semaphore_mem>>)
    %mul3A_609 = arith.constant 16 : i32
    %mul3A_610 = arith.muli %arg1, %mul3A_609 : i32
    %add3A_611 = arith.constant 15 : i32
    %add3A_612 = arith.addi %mul3A_610, %add3A_611 : i32
    %mul3A_613 = arith.constant 8 : i32
    %mul3A_614 = arith.muli %add3A_612, %mul3A_613 : i32
    %mul3A_615 = arith.constant 4 : i32
    %mul3A_616 = arith.muli %mul3A_615, %arg0 : i32
    %add3A_617 = arith.addi %mul3A_614, %mul3A_616 : i32
    %add3A_618 = arith.constant 1 : i32
    %add3A_619 = arith.addi %add3A_617, %add3A_618 : i32
    %mul3A_620 = arith.constant 3968 : i32
    %mul3A_621 = arith.muli %add3A_619, %mul3A_620 : i32
    %dma_start3A_622 = arith.constant 4096 : i32
    %dma_start3A_623 = tpu.memref_slice %arg5[%dma_start3A_622] : memref<16384xf32, #tpu.memory_space<vmem>> -> memref<3968xf32, #tpu.memory_space<vmem>>
    %dma_start3A_624 = tpu.memref_slice %arg3[%mul3A_621] : memref<8126464xf32, #tpu.memory_space<hbm>> -> memref<3968xf32, #tpu.memory_space<hbm>>
    %dma_start3A_625 = tpu.memref_slice %arg3[%mul3A_621] : memref<8126464xf32, #tpu.memory_space<hbm>> -> memref<3968xf32, #tpu.memory_space<hbm>>
    %dma_start3A_626 = arith.constant 4096 : i32
    %dma_start3A_627 = tpu.memref_slice %arg5[%dma_start3A_626] : memref<16384xf32, #tpu.memory_space<vmem>> -> memref<3968xf32, #tpu.memory_space<vmem>>
    tpu.enqueue_dma source(%dma_start3A_627 : memref<3968xf32, #tpu.memory_space<vmem>>) target(%dma_start3A_625 : memref<3968xf32, #tpu.memory_space<hbm>>) target_semaphore(%arg6 : memref<!tpu.dma_semaphore, #tpu.memory_space<semaphore_mem>>)
    %mul3A_628 = arith.constant 16 : i32
    %mul3A_629 = arith.muli %arg1, %mul3A_628 : i32
    %add3A_630 = arith.constant 0 : i32
    %add3A_631 = arith.addi %mul3A_629, %add3A_630 : i32
    %mul3A_632 = arith.constant 8 : i32
    %mul3A_633 = arith.muli %add3A_631, %mul3A_632 : i32
    %mul3A_634 = arith.constant 4 : i32
    %mul3A_635 = arith.muli %mul3A_634, %arg0 : i32
    %add3A_636 = arith.addi %mul3A_633, %mul3A_635 : i32
    %add3A_637 = arith.constant 2 : i32
    %add3A_638 = arith.addi %add3A_636, %add3A_637 : i32
    %mul3A_639 = arith.constant 3968 : i32
    %mul3A_640 = arith.muli %add3A_638, %mul3A_639 : i32
    %dma_start3A_641 = arith.constant 8312 : i32
    %dma_start3A_642 = tpu.memref_slice %arg5[%dma_start3A_641] : memref<16384xf32, #tpu.memory_space<vmem>> -> memref<3968xf32, #tpu.memory_space<vmem>>
    %dma_start3A_643 = tpu.memref_slice %arg3[%mul3A_640] : memref<8126464xf32, #tpu.memory_space<hbm>> -> memref<3968xf32, #tpu.memory_space<hbm>>
    %dma_start3A_644 = tpu.memref_slice %arg3[%mul3A_640] : memref<8126464xf32, #tpu.memory_space<hbm>> -> memref<3968xf32, #tpu.memory_space<hbm>>
    %dma_start3A_645 = arith.constant 8312 : i32
    %dma_start3A_646 = tpu.memref_slice %arg5[%dma_start3A_645] : memref<16384xf32, #tpu.memory_space<vmem>> -> memref<3968xf32, #tpu.memory_space<vmem>>
    tpu.enqueue_dma source(%dma_start3A_646 : memref<3968xf32, #tpu.memory_space<vmem>>) target(%dma_start3A_644 : memref<3968xf32, #tpu.memory_space<hbm>>) target_semaphore(%arg6 : memref<!tpu.dma_semaphore, #tpu.memory_space<semaphore_mem>>)
    %mul3A_647 = arith.constant 16 : i32
    %mul3A_648 = arith.muli %arg1, %mul3A_647 : i32
    %add3A_649 = arith.constant 1 : i32
    %add3A_650 = arith.addi %mul3A_648, %add3A_649 : i32
    %mul3A_651 = arith.constant 8 : i32
    %mul3A_652 = arith.muli %add3A_650, %mul3A_651 : i32
    %mul3A_653 = arith.constant 4 : i32
    %mul3A_654 = arith.muli %mul3A_653, %arg0 : i32
    %add3A_655 = arith.addi %mul3A_652, %mul3A_654 : i32
    %add3A_656 = arith.constant 2 : i32
    %add3A_657 = arith.addi %add3A_655, %add3A_656 : i32
    %mul3A_658 = arith.constant 3968 : i32
    %mul3A_659 = arith.muli %add3A_657, %mul3A_658 : i32
    %dma_start3A_660 = arith.constant 8304 : i32
    %dma_start3A_661 = tpu.memref_slice %arg5[%dma_start3A_660] : memref<16384xf32, #tpu.memory_space<vmem>> -> memref<3968xf32, #tpu.memory_space<vmem>>
    %dma_start3A_662 = tpu.memref_slice %arg3[%mul3A_659] : memref<8126464xf32, #tpu.memory_space<hbm>> -> memref<3968xf32, #tpu.memory_space<hbm>>
    %dma_start3A_663 = tpu.memref_slice %arg3[%mul3A_659] : memref<8126464xf32, #tpu.memory_space<hbm>> -> memref<3968xf32, #tpu.memory_space<hbm>>
    %dma_start3A_664 = arith.constant 8304 : i32
    %dma_start3A_665 = tpu.memref_slice %arg5[%dma_start3A_664] : memref<16384xf32, #tpu.memory_space<vmem>> -> memref<3968xf32, #tpu.memory_space<vmem>>
    tpu.enqueue_dma source(%dma_start3A_665 : memref<3968xf32, #tpu.memory_space<vmem>>) target(%dma_start3A_663 : memref<3968xf32, #tpu.memory_space<hbm>>) target_semaphore(%arg6 : memref<!tpu.dma_semaphore, #tpu.memory_space<semaphore_mem>>)
    %mul3A_666 = arith.constant 16 : i32
    %mul3A_667 = arith.muli %arg1, %mul3A_666 : i32
    %add3A_668 = arith.constant 2 : i32
    %add3A_669 = arith.addi %mul3A_667, %add3A_668 : i32
    %mul3A_670 = arith.constant 8 : i32
    %mul3A_671 = arith.muli %add3A_669, %mul3A_670 : i32
    %mul3A_672 = arith.constant 4 : i32
    %mul3A_673 = arith.muli %mul3A_672, %arg0 : i32
    %add3A_674 = arith.addi %mul3A_671, %mul3A_673 : i32
    %add3A_675 = arith.constant 2 : i32
    %add3A_676 = arith.addi %add3A_674, %add3A_675 : i32
    %mul3A_677 = arith.constant 3968 : i32
    %mul3A_678 = arith.muli %add3A_676, %mul3A_677 : i32
    %dma_start3A_679 = arith.constant 8296 : i32
    %dma_start3A_680 = tpu.memref_slice %arg5[%dma_start3A_679] : memref<16384xf32, #tpu.memory_space<vmem>> -> memref<3968xf32, #tpu.memory_space<vmem>>
    %dma_start3A_681 = tpu.memref_slice %arg3[%mul3A_678] : memref<8126464xf32, #tpu.memory_space<hbm>> -> memref<3968xf32, #tpu.memory_space<hbm>>
    %dma_start3A_682 = tpu.memref_slice %arg3[%mul3A_678] : memref<8126464xf32, #tpu.memory_space<hbm>> -> memref<3968xf32, #tpu.memory_space<hbm>>
    %dma_start3A_683 = arith.constant 8296 : i32
    %dma_start3A_684 = tpu.memref_slice %arg5[%dma_start3A_683] : memref<16384xf32, #tpu.memory_space<vmem>> -> memref<3968xf32, #tpu.memory_space<vmem>>
    tpu.enqueue_dma source(%dma_start3A_684 : memref<3968xf32, #tpu.memory_space<vmem>>) target(%dma_start3A_682 : memref<3968xf32, #tpu.memory_space<hbm>>) target_semaphore(%arg6 : memref<!tpu.dma_semaphore, #tpu.memory_space<semaphore_mem>>)
    %mul3A_685 = arith.constant 16 : i32
    %mul3A_686 = arith.muli %arg1, %mul3A_685 : i32
    %add3A_687 = arith.constant 3 : i32
    %add3A_688 = arith.addi %mul3A_686, %add3A_687 : i32
    %mul3A_689 = arith.constant 8 : i32
    %mul3A_690 = arith.muli %add3A_688, %mul3A_689 : i32
    %mul3A_691 = arith.constant 4 : i32
    %mul3A_692 = arith.muli %mul3A_691, %arg0 : i32
    %add3A_693 = arith.addi %mul3A_690, %mul3A_692 : i32
    %add3A_694 = arith.constant 2 : i32
    %add3A_695 = arith.addi %add3A_693, %add3A_694 : i32
    %mul3A_696 = arith.constant 3968 : i32
    %mul3A_697 = arith.muli %add3A_695, %mul3A_696 : i32
    %dma_start3A_698 = arith.constant 8288 : i32
    %dma_start3A_699 = tpu.memref_slice %arg5[%dma_start3A_698] : memref<16384xf32, #tpu.memory_space<vmem>> -> memref<3968xf32, #tpu.memory_space<vmem>>
    %dma_start3A_700 = tpu.memref_slice %arg3[%mul3A_697] : memref<8126464xf32, #tpu.memory_space<hbm>> -> memref<3968xf32, #tpu.memory_space<hbm>>
    %dma_start3A_701 = tpu.memref_slice %arg3[%mul3A_697] : memref<8126464xf32, #tpu.memory_space<hbm>> -> memref<3968xf32, #tpu.memory_space<hbm>>
    %dma_start3A_702 = arith.constant 8288 : i32
    %dma_start3A_703 = tpu.memref_slice %arg5[%dma_start3A_702] : memref<16384xf32, #tpu.memory_space<vmem>> -> memref<3968xf32, #tpu.memory_space<vmem>>
    tpu.enqueue_dma source(%dma_start3A_703 : memref<3968xf32, #tpu.memory_space<vmem>>) target(%dma_start3A_701 : memref<3968xf32, #tpu.memory_space<hbm>>) target_semaphore(%arg6 : memref<!tpu.dma_semaphore, #tpu.memory_space<semaphore_mem>>)
    %mul3A_704 = arith.constant 16 : i32
    %mul3A_705 = arith.muli %arg1, %mul3A_704 : i32
    %add3A_706 = arith.constant 4 : i32
    %add3A_707 = arith.addi %mul3A_705, %add3A_706 : i32
    %mul3A_708 = arith.constant 8 : i32
    %mul3A_709 = arith.muli %add3A_707, %mul3A_708 : i32
    %mul3A_710 = arith.constant 4 : i32
    %mul3A_711 = arith.muli %mul3A_710, %arg0 : i32
    %add3A_712 = arith.addi %mul3A_709, %mul3A_711 : i32
    %add3A_713 = arith.constant 2 : i32
    %add3A_714 = arith.addi %add3A_712, %add3A_713 : i32
    %mul3A_715 = arith.constant 3968 : i32
    %mul3A_716 = arith.muli %add3A_714, %mul3A_715 : i32
    %dma_start3A_717 = arith.constant 8280 : i32
    %dma_start3A_718 = tpu.memref_slice %arg5[%dma_start3A_717] : memref<16384xf32, #tpu.memory_space<vmem>> -> memref<3968xf32, #tpu.memory_space<vmem>>
    %dma_start3A_719 = tpu.memref_slice %arg3[%mul3A_716] : memref<8126464xf32, #tpu.memory_space<hbm>> -> memref<3968xf32, #tpu.memory_space<hbm>>
    %dma_start3A_720 = tpu.memref_slice %arg3[%mul3A_716] : memref<8126464xf32, #tpu.memory_space<hbm>> -> memref<3968xf32, #tpu.memory_space<hbm>>
    %dma_start3A_721 = arith.constant 8280 : i32
    %dma_start3A_722 = tpu.memref_slice %arg5[%dma_start3A_721] : memref<16384xf32, #tpu.memory_space<vmem>> -> memref<3968xf32, #tpu.memory_space<vmem>>
    tpu.enqueue_dma source(%dma_start3A_722 : memref<3968xf32, #tpu.memory_space<vmem>>) target(%dma_start3A_720 : memref<3968xf32, #tpu.memory_space<hbm>>) target_semaphore(%arg6 : memref<!tpu.dma_semaphore, #tpu.memory_space<semaphore_mem>>)
    %mul3A_723 = arith.constant 16 : i32
    %mul3A_724 = arith.muli %arg1, %mul3A_723 : i32
    %add3A_725 = arith.constant 5 : i32
    %add3A_726 = arith.addi %mul3A_724, %add3A_725 : i32
    %mul3A_727 = arith.constant 8 : i32
    %mul3A_728 = arith.muli %add3A_726, %mul3A_727 : i32
    %mul3A_729 = arith.constant 4 : i32
    %mul3A_730 = arith.muli %mul3A_729, %arg0 : i32
    %add3A_731 = arith.addi %mul3A_728, %mul3A_730 : i32
    %add3A_732 = arith.constant 2 : i32
    %add3A_733 = arith.addi %add3A_731, %add3A_732 : i32
    %mul3A_734 = arith.constant 3968 : i32
    %mul3A_735 = arith.muli %add3A_733, %mul3A_734 : i32
    %dma_start3A_736 = arith.constant 8272 : i32
    %dma_start3A_737 = tpu.memref_slice %arg5[%dma_start3A_736] : memref<16384xf32, #tpu.memory_space<vmem>> -> memref<3968xf32, #tpu.memory_space<vmem>>
    %dma_start3A_738 = tpu.memref_slice %arg3[%mul3A_735] : memref<8126464xf32, #tpu.memory_space<hbm>> -> memref<3968xf32, #tpu.memory_space<hbm>>
    %dma_start3A_739 = tpu.memref_slice %arg3[%mul3A_735] : memref<8126464xf32, #tpu.memory_space<hbm>> -> memref<3968xf32, #tpu.memory_space<hbm>>
    %dma_start3A_740 = arith.constant 8272 : i32
    %dma_start3A_741 = tpu.memref_slice %arg5[%dma_start3A_740] : memref<16384xf32, #tpu.memory_space<vmem>> -> memref<3968xf32, #tpu.memory_space<vmem>>
    tpu.enqueue_dma source(%dma_start3A_741 : memref<3968xf32, #tpu.memory_space<vmem>>) target(%dma_start3A_739 : memref<3968xf32, #tpu.memory_space<hbm>>) target_semaphore(%arg6 : memref<!tpu.dma_semaphore, #tpu.memory_space<semaphore_mem>>)
    %mul3A_742 = arith.constant 16 : i32
    %mul3A_743 = arith.muli %arg1, %mul3A_742 : i32
    %add3A_744 = arith.constant 6 : i32
    %add3A_745 = arith.addi %mul3A_743, %add3A_744 : i32
    %mul3A_746 = arith.constant 8 : i32
    %mul3A_747 = arith.muli %add3A_745, %mul3A_746 : i32
    %mul3A_748 = arith.constant 4 : i32
    %mul3A_749 = arith.muli %mul3A_748, %arg0 : i32
    %add3A_750 = arith.addi %mul3A_747, %mul3A_749 : i32
    %add3A_751 = arith.constant 2 : i32
    %add3A_752 = arith.addi %add3A_750, %add3A_751 : i32
    %mul3A_753 = arith.constant 3968 : i32
    %mul3A_754 = arith.muli %add3A_752, %mul3A_753 : i32
    %dma_start3A_755 = arith.constant 8264 : i32
    %dma_start3A_756 = tpu.memref_slice %arg5[%dma_start3A_755] : memref<16384xf32, #tpu.memory_space<vmem>> -> memref<3968xf32, #tpu.memory_space<vmem>>
    %dma_start3A_757 = tpu.memref_slice %arg3[%mul3A_754] : memref<8126464xf32, #tpu.memory_space<hbm>> -> memref<3968xf32, #tpu.memory_space<hbm>>
    %dma_start3A_758 = tpu.memref_slice %arg3[%mul3A_754] : memref<8126464xf32, #tpu.memory_space<hbm>> -> memref<3968xf32, #tpu.memory_space<hbm>>
    %dma_start3A_759 = arith.constant 8264 : i32
    %dma_start3A_760 = tpu.memref_slice %arg5[%dma_start3A_759] : memref<16384xf32, #tpu.memory_space<vmem>> -> memref<3968xf32, #tpu.memory_space<vmem>>
    tpu.enqueue_dma source(%dma_start3A_760 : memref<3968xf32, #tpu.memory_space<vmem>>) target(%dma_start3A_758 : memref<3968xf32, #tpu.memory_space<hbm>>) target_semaphore(%arg6 : memref<!tpu.dma_semaphore, #tpu.memory_space<semaphore_mem>>)
    %mul3A_761 = arith.constant 16 : i32
    %mul3A_762 = arith.muli %arg1, %mul3A_761 : i32
    %add3A_763 = arith.constant 7 : i32
    %add3A_764 = arith.addi %mul3A_762, %add3A_763 : i32
    %mul3A_765 = arith.constant 8 : i32
    %mul3A_766 = arith.muli %add3A_764, %mul3A_765 : i32
    %mul3A_767 = arith.constant 4 : i32
    %mul3A_768 = arith.muli %mul3A_767, %arg0 : i32
    %add3A_769 = arith.addi %mul3A_766, %mul3A_768 : i32
    %add3A_770 = arith.constant 2 : i32
    %add3A_771 = arith.addi %add3A_769, %add3A_770 : i32
    %mul3A_772 = arith.constant 3968 : i32
    %mul3A_773 = arith.muli %add3A_771, %mul3A_772 : i32
    %dma_start3A_774 = arith.constant 8256 : i32
    %dma_start3A_775 = tpu.memref_slice %arg5[%dma_start3A_774] : memref<16384xf32, #tpu.memory_space<vmem>> -> memref<3968xf32, #tpu.memory_space<vmem>>
    %dma_start3A_776 = tpu.memref_slice %arg3[%mul3A_773] : memref<8126464xf32, #tpu.memory_space<hbm>> -> memref<3968xf32, #tpu.memory_space<hbm>>
    %dma_start3A_777 = tpu.memref_slice %arg3[%mul3A_773] : memref<8126464xf32, #tpu.memory_space<hbm>> -> memref<3968xf32, #tpu.memory_space<hbm>>
    %dma_start3A_778 = arith.constant 8256 : i32
    %dma_start3A_779 = tpu.memref_slice %arg5[%dma_start3A_778] : memref<16384xf32, #tpu.memory_space<vmem>> -> memref<3968xf32, #tpu.memory_space<vmem>>
    tpu.enqueue_dma source(%dma_start3A_779 : memref<3968xf32, #tpu.memory_space<vmem>>) target(%dma_start3A_777 : memref<3968xf32, #tpu.memory_space<hbm>>) target_semaphore(%arg6 : memref<!tpu.dma_semaphore, #tpu.memory_space<semaphore_mem>>)
    %mul3A_780 = arith.constant 16 : i32
    %mul3A_781 = arith.muli %arg1, %mul3A_780 : i32
    %add3A_782 = arith.constant 8 : i32
    %add3A_783 = arith.addi %mul3A_781, %add3A_782 : i32
    %mul3A_784 = arith.constant 8 : i32
    %mul3A_785 = arith.muli %add3A_783, %mul3A_784 : i32
    %mul3A_786 = arith.constant 4 : i32
    %mul3A_787 = arith.muli %mul3A_786, %arg0 : i32
    %add3A_788 = arith.addi %mul3A_785, %mul3A_787 : i32
    %add3A_789 = arith.constant 2 : i32
    %add3A_790 = arith.addi %add3A_788, %add3A_789 : i32
    %mul3A_791 = arith.constant 3968 : i32
    %mul3A_792 = arith.muli %add3A_790, %mul3A_791 : i32
    %dma_start3A_793 = arith.constant 8248 : i32
    %dma_start3A_794 = tpu.memref_slice %arg5[%dma_start3A_793] : memref<16384xf32, #tpu.memory_space<vmem>> -> memref<3968xf32, #tpu.memory_space<vmem>>
    %dma_start3A_795 = tpu.memref_slice %arg3[%mul3A_792] : memref<8126464xf32, #tpu.memory_space<hbm>> -> memref<3968xf32, #tpu.memory_space<hbm>>
    %dma_start3A_796 = tpu.memref_slice %arg3[%mul3A_792] : memref<8126464xf32, #tpu.memory_space<hbm>> -> memref<3968xf32, #tpu.memory_space<hbm>>
    %dma_start3A_797 = arith.constant 8248 : i32
    %dma_start3A_798 = tpu.memref_slice %arg5[%dma_start3A_797] : memref<16384xf32, #tpu.memory_space<vmem>> -> memref<3968xf32, #tpu.memory_space<vmem>>
    tpu.enqueue_dma source(%dma_start3A_798 : memref<3968xf32, #tpu.memory_space<vmem>>) target(%dma_start3A_796 : memref<3968xf32, #tpu.memory_space<hbm>>) target_semaphore(%arg6 : memref<!tpu.dma_semaphore, #tpu.memory_space<semaphore_mem>>)
    %mul3A_799 = arith.constant 16 : i32
    %mul3A_800 = arith.muli %arg1, %mul3A_799 : i32
    %add3A_801 = arith.constant 9 : i32
    %add3A_802 = arith.addi %mul3A_800, %add3A_801 : i32
    %mul3A_803 = arith.constant 8 : i32
    %mul3A_804 = arith.muli %add3A_802, %mul3A_803 : i32
    %mul3A_805 = arith.constant 4 : i32
    %mul3A_806 = arith.muli %mul3A_805, %arg0 : i32
    %add3A_807 = arith.addi %mul3A_804, %mul3A_806 : i32
    %add3A_808 = arith.constant 2 : i32
    %add3A_809 = arith.addi %add3A_807, %add3A_808 : i32
    %mul3A_810 = arith.constant 3968 : i32
    %mul3A_811 = arith.muli %add3A_809, %mul3A_810 : i32
    %dma_start3A_812 = arith.constant 8240 : i32
    %dma_start3A_813 = tpu.memref_slice %arg5[%dma_start3A_812] : memref<16384xf32, #tpu.memory_space<vmem>> -> memref<3968xf32, #tpu.memory_space<vmem>>
    %dma_start3A_814 = tpu.memref_slice %arg3[%mul3A_811] : memref<8126464xf32, #tpu.memory_space<hbm>> -> memref<3968xf32, #tpu.memory_space<hbm>>
    %dma_start3A_815 = tpu.memref_slice %arg3[%mul3A_811] : memref<8126464xf32, #tpu.memory_space<hbm>> -> memref<3968xf32, #tpu.memory_space<hbm>>
    %dma_start3A_816 = arith.constant 8240 : i32
    %dma_start3A_817 = tpu.memref_slice %arg5[%dma_start3A_816] : memref<16384xf32, #tpu.memory_space<vmem>> -> memref<3968xf32, #tpu.memory_space<vmem>>
    tpu.enqueue_dma source(%dma_start3A_817 : memref<3968xf32, #tpu.memory_space<vmem>>) target(%dma_start3A_815 : memref<3968xf32, #tpu.memory_space<hbm>>) target_semaphore(%arg6 : memref<!tpu.dma_semaphore, #tpu.memory_space<semaphore_mem>>)
    %mul3A_818 = arith.constant 16 : i32
    %mul3A_819 = arith.muli %arg1, %mul3A_818 : i32
    %add3A_820 = arith.constant 10 : i32
    %add3A_821 = arith.addi %mul3A_819, %add3A_820 : i32
    %mul3A_822 = arith.constant 8 : i32
    %mul3A_823 = arith.muli %add3A_821, %mul3A_822 : i32
    %mul3A_824 = arith.constant 4 : i32
    %mul3A_825 = arith.muli %mul3A_824, %arg0 : i32
    %add3A_826 = arith.addi %mul3A_823, %mul3A_825 : i32
    %add3A_827 = arith.constant 2 : i32
    %add3A_828 = arith.addi %add3A_826, %add3A_827 : i32
    %mul3A_829 = arith.constant 3968 : i32
    %mul3A_830 = arith.muli %add3A_828, %mul3A_829 : i32
    %dma_start3A_831 = arith.constant 8232 : i32
    %dma_start3A_832 = tpu.memref_slice %arg5[%dma_start3A_831] : memref<16384xf32, #tpu.memory_space<vmem>> -> memref<3968xf32, #tpu.memory_space<vmem>>
    %dma_start3A_833 = tpu.memref_slice %arg3[%mul3A_830] : memref<8126464xf32, #tpu.memory_space<hbm>> -> memref<3968xf32, #tpu.memory_space<hbm>>
    %dma_start3A_834 = tpu.memref_slice %arg3[%mul3A_830] : memref<8126464xf32, #tpu.memory_space<hbm>> -> memref<3968xf32, #tpu.memory_space<hbm>>
    %dma_start3A_835 = arith.constant 8232 : i32
    %dma_start3A_836 = tpu.memref_slice %arg5[%dma_start3A_835] : memref<16384xf32, #tpu.memory_space<vmem>> -> memref<3968xf32, #tpu.memory_space<vmem>>
    tpu.enqueue_dma source(%dma_start3A_836 : memref<3968xf32, #tpu.memory_space<vmem>>) target(%dma_start3A_834 : memref<3968xf32, #tpu.memory_space<hbm>>) target_semaphore(%arg6 : memref<!tpu.dma_semaphore, #tpu.memory_space<semaphore_mem>>)
    %mul3A_837 = arith.constant 16 : i32
    %mul3A_838 = arith.muli %arg1, %mul3A_837 : i32
    %add3A_839 = arith.constant 11 : i32
    %add3A_840 = arith.addi %mul3A_838, %add3A_839 : i32
    %mul3A_841 = arith.constant 8 : i32
    %mul3A_842 = arith.muli %add3A_840, %mul3A_841 : i32
    %mul3A_843 = arith.constant 4 : i32
    %mul3A_844 = arith.muli %mul3A_843, %arg0 : i32
    %add3A_845 = arith.addi %mul3A_842, %mul3A_844 : i32
    %add3A_846 = arith.constant 2 : i32
    %add3A_847 = arith.addi %add3A_845, %add3A_846 : i32
    %mul3A_848 = arith.constant 3968 : i32
    %mul3A_849 = arith.muli %add3A_847, %mul3A_848 : i32
    %dma_start3A_850 = arith.constant 8224 : i32
    %dma_start3A_851 = tpu.memref_slice %arg5[%dma_start3A_850] : memref<16384xf32, #tpu.memory_space<vmem>> -> memref<3968xf32, #tpu.memory_space<vmem>>
    %dma_start3A_852 = tpu.memref_slice %arg3[%mul3A_849] : memref<8126464xf32, #tpu.memory_space<hbm>> -> memref<3968xf32, #tpu.memory_space<hbm>>
    %dma_start3A_853 = tpu.memref_slice %arg3[%mul3A_849] : memref<8126464xf32, #tpu.memory_space<hbm>> -> memref<3968xf32, #tpu.memory_space<hbm>>
    %dma_start3A_854 = arith.constant 8224 : i32
    %dma_start3A_855 = tpu.memref_slice %arg5[%dma_start3A_854] : memref<16384xf32, #tpu.memory_space<vmem>> -> memref<3968xf32, #tpu.memory_space<vmem>>
    tpu.enqueue_dma source(%dma_start3A_855 : memref<3968xf32, #tpu.memory_space<vmem>>) target(%dma_start3A_853 : memref<3968xf32, #tpu.memory_space<hbm>>) target_semaphore(%arg6 : memref<!tpu.dma_semaphore, #tpu.memory_space<semaphore_mem>>)
    %mul3A_856 = arith.constant 16 : i32
    %mul3A_857 = arith.muli %arg1, %mul3A_856 : i32
    %add3A_858 = arith.constant 12 : i32
    %add3A_859 = arith.addi %mul3A_857, %add3A_858 : i32
    %mul3A_860 = arith.constant 8 : i32
    %mul3A_861 = arith.muli %add3A_859, %mul3A_860 : i32
    %mul3A_862 = arith.constant 4 : i32
    %mul3A_863 = arith.muli %mul3A_862, %arg0 : i32
    %add3A_864 = arith.addi %mul3A_861, %mul3A_863 : i32
    %add3A_865 = arith.constant 2 : i32
    %add3A_866 = arith.addi %add3A_864, %add3A_865 : i32
    %mul3A_867 = arith.constant 3968 : i32
    %mul3A_868 = arith.muli %add3A_866, %mul3A_867 : i32
    %dma_start3A_869 = arith.constant 8216 : i32
    %dma_start3A_870 = tpu.memref_slice %arg5[%dma_start3A_869] : memref<16384xf32, #tpu.memory_space<vmem>> -> memref<3968xf32, #tpu.memory_space<vmem>>
    %dma_start3A_871 = tpu.memref_slice %arg3[%mul3A_868] : memref<8126464xf32, #tpu.memory_space<hbm>> -> memref<3968xf32, #tpu.memory_space<hbm>>
    %dma_start3A_872 = tpu.memref_slice %arg3[%mul3A_868] : memref<8126464xf32, #tpu.memory_space<hbm>> -> memref<3968xf32, #tpu.memory_space<hbm>>
    %dma_start3A_873 = arith.constant 8216 : i32
    %dma_start3A_874 = tpu.memref_slice %arg5[%dma_start3A_873] : memref<16384xf32, #tpu.memory_space<vmem>> -> memref<3968xf32, #tpu.memory_space<vmem>>
    tpu.enqueue_dma source(%dma_start3A_874 : memref<3968xf32, #tpu.memory_space<vmem>>) target(%dma_start3A_872 : memref<3968xf32, #tpu.memory_space<hbm>>) target_semaphore(%arg6 : memref<!tpu.dma_semaphore, #tpu.memory_space<semaphore_mem>>)
    %mul3A_875 = arith.constant 16 : i32
    %mul3A_876 = arith.muli %arg1, %mul3A_875 : i32
    %add3A_877 = arith.constant 13 : i32
    %add3A_878 = arith.addi %mul3A_876, %add3A_877 : i32
    %mul3A_879 = arith.constant 8 : i32
    %mul3A_880 = arith.muli %add3A_878, %mul3A_879 : i32
    %mul3A_881 = arith.constant 4 : i32
    %mul3A_882 = arith.muli %mul3A_881, %arg0 : i32
    %add3A_883 = arith.addi %mul3A_880, %mul3A_882 : i32
    %add3A_884 = arith.constant 2 : i32
    %add3A_885 = arith.addi %add3A_883, %add3A_884 : i32
    %mul3A_886 = arith.constant 3968 : i32
    %mul3A_887 = arith.muli %add3A_885, %mul3A_886 : i32
    %dma_start3A_888 = arith.constant 8208 : i32
    %dma_start3A_889 = tpu.memref_slice %arg5[%dma_start3A_888] : memref<16384xf32, #tpu.memory_space<vmem>> -> memref<3968xf32, #tpu.memory_space<vmem>>
    %dma_start3A_890 = tpu.memref_slice %arg3[%mul3A_887] : memref<8126464xf32, #tpu.memory_space<hbm>> -> memref<3968xf32, #tpu.memory_space<hbm>>
    %dma_start3A_891 = tpu.memref_slice %arg3[%mul3A_887] : memref<8126464xf32, #tpu.memory_space<hbm>> -> memref<3968xf32, #tpu.memory_space<hbm>>
    %dma_start3A_892 = arith.constant 8208 : i32
    %dma_start3A_893 = tpu.memref_slice %arg5[%dma_start3A_892] : memref<16384xf32, #tpu.memory_space<vmem>> -> memref<3968xf32, #tpu.memory_space<vmem>>
    tpu.enqueue_dma source(%dma_start3A_893 : memref<3968xf32, #tpu.memory_space<vmem>>) target(%dma_start3A_891 : memref<3968xf32, #tpu.memory_space<hbm>>) target_semaphore(%arg6 : memref<!tpu.dma_semaphore, #tpu.memory_space<semaphore_mem>>)
    %mul3A_894 = arith.constant 16 : i32
    %mul3A_895 = arith.muli %arg1, %mul3A_894 : i32
    %add3A_896 = arith.constant 14 : i32
    %add3A_897 = arith.addi %mul3A_895, %add3A_896 : i32
    %mul3A_898 = arith.constant 8 : i32
    %mul3A_899 = arith.muli %add3A_897, %mul3A_898 : i32
    %mul3A_900 = arith.constant 4 : i32
    %mul3A_901 = arith.muli %mul3A_900, %arg0 : i32
    %add3A_902 = arith.addi %mul3A_899, %mul3A_901 : i32
    %add3A_903 = arith.constant 2 : i32
    %add3A_904 = arith.addi %add3A_902, %add3A_903 : i32
    %mul3A_905 = arith.constant 3968 : i32
    %mul3A_906 = arith.muli %add3A_904, %mul3A_905 : i32
    %dma_start3A_907 = arith.constant 8200 : i32
    %dma_start3A_908 = tpu.memref_slice %arg5[%dma_start3A_907] : memref<16384xf32, #tpu.memory_space<vmem>> -> memref<3968xf32, #tpu.memory_space<vmem>>
    %dma_start3A_909 = tpu.memref_slice %arg3[%mul3A_906] : memref<8126464xf32, #tpu.memory_space<hbm>> -> memref<3968xf32, #tpu.memory_space<hbm>>
    %dma_start3A_910 = tpu.memref_slice %arg3[%mul3A_906] : memref<8126464xf32, #tpu.memory_space<hbm>> -> memref<3968xf32, #tpu.memory_space<hbm>>
    %dma_start3A_911 = arith.constant 8200 : i32
    %dma_start3A_912 = tpu.memref_slice %arg5[%dma_start3A_911] : memref<16384xf32, #tpu.memory_space<vmem>> -> memref<3968xf32, #tpu.memory_space<vmem>>
    tpu.enqueue_dma source(%dma_start3A_912 : memref<3968xf32, #tpu.memory_space<vmem>>) target(%dma_start3A_910 : memref<3968xf32, #tpu.memory_space<hbm>>) target_semaphore(%arg6 : memref<!tpu.dma_semaphore, #tpu.memory_space<semaphore_mem>>)
    %mul3A_913 = arith.constant 16 : i32
    %mul3A_914 = arith.muli %arg1, %mul3A_913 : i32
    %add3A_915 = arith.constant 15 : i32
    %add3A_916 = arith.addi %mul3A_914, %add3A_915 : i32
    %mul3A_917 = arith.constant 8 : i32
    %mul3A_918 = arith.muli %add3A_916, %mul3A_917 : i32
    %mul3A_919 = arith.constant 4 : i32
    %mul3A_920 = arith.muli %mul3A_919, %arg0 : i32
    %add3A_921 = arith.addi %mul3A_918, %mul3A_920 : i32
    %add3A_922 = arith.constant 2 : i32
    %add3A_923 = arith.addi %add3A_921, %add3A_922 : i32
    %mul3A_924 = arith.constant 3968 : i32
    %mul3A_925 = arith.muli %add3A_923, %mul3A_924 : i32
    %dma_start3A_926 = arith.constant 8192 : i32
    %dma_start3A_927 = tpu.memref_slice %arg5[%dma_start3A_926] : memref<16384xf32, #tpu.memory_space<vmem>> -> memref<3968xf32, #tpu.memory_space<vmem>>
    %dma_start3A_928 = tpu.memref_slice %arg3[%mul3A_925] : memref<8126464xf32, #tpu.memory_space<hbm>> -> memref<3968xf32, #tpu.memory_space<hbm>>
    %dma_start3A_929 = tpu.memref_slice %arg3[%mul3A_925] : memref<8126464xf32, #tpu.memory_space<hbm>> -> memref<3968xf32, #tpu.memory_space<hbm>>
    %dma_start3A_930 = arith.constant 8192 : i32
    %dma_start3A_931 = tpu.memref_slice %arg5[%dma_start3A_930] : memref<16384xf32, #tpu.memory_space<vmem>> -> memref<3968xf32, #tpu.memory_space<vmem>>
    tpu.enqueue_dma source(%dma_start3A_931 : memref<3968xf32, #tpu.memory_space<vmem>>) target(%dma_start3A_929 : memref<3968xf32, #tpu.memory_space<hbm>>) target_semaphore(%arg6 : memref<!tpu.dma_semaphore, #tpu.memory_space<semaphore_mem>>)
    %mul3A_932 = arith.constant 16 : i32
    %mul3A_933 = arith.muli %arg1, %mul3A_932 : i32
    %add3A_934 = arith.constant 0 : i32
    %add3A_935 = arith.addi %mul3A_933, %add3A_934 : i32
    %mul3A_936 = arith.constant 8 : i32
    %mul3A_937 = arith.muli %add3A_935, %mul3A_936 : i32
    %mul3A_938 = arith.constant 4 : i32
    %mul3A_939 = arith.muli %mul3A_938, %arg0 : i32
    %add3A_940 = arith.addi %mul3A_937, %mul3A_939 : i32
    %add3A_941 = arith.constant 3 : i32
    %add3A_942 = arith.addi %add3A_940, %add3A_941 : i32
    %mul3A_943 = arith.constant 3968 : i32
    %mul3A_944 = arith.muli %add3A_942, %mul3A_943 : i32
    %dma_start3A_945 = arith.constant 12408 : i32
    %dma_start3A_946 = tpu.memref_slice %arg5[%dma_start3A_945] : memref<16384xf32, #tpu.memory_space<vmem>> -> memref<3968xf32, #tpu.memory_space<vmem>>
    %dma_start3A_947 = tpu.memref_slice %arg3[%mul3A_944] : memref<8126464xf32, #tpu.memory_space<hbm>> -> memref<3968xf32, #tpu.memory_space<hbm>>
    %dma_start3A_948 = tpu.memref_slice %arg3[%mul3A_944] : memref<8126464xf32, #tpu.memory_space<hbm>> -> memref<3968xf32, #tpu.memory_space<hbm>>
    %dma_start3A_949 = arith.constant 12408 : i32
    %dma_start3A_950 = tpu.memref_slice %arg5[%dma_start3A_949] : memref<16384xf32, #tpu.memory_space<vmem>> -> memref<3968xf32, #tpu.memory_space<vmem>>
    tpu.enqueue_dma source(%dma_start3A_950 : memref<3968xf32, #tpu.memory_space<vmem>>) target(%dma_start3A_948 : memref<3968xf32, #tpu.memory_space<hbm>>) target_semaphore(%arg6 : memref<!tpu.dma_semaphore, #tpu.memory_space<semaphore_mem>>)
    %mul3A_951 = arith.constant 16 : i32
    %mul3A_952 = arith.muli %arg1, %mul3A_951 : i32
    %add3A_953 = arith.constant 1 : i32
    %add3A_954 = arith.addi %mul3A_952, %add3A_953 : i32
    %mul3A_955 = arith.constant 8 : i32
    %mul3A_956 = arith.muli %add3A_954, %mul3A_955 : i32
    %mul3A_957 = arith.constant 4 : i32
    %mul3A_958 = arith.muli %mul3A_957, %arg0 : i32
    %add3A_959 = arith.addi %mul3A_956, %mul3A_958 : i32
    %add3A_960 = arith.constant 3 : i32
    %add3A_961 = arith.addi %add3A_959, %add3A_960 : i32
    %mul3A_962 = arith.constant 3968 : i32
    %mul3A_963 = arith.muli %add3A_961, %mul3A_962 : i32
    %dma_start3A_964 = arith.constant 12400 : i32
    %dma_start3A_965 = tpu.memref_slice %arg5[%dma_start3A_964] : memref<16384xf32, #tpu.memory_space<vmem>> -> memref<3968xf32, #tpu.memory_space<vmem>>
    %dma_start3A_966 = tpu.memref_slice %arg3[%mul3A_963] : memref<8126464xf32, #tpu.memory_space<hbm>> -> memref<3968xf32, #tpu.memory_space<hbm>>
    %dma_start3A_967 = tpu.memref_slice %arg3[%mul3A_963] : memref<8126464xf32, #tpu.memory_space<hbm>> -> memref<3968xf32, #tpu.memory_space<hbm>>
    %dma_start3A_968 = arith.constant 12400 : i32
    %dma_start3A_969 = tpu.memref_slice %arg5[%dma_start3A_968] : memref<16384xf32, #tpu.memory_space<vmem>> -> memref<3968xf32, #tpu.memory_space<vmem>>
    tpu.enqueue_dma source(%dma_start3A_969 : memref<3968xf32, #tpu.memory_space<vmem>>) target(%dma_start3A_967 : memref<3968xf32, #tpu.memory_space<hbm>>) target_semaphore(%arg6 : memref<!tpu.dma_semaphore, #tpu.memory_space<semaphore_mem>>)
    %mul3A_970 = arith.constant 16 : i32
    %mul3A_971 = arith.muli %arg1, %mul3A_970 : i32
    %add3A_972 = arith.constant 2 : i32
    %add3A_973 = arith.addi %mul3A_971, %add3A_972 : i32
    %mul3A_974 = arith.constant 8 : i32
    %mul3A_975 = arith.muli %add3A_973, %mul3A_974 : i32
    %mul3A_976 = arith.constant 4 : i32
    %mul3A_977 = arith.muli %mul3A_976, %arg0 : i32
    %add3A_978 = arith.addi %mul3A_975, %mul3A_977 : i32
    %add3A_979 = arith.constant 3 : i32
    %add3A_980 = arith.addi %add3A_978, %add3A_979 : i32
    %mul3A_981 = arith.constant 3968 : i32
    %mul3A_982 = arith.muli %add3A_980, %mul3A_981 : i32
    %dma_start3A_983 = arith.constant 12392 : i32
    %dma_start3A_984 = tpu.memref_slice %arg5[%dma_start3A_983] : memref<16384xf32, #tpu.memory_space<vmem>> -> memref<3968xf32, #tpu.memory_space<vmem>>
    %dma_start3A_985 = tpu.memref_slice %arg3[%mul3A_982] : memref<8126464xf32, #tpu.memory_space<hbm>> -> memref<3968xf32, #tpu.memory_space<hbm>>
    %dma_start3A_986 = tpu.memref_slice %arg3[%mul3A_982] : memref<8126464xf32, #tpu.memory_space<hbm>> -> memref<3968xf32, #tpu.memory_space<hbm>>
    %dma_start3A_987 = arith.constant 12392 : i32
    %dma_start3A_988 = tpu.memref_slice %arg5[%dma_start3A_987] : memref<16384xf32, #tpu.memory_space<vmem>> -> memref<3968xf32, #tpu.memory_space<vmem>>
    tpu.enqueue_dma source(%dma_start3A_988 : memref<3968xf32, #tpu.memory_space<vmem>>) target(%dma_start3A_986 : memref<3968xf32, #tpu.memory_space<hbm>>) target_semaphore(%arg6 : memref<!tpu.dma_semaphore, #tpu.memory_space<semaphore_mem>>)
    %mul3A_989 = arith.constant 16 : i32
    %mul3A_990 = arith.muli %arg1, %mul3A_989 : i32
    %add3A_991 = arith.constant 3 : i32
    %add3A_992 = arith.addi %mul3A_990, %add3A_991 : i32
    %mul3A_993 = arith.constant 8 : i32
    %mul3A_994 = arith.muli %add3A_992, %mul3A_993 : i32
    %mul3A_995 = arith.constant 4 : i32
    %mul3A_996 = arith.muli %mul3A_995, %arg0 : i32
    %add3A_997 = arith.addi %mul3A_994, %mul3A_996 : i32
    %add3A_998 = arith.constant 3 : i32
    %add3A_999 = arith.addi %add3A_997, %add3A_998 : i32
    %mul3A_1000 = arith.constant 3968 : i32
    %mul3A_1001 = arith.muli %add3A_999, %mul3A_1000 : i32
    %dma_start3A_1002 = arith.constant 12384 : i32
    %dma_start3A_1003 = tpu.memref_slice %arg5[%dma_start3A_1002] : memref<16384xf32, #tpu.memory_space<vmem>> -> memref<3968xf32, #tpu.memory_space<vmem>>
    %dma_start3A_1004 = tpu.memref_slice %arg3[%mul3A_1001] : memref<8126464xf32, #tpu.memory_space<hbm>> -> memref<3968xf32, #tpu.memory_space<hbm>>
    %dma_start3A_1005 = tpu.memref_slice %arg3[%mul3A_1001] : memref<8126464xf32, #tpu.memory_space<hbm>> -> memref<3968xf32, #tpu.memory_space<hbm>>
    %dma_start3A_1006 = arith.constant 12384 : i32
    %dma_start3A_1007 = tpu.memref_slice %arg5[%dma_start3A_1006] : memref<16384xf32, #tpu.memory_space<vmem>> -> memref<3968xf32, #tpu.memory_space<vmem>>
    tpu.enqueue_dma source(%dma_start3A_1007 : memref<3968xf32, #tpu.memory_space<vmem>>) target(%dma_start3A_1005 : memref<3968xf32, #tpu.memory_space<hbm>>) target_semaphore(%arg6 : memref<!tpu.dma_semaphore, #tpu.memory_space<semaphore_mem>>)
    %mul3A_1008 = arith.constant 16 : i32
    %mul3A_1009 = arith.muli %arg1, %mul3A_1008 : i32
    %add3A_1010 = arith.constant 4 : i32
    %add3A_1011 = arith.addi %mul3A_1009, %add3A_1010 : i32
    %mul3A_1012 = arith.constant 8 : i32
    %mul3A_1013 = arith.muli %add3A_1011, %mul3A_1012 : i32
    %mul3A_1014 = arith.constant 4 : i32
    %mul3A_1015 = arith.muli %mul3A_1014, %arg0 : i32
    %add3A_1016 = arith.addi %mul3A_1013, %mul3A_1015 : i32
    %add3A_1017 = arith.constant 3 : i32
    %add3A_1018 = arith.addi %add3A_1016, %add3A_1017 : i32
    %mul3A_1019 = arith.constant 3968 : i32
    %mul3A_1020 = arith.muli %add3A_1018, %mul3A_1019 : i32
    %dma_start3A_1021 = arith.constant 12376 : i32
    %dma_start3A_1022 = tpu.memref_slice %arg5[%dma_start3A_1021] : memref<16384xf32, #tpu.memory_space<vmem>> -> memref<3968xf32, #tpu.memory_space<vmem>>
    %dma_start3A_1023 = tpu.memref_slice %arg3[%mul3A_1020] : memref<8126464xf32, #tpu.memory_space<hbm>> -> memref<3968xf32, #tpu.memory_space<hbm>>
    %dma_start3A_1024 = tpu.memref_slice %arg3[%mul3A_1020] : memref<8126464xf32, #tpu.memory_space<hbm>> -> memref<3968xf32, #tpu.memory_space<hbm>>
    %dma_start3A_1025 = arith.constant 12376 : i32
    %dma_start3A_1026 = tpu.memref_slice %arg5[%dma_start3A_1025] : memref<16384xf32, #tpu.memory_space<vmem>> -> memref<3968xf32, #tpu.memory_space<vmem>>
    tpu.enqueue_dma source(%dma_start3A_1026 : memref<3968xf32, #tpu.memory_space<vmem>>) target(%dma_start3A_1024 : memref<3968xf32, #tpu.memory_space<hbm>>) target_semaphore(%arg6 : memref<!tpu.dma_semaphore, #tpu.memory_space<semaphore_mem>>)
    %mul3A_1027 = arith.constant 16 : i32
    %mul3A_1028 = arith.muli %arg1, %mul3A_1027 : i32
    %add3A_1029 = arith.constant 5 : i32
    %add3A_1030 = arith.addi %mul3A_1028, %add3A_1029 : i32
    %mul3A_1031 = arith.constant 8 : i32
    %mul3A_1032 = arith.muli %add3A_1030, %mul3A_1031 : i32
    %mul3A_1033 = arith.constant 4 : i32
    %mul3A_1034 = arith.muli %mul3A_1033, %arg0 : i32
    %add3A_1035 = arith.addi %mul3A_1032, %mul3A_1034 : i32
    %add3A_1036 = arith.constant 3 : i32
    %add3A_1037 = arith.addi %add3A_1035, %add3A_1036 : i32
    %mul3A_1038 = arith.constant 3968 : i32
    %mul3A_1039 = arith.muli %add3A_1037, %mul3A_1038 : i32
    %dma_start3A_1040 = arith.constant 12368 : i32
    %dma_start3A_1041 = tpu.memref_slice %arg5[%dma_start3A_1040] : memref<16384xf32, #tpu.memory_space<vmem>> -> memref<3968xf32, #tpu.memory_space<vmem>>
    %dma_start3A_1042 = tpu.memref_slice %arg3[%mul3A_1039] : memref<8126464xf32, #tpu.memory_space<hbm>> -> memref<3968xf32, #tpu.memory_space<hbm>>
    %dma_start3A_1043 = tpu.memref_slice %arg3[%mul3A_1039] : memref<8126464xf32, #tpu.memory_space<hbm>> -> memref<3968xf32, #tpu.memory_space<hbm>>
    %dma_start3A_1044 = arith.constant 12368 : i32
    %dma_start3A_1045 = tpu.memref_slice %arg5[%dma_start3A_1044] : memref<16384xf32, #tpu.memory_space<vmem>> -> memref<3968xf32, #tpu.memory_space<vmem>>
    tpu.enqueue_dma source(%dma_start3A_1045 : memref<3968xf32, #tpu.memory_space<vmem>>) target(%dma_start3A_1043 : memref<3968xf32, #tpu.memory_space<hbm>>) target_semaphore(%arg6 : memref<!tpu.dma_semaphore, #tpu.memory_space<semaphore_mem>>)
    %mul3A_1046 = arith.constant 16 : i32
    %mul3A_1047 = arith.muli %arg1, %mul3A_1046 : i32
    %add3A_1048 = arith.constant 6 : i32
    %add3A_1049 = arith.addi %mul3A_1047, %add3A_1048 : i32
    %mul3A_1050 = arith.constant 8 : i32
    %mul3A_1051 = arith.muli %add3A_1049, %mul3A_1050 : i32
    %mul3A_1052 = arith.constant 4 : i32
    %mul3A_1053 = arith.muli %mul3A_1052, %arg0 : i32
    %add3A_1054 = arith.addi %mul3A_1051, %mul3A_1053 : i32
    %add3A_1055 = arith.constant 3 : i32
    %add3A_1056 = arith.addi %add3A_1054, %add3A_1055 : i32
    %mul3A_1057 = arith.constant 3968 : i32
    %mul3A_1058 = arith.muli %add3A_1056, %mul3A_1057 : i32
    %dma_start3A_1059 = arith.constant 12360 : i32
    %dma_start3A_1060 = tpu.memref_slice %arg5[%dma_start3A_1059] : memref<16384xf32, #tpu.memory_space<vmem>> -> memref<3968xf32, #tpu.memory_space<vmem>>
    %dma_start3A_1061 = tpu.memref_slice %arg3[%mul3A_1058] : memref<8126464xf32, #tpu.memory_space<hbm>> -> memref<3968xf32, #tpu.memory_space<hbm>>
    %dma_start3A_1062 = tpu.memref_slice %arg3[%mul3A_1058] : memref<8126464xf32, #tpu.memory_space<hbm>> -> memref<3968xf32, #tpu.memory_space<hbm>>
    %dma_start3A_1063 = arith.constant 12360 : i32
    %dma_start3A_1064 = tpu.memref_slice %arg5[%dma_start3A_1063] : memref<16384xf32, #tpu.memory_space<vmem>> -> memref<3968xf32, #tpu.memory_space<vmem>>
    tpu.enqueue_dma source(%dma_start3A_1064 : memref<3968xf32, #tpu.memory_space<vmem>>) target(%dma_start3A_1062 : memref<3968xf32, #tpu.memory_space<hbm>>) target_semaphore(%arg6 : memref<!tpu.dma_semaphore, #tpu.memory_space<semaphore_mem>>)
    %mul3A_1065 = arith.constant 16 : i32
    %mul3A_1066 = arith.muli %arg1, %mul3A_1065 : i32
    %add3A_1067 = arith.constant 7 : i32
    %add3A_1068 = arith.addi %mul3A_1066, %add3A_1067 : i32
    %mul3A_1069 = arith.constant 8 : i32
    %mul3A_1070 = arith.muli %add3A_1068, %mul3A_1069 : i32
    %mul3A_1071 = arith.constant 4 : i32
    %mul3A_1072 = arith.muli %mul3A_1071, %arg0 : i32
    %add3A_1073 = arith.addi %mul3A_1070, %mul3A_1072 : i32
    %add3A_1074 = arith.constant 3 : i32
    %add3A_1075 = arith.addi %add3A_1073, %add3A_1074 : i32
    %mul3A_1076 = arith.constant 3968 : i32
    %mul3A_1077 = arith.muli %add3A_1075, %mul3A_1076 : i32
    %dma_start3A_1078 = arith.constant 12352 : i32
    %dma_start3A_1079 = tpu.memref_slice %arg5[%dma_start3A_1078] : memref<16384xf32, #tpu.memory_space<vmem>> -> memref<3968xf32, #tpu.memory_space<vmem>>
    %dma_start3A_1080 = tpu.memref_slice %arg3[%mul3A_1077] : memref<8126464xf32, #tpu.memory_space<hbm>> -> memref<3968xf32, #tpu.memory_space<hbm>>
    %dma_start3A_1081 = tpu.memref_slice %arg3[%mul3A_1077] : memref<8126464xf32, #tpu.memory_space<hbm>> -> memref<3968xf32, #tpu.memory_space<hbm>>
    %dma_start3A_1082 = arith.constant 12352 : i32
    %dma_start3A_1083 = tpu.memref_slice %arg5[%dma_start3A_1082] : memref<16384xf32, #tpu.memory_space<vmem>> -> memref<3968xf32, #tpu.memory_space<vmem>>
    tpu.enqueue_dma source(%dma_start3A_1083 : memref<3968xf32, #tpu.memory_space<vmem>>) target(%dma_start3A_1081 : memref<3968xf32, #tpu.memory_space<hbm>>) target_semaphore(%arg6 : memref<!tpu.dma_semaphore, #tpu.memory_space<semaphore_mem>>)
    %mul3A_1084 = arith.constant 16 : i32
    %mul3A_1085 = arith.muli %arg1, %mul3A_1084 : i32
    %add3A_1086 = arith.constant 8 : i32
    %add3A_1087 = arith.addi %mul3A_1085, %add3A_1086 : i32
    %mul3A_1088 = arith.constant 8 : i32
    %mul3A_1089 = arith.muli %add3A_1087, %mul3A_1088 : i32
    %mul3A_1090 = arith.constant 4 : i32
    %mul3A_1091 = arith.muli %mul3A_1090, %arg0 : i32
    %add3A_1092 = arith.addi %mul3A_1089, %mul3A_1091 : i32
    %add3A_1093 = arith.constant 3 : i32
    %add3A_1094 = arith.addi %add3A_1092, %add3A_1093 : i32
    %mul3A_1095 = arith.constant 3968 : i32
    %mul3A_1096 = arith.muli %add3A_1094, %mul3A_1095 : i32
    %dma_start3A_1097 = arith.constant 12344 : i32
    %dma_start3A_1098 = tpu.memref_slice %arg5[%dma_start3A_1097] : memref<16384xf32, #tpu.memory_space<vmem>> -> memref<3968xf32, #tpu.memory_space<vmem>>
    %dma_start3A_1099 = tpu.memref_slice %arg3[%mul3A_1096] : memref<8126464xf32, #tpu.memory_space<hbm>> -> memref<3968xf32, #tpu.memory_space<hbm>>
    %dma_start3A_1100 = tpu.memref_slice %arg3[%mul3A_1096] : memref<8126464xf32, #tpu.memory_space<hbm>> -> memref<3968xf32, #tpu.memory_space<hbm>>
    %dma_start3A_1101 = arith.constant 12344 : i32
    %dma_start3A_1102 = tpu.memref_slice %arg5[%dma_start3A_1101] : memref<16384xf32, #tpu.memory_space<vmem>> -> memref<3968xf32, #tpu.memory_space<vmem>>
    tpu.enqueue_dma source(%dma_start3A_1102 : memref<3968xf32, #tpu.memory_space<vmem>>) target(%dma_start3A_1100 : memref<3968xf32, #tpu.memory_space<hbm>>) target_semaphore(%arg6 : memref<!tpu.dma_semaphore, #tpu.memory_space<semaphore_mem>>)
    %mul3A_1103 = arith.constant 16 : i32
    %mul3A_1104 = arith.muli %arg1, %mul3A_1103 : i32
    %add3A_1105 = arith.constant 9 : i32
    %add3A_1106 = arith.addi %mul3A_1104, %add3A_1105 : i32
    %mul3A_1107 = arith.constant 8 : i32
    %mul3A_1108 = arith.muli %add3A_1106, %mul3A_1107 : i32
    %mul3A_1109 = arith.constant 4 : i32
    %mul3A_1110 = arith.muli %mul3A_1109, %arg0 : i32
    %add3A_1111 = arith.addi %mul3A_1108, %mul3A_1110 : i32
    %add3A_1112 = arith.constant 3 : i32
    %add3A_1113 = arith.addi %add3A_1111, %add3A_1112 : i32
    %mul3A_1114 = arith.constant 3968 : i32
    %mul3A_1115 = arith.muli %add3A_1113, %mul3A_1114 : i32
    %dma_start3A_1116 = arith.constant 12336 : i32
    %dma_start3A_1117 = tpu.memref_slice %arg5[%dma_start3A_1116] : memref<16384xf32, #tpu.memory_space<vmem>> -> memref<3968xf32, #tpu.memory_space<vmem>>
    %dma_start3A_1118 = tpu.memref_slice %arg3[%mul3A_1115] : memref<8126464xf32, #tpu.memory_space<hbm>> -> memref<3968xf32, #tpu.memory_space<hbm>>
    %dma_start3A_1119 = tpu.memref_slice %arg3[%mul3A_1115] : memref<8126464xf32, #tpu.memory_space<hbm>> -> memref<3968xf32, #tpu.memory_space<hbm>>
    %dma_start3A_1120 = arith.constant 12336 : i32
    %dma_start3A_1121 = tpu.memref_slice %arg5[%dma_start3A_1120] : memref<16384xf32, #tpu.memory_space<vmem>> -> memref<3968xf32, #tpu.memory_space<vmem>>
    tpu.enqueue_dma source(%dma_start3A_1121 : memref<3968xf32, #tpu.memory_space<vmem>>) target(%dma_start3A_1119 : memref<3968xf32, #tpu.memory_space<hbm>>) target_semaphore(%arg6 : memref<!tpu.dma_semaphore, #tpu.memory_space<semaphore_mem>>)
    %mul3A_1122 = arith.constant 16 : i32
    %mul3A_1123 = arith.muli %arg1, %mul3A_1122 : i32
    %add3A_1124 = arith.constant 10 : i32
    %add3A_1125 = arith.addi %mul3A_1123, %add3A_1124 : i32
    %mul3A_1126 = arith.constant 8 : i32
    %mul3A_1127 = arith.muli %add3A_1125, %mul3A_1126 : i32
    %mul3A_1128 = arith.constant 4 : i32
    %mul3A_1129 = arith.muli %mul3A_1128, %arg0 : i32
    %add3A_1130 = arith.addi %mul3A_1127, %mul3A_1129 : i32
    %add3A_1131 = arith.constant 3 : i32
    %add3A_1132 = arith.addi %add3A_1130, %add3A_1131 : i32
    %mul3A_1133 = arith.constant 3968 : i32
    %mul3A_1134 = arith.muli %add3A_1132, %mul3A_1133 : i32
    %dma_start3A_1135 = arith.constant 12328 : i32
    %dma_start3A_1136 = tpu.memref_slice %arg5[%dma_start3A_1135] : memref<16384xf32, #tpu.memory_space<vmem>> -> memref<3968xf32, #tpu.memory_space<vmem>>
    %dma_start3A_1137 = tpu.memref_slice %arg3[%mul3A_1134] : memref<8126464xf32, #tpu.memory_space<hbm>> -> memref<3968xf32, #tpu.memory_space<hbm>>
    %dma_start3A_1138 = tpu.memref_slice %arg3[%mul3A_1134] : memref<8126464xf32, #tpu.memory_space<hbm>> -> memref<3968xf32, #tpu.memory_space<hbm>>
    %dma_start3A_1139 = arith.constant 12328 : i32
    %dma_start3A_1140 = tpu.memref_slice %arg5[%dma_start3A_1139] : memref<16384xf32, #tpu.memory_space<vmem>> -> memref<3968xf32, #tpu.memory_space<vmem>>
    tpu.enqueue_dma source(%dma_start3A_1140 : memref<3968xf32, #tpu.memory_space<vmem>>) target(%dma_start3A_1138 : memref<3968xf32, #tpu.memory_space<hbm>>) target_semaphore(%arg6 : memref<!tpu.dma_semaphore, #tpu.memory_space<semaphore_mem>>)
    %mul3A_1141 = arith.constant 16 : i32
    %mul3A_1142 = arith.muli %arg1, %mul3A_1141 : i32
    %add3A_1143 = arith.constant 11 : i32
    %add3A_1144 = arith.addi %mul3A_1142, %add3A_1143 : i32
    %mul3A_1145 = arith.constant 8 : i32
    %mul3A_1146 = arith.muli %add3A_1144, %mul3A_1145 : i32
    %mul3A_1147 = arith.constant 4 : i32
    %mul3A_1148 = arith.muli %mul3A_1147, %arg0 : i32
    %add3A_1149 = arith.addi %mul3A_1146, %mul3A_1148 : i32
    %add3A_1150 = arith.constant 3 : i32
    %add3A_1151 = arith.addi %add3A_1149, %add3A_1150 : i32
    %mul3A_1152 = arith.constant 3968 : i32
    %mul3A_1153 = arith.muli %add3A_1151, %mul3A_1152 : i32
    %dma_start3A_1154 = arith.constant 12320 : i32
    %dma_start3A_1155 = tpu.memref_slice %arg5[%dma_start3A_1154] : memref<16384xf32, #tpu.memory_space<vmem>> -> memref<3968xf32, #tpu.memory_space<vmem>>
    %dma_start3A_1156 = tpu.memref_slice %arg3[%mul3A_1153] : memref<8126464xf32, #tpu.memory_space<hbm>> -> memref<3968xf32, #tpu.memory_space<hbm>>
    %dma_start3A_1157 = tpu.memref_slice %arg3[%mul3A_1153] : memref<8126464xf32, #tpu.memory_space<hbm>> -> memref<3968xf32, #tpu.memory_space<hbm>>
    %dma_start3A_1158 = arith.constant 12320 : i32
    %dma_start3A_1159 = tpu.memref_slice %arg5[%dma_start3A_1158] : memref<16384xf32, #tpu.memory_space<vmem>> -> memref<3968xf32, #tpu.memory_space<vmem>>
    tpu.enqueue_dma source(%dma_start3A_1159 : memref<3968xf32, #tpu.memory_space<vmem>>) target(%dma_start3A_1157 : memref<3968xf32, #tpu.memory_space<hbm>>) target_semaphore(%arg6 : memref<!tpu.dma_semaphore, #tpu.memory_space<semaphore_mem>>)
    %mul3A_1160 = arith.constant 16 : i32
    %mul3A_1161 = arith.muli %arg1, %mul3A_1160 : i32
    %add3A_1162 = arith.constant 12 : i32
    %add3A_1163 = arith.addi %mul3A_1161, %add3A_1162 : i32
    %mul3A_1164 = arith.constant 8 : i32
    %mul3A_1165 = arith.muli %add3A_1163, %mul3A_1164 : i32
    %mul3A_1166 = arith.constant 4 : i32
    %mul3A_1167 = arith.muli %mul3A_1166, %arg0 : i32
    %add3A_1168 = arith.addi %mul3A_1165, %mul3A_1167 : i32
    %add3A_1169 = arith.constant 3 : i32
    %add3A_1170 = arith.addi %add3A_1168, %add3A_1169 : i32
    %mul3A_1171 = arith.constant 3968 : i32
    %mul3A_1172 = arith.muli %add3A_1170, %mul3A_1171 : i32
    %dma_start3A_1173 = arith.constant 12312 : i32
    %dma_start3A_1174 = tpu.memref_slice %arg5[%dma_start3A_1173] : memref<16384xf32, #tpu.memory_space<vmem>> -> memref<3968xf32, #tpu.memory_space<vmem>>
    %dma_start3A_1175 = tpu.memref_slice %arg3[%mul3A_1172] : memref<8126464xf32, #tpu.memory_space<hbm>> -> memref<3968xf32, #tpu.memory_space<hbm>>
    %dma_start3A_1176 = tpu.memref_slice %arg3[%mul3A_1172] : memref<8126464xf32, #tpu.memory_space<hbm>> -> memref<3968xf32, #tpu.memory_space<hbm>>
    %dma_start3A_1177 = arith.constant 12312 : i32
    %dma_start3A_1178 = tpu.memref_slice %arg5[%dma_start3A_1177] : memref<16384xf32, #tpu.memory_space<vmem>> -> memref<3968xf32, #tpu.memory_space<vmem>>
    tpu.enqueue_dma source(%dma_start3A_1178 : memref<3968xf32, #tpu.memory_space<vmem>>) target(%dma_start3A_1176 : memref<3968xf32, #tpu.memory_space<hbm>>) target_semaphore(%arg6 : memref<!tpu.dma_semaphore, #tpu.memory_space<semaphore_mem>>)
    %mul3A_1179 = arith.constant 16 : i32
    %mul3A_1180 = arith.muli %arg1, %mul3A_1179 : i32
    %add3A_1181 = arith.constant 13 : i32
    %add3A_1182 = arith.addi %mul3A_1180, %add3A_1181 : i32
    %mul3A_1183 = arith.constant 8 : i32
    %mul3A_1184 = arith.muli %add3A_1182, %mul3A_1183 : i32
    %mul3A_1185 = arith.constant 4 : i32
    %mul3A_1186 = arith.muli %mul3A_1185, %arg0 : i32
    %add3A_1187 = arith.addi %mul3A_1184, %mul3A_1186 : i32
    %add3A_1188 = arith.constant 3 : i32
    %add3A_1189 = arith.addi %add3A_1187, %add3A_1188 : i32
    %mul3A_1190 = arith.constant 3968 : i32
    %mul3A_1191 = arith.muli %add3A_1189, %mul3A_1190 : i32
    %dma_start3A_1192 = arith.constant 12304 : i32
    %dma_start3A_1193 = tpu.memref_slice %arg5[%dma_start3A_1192] : memref<16384xf32, #tpu.memory_space<vmem>> -> memref<3968xf32, #tpu.memory_space<vmem>>
    %dma_start3A_1194 = tpu.memref_slice %arg3[%mul3A_1191] : memref<8126464xf32, #tpu.memory_space<hbm>> -> memref<3968xf32, #tpu.memory_space<hbm>>
    %dma_start3A_1195 = tpu.memref_slice %arg3[%mul3A_1191] : memref<8126464xf32, #tpu.memory_space<hbm>> -> memref<3968xf32, #tpu.memory_space<hbm>>
    %dma_start3A_1196 = arith.constant 12304 : i32
    %dma_start3A_1197 = tpu.memref_slice %arg5[%dma_start3A_1196] : memref<16384xf32, #tpu.memory_space<vmem>> -> memref<3968xf32, #tpu.memory_space<vmem>>
    tpu.enqueue_dma source(%dma_start3A_1197 : memref<3968xf32, #tpu.memory_space<vmem>>) target(%dma_start3A_1195 : memref<3968xf32, #tpu.memory_space<hbm>>) target_semaphore(%arg6 : memref<!tpu.dma_semaphore, #tpu.memory_space<semaphore_mem>>)
    %mul3A_1198 = arith.constant 16 : i32
    %mul3A_1199 = arith.muli %arg1, %mul3A_1198 : i32
    %add3A_1200 = arith.constant 14 : i32
    %add3A_1201 = arith.addi %mul3A_1199, %add3A_1200 : i32
    %mul3A_1202 = arith.constant 8 : i32
    %mul3A_1203 = arith.muli %add3A_1201, %mul3A_1202 : i32
    %mul3A_1204 = arith.constant 4 : i32
    %mul3A_1205 = arith.muli %mul3A_1204, %arg0 : i32
    %add3A_1206 = arith.addi %mul3A_1203, %mul3A_1205 : i32
    %add3A_1207 = arith.constant 3 : i32
    %add3A_1208 = arith.addi %add3A_1206, %add3A_1207 : i32
    %mul3A_1209 = arith.constant 3968 : i32
    %mul3A_1210 = arith.muli %add3A_1208, %mul3A_1209 : i32
    %dma_start3A_1211 = arith.constant 12296 : i32
    %dma_start3A_1212 = tpu.memref_slice %arg5[%dma_start3A_1211] : memref<16384xf32, #tpu.memory_space<vmem>> -> memref<3968xf32, #tpu.memory_space<vmem>>
    %dma_start3A_1213 = tpu.memref_slice %arg3[%mul3A_1210] : memref<8126464xf32, #tpu.memory_space<hbm>> -> memref<3968xf32, #tpu.memory_space<hbm>>
    %dma_start3A_1214 = tpu.memref_slice %arg3[%mul3A_1210] : memref<8126464xf32, #tpu.memory_space<hbm>> -> memref<3968xf32, #tpu.memory_space<hbm>>
    %dma_start3A_1215 = arith.constant 12296 : i32
    %dma_start3A_1216 = tpu.memref_slice %arg5[%dma_start3A_1215] : memref<16384xf32, #tpu.memory_space<vmem>> -> memref<3968xf32, #tpu.memory_space<vmem>>
    tpu.enqueue_dma source(%dma_start3A_1216 : memref<3968xf32, #tpu.memory_space<vmem>>) target(%dma_start3A_1214 : memref<3968xf32, #tpu.memory_space<hbm>>) target_semaphore(%arg6 : memref<!tpu.dma_semaphore, #tpu.memory_space<semaphore_mem>>)
    %mul3A_1217 = arith.constant 16 : i32
    %mul3A_1218 = arith.muli %arg1, %mul3A_1217 : i32
    %add3A_1219 = arith.constant 15 : i32
    %add3A_1220 = arith.addi %mul3A_1218, %add3A_1219 : i32
    %mul3A_1221 = arith.constant 8 : i32
    %mul3A_1222 = arith.muli %add3A_1220, %mul3A_1221 : i32
    %mul3A_1223 = arith.constant 4 : i32
    %mul3A_1224 = arith.muli %mul3A_1223, %arg0 : i32
    %add3A_1225 = arith.addi %mul3A_1222, %mul3A_1224 : i32
    %add3A_1226 = arith.constant 3 : i32
    %add3A_1227 = arith.addi %add3A_1225, %add3A_1226 : i32
    %mul3A_1228 = arith.constant 3968 : i32
    %mul3A_1229 = arith.muli %add3A_1227, %mul3A_1228 : i32
    %dma_start3A_1230 = arith.constant 12288 : i32
    %dma_start3A_1231 = tpu.memref_slice %arg5[%dma_start3A_1230] : memref<16384xf32, #tpu.memory_space<vmem>> -> memref<3968xf32, #tpu.memory_space<vmem>>
    %dma_start3A_1232 = tpu.memref_slice %arg3[%mul3A_1229] : memref<8126464xf32, #tpu.memory_space<hbm>> -> memref<3968xf32, #tpu.memory_space<hbm>>
    %dma_start3A_1233 = tpu.memref_slice %arg3[%mul3A_1229] : memref<8126464xf32, #tpu.memory_space<hbm>> -> memref<3968xf32, #tpu.memory_space<hbm>>
    %dma_start3A_1234 = arith.constant 12288 : i32
    %dma_start3A_1235 = tpu.memref_slice %arg5[%dma_start3A_1234] : memref<16384xf32, #tpu.memory_space<vmem>> -> memref<3968xf32, #tpu.memory_space<vmem>>
    tpu.enqueue_dma source(%dma_start3A_1235 : memref<3968xf32, #tpu.memory_space<vmem>>) target(%dma_start3A_1233 : memref<3968xf32, #tpu.memory_space<hbm>>) target_semaphore(%arg6 : memref<!tpu.dma_semaphore, #tpu.memory_space<semaphore_mem>>)
    %dma_wait3A = arith.constant 0 : i32
    %dma_wait3A_1236 = tpu.memref_slice %arg5[%dma_wait3A] : memref<16384xf32, #tpu.memory_space<vmem>> -> memref<3968xf32, #tpu.memory_space<vmem>>
    %dma_wait3A_1237 = arith.constant 0 : i32
    %dma_wait3A_1238 = tpu.memref_slice %arg3[%dma_wait3A_1237] : memref<8126464xf32, #tpu.memory_space<hbm>> -> memref<3968xf32, #tpu.memory_space<hbm>>
    %dma_wait3A_1239 = arith.constant 0 : i32
    %dma_wait3A_1240 = tpu.memref_slice %arg5[%dma_wait3A_1239] : memref<16384xf32, #tpu.memory_space<vmem>> -> memref<3968xf32, #tpu.memory_space<vmem>>
    %dma_wait3A_1241 = arith.constant 0 : i32
    %dma_wait3A_1242 = tpu.memref_slice %arg3[%dma_wait3A_1241] : memref<8126464xf32, #tpu.memory_space<hbm>> -> memref<3968xf32, #tpu.memory_space<hbm>>
    tpu.wait_dma2 semaphore(%arg6 : memref<!tpu.dma_semaphore, #tpu.memory_space<semaphore_mem>>) src(%dma_wait3A_1242 : memref<3968xf32, #tpu.memory_space<hbm>>) dst(%dma_wait3A_1240 : memref<3968xf32, #tpu.memory_space<vmem>>)
    %dma_wait3A_1243 = arith.constant 0 : i32
    %dma_wait3A_1244 = tpu.memref_slice %arg5[%dma_wait3A_1243] : memref<16384xf32, #tpu.memory_space<vmem>> -> memref<3968xf32, #tpu.memory_space<vmem>>
    %dma_wait3A_1245 = arith.constant 0 : i32
    %dma_wait3A_1246 = tpu.memref_slice %arg3[%dma_wait3A_1245] : memref<8126464xf32, #tpu.memory_space<hbm>> -> memref<3968xf32, #tpu.memory_space<hbm>>
    %dma_wait3A_1247 = arith.constant 0 : i32
    %dma_wait3A_1248 = tpu.memref_slice %arg5[%dma_wait3A_1247] : memref<16384xf32, #tpu.memory_space<vmem>> -> memref<3968xf32, #tpu.memory_space<vmem>>
    %dma_wait3A_1249 = arith.constant 0 : i32
    %dma_wait3A_1250 = tpu.memref_slice %arg3[%dma_wait3A_1249] : memref<8126464xf32, #tpu.memory_space<hbm>> -> memref<3968xf32, #tpu.memory_space<hbm>>
    tpu.wait_dma2 semaphore(%arg6 : memref<!tpu.dma_semaphore, #tpu.memory_space<semaphore_mem>>) src(%dma_wait3A_1250 : memref<3968xf32, #tpu.memory_space<hbm>>) dst(%dma_wait3A_1248 : memref<3968xf32, #tpu.memory_space<vmem>>)
    %dma_wait3A_1251 = arith.constant 0 : i32
    %dma_wait3A_1252 = tpu.memref_slice %arg5[%dma_wait3A_1251] : memref<16384xf32, #tpu.memory_space<vmem>> -> memref<3968xf32, #tpu.memory_space<vmem>>
    %dma_wait3A_1253 = arith.constant 0 : i32
    %dma_wait3A_1254 = tpu.memref_slice %arg3[%dma_wait3A_1253] : memref<8126464xf32, #tpu.memory_space<hbm>> -> memref<3968xf32, #tpu.memory_space<hbm>>
    %dma_wait3A_1255 = arith.constant 0 : i32
    %dma_wait3A_1256 = tpu.memref_slice %arg5[%dma_wait3A_1255] : memref<16384xf32, #tpu.memory_space<vmem>> -> memref<3968xf32, #tpu.memory_space<vmem>>
    %dma_wait3A_1257 = arith.constant 0 : i32
    %dma_wait3A_1258 = tpu.memref_slice %arg3[%dma_wait3A_1257] : memref<8126464xf32, #tpu.memory_space<hbm>> -> memref<3968xf32, #tpu.memory_space<hbm>>
    tpu.wait_dma2 semaphore(%arg6 : memref<!tpu.dma_semaphore, #tpu.memory_space<semaphore_mem>>) src(%dma_wait3A_1258 : memref<3968xf32, #tpu.memory_space<hbm>>) dst(%dma_wait3A_1256 : memref<3968xf32, #tpu.memory_space<vmem>>)
    %dma_wait3A_1259 = arith.constant 0 : i32
    %dma_wait3A_1260 = tpu.memref_slice %arg5[%dma_wait3A_1259] : memref<16384xf32, #tpu.memory_space<vmem>> -> memref<3968xf32, #tpu.memory_space<vmem>>
    %dma_wait3A_1261 = arith.constant 0 : i32
    %dma_wait3A_1262 = tpu.memref_slice %arg3[%dma_wait3A_1261] : memref<8126464xf32, #tpu.memory_space<hbm>> -> memref<3968xf32, #tpu.memory_space<hbm>>
    %dma_wait3A_1263 = arith.constant 0 : i32
    %dma_wait3A_1264 = tpu.memref_slice %arg5[%dma_wait3A_1263] : memref<16384xf32, #tpu.memory_space<vmem>> -> memref<3968xf32, #tpu.memory_space<vmem>>
    %dma_wait3A_1265 = arith.constant 0 : i32
    %dma_wait3A_1266 = tpu.memref_slice %arg3[%dma_wait3A_1265] : memref<8126464xf32, #tpu.memory_space<hbm>> -> memref<3968xf32, #tpu.memory_space<hbm>>
    tpu.wait_dma2 semaphore(%arg6 : memref<!tpu.dma_semaphore, #tpu.memory_space<semaphore_mem>>) src(%dma_wait3A_1266 : memref<3968xf32, #tpu.memory_space<hbm>>) dst(%dma_wait3A_1264 : memref<3968xf32, #tpu.memory_space<vmem>>)
    %dma_wait3A_1267 = arith.constant 0 : i32
    %dma_wait3A_1268 = tpu.memref_slice %arg5[%dma_wait3A_1267] : memref<16384xf32, #tpu.memory_space<vmem>> -> memref<3968xf32, #tpu.memory_space<vmem>>
    %dma_wait3A_1269 = arith.constant 0 : i32
    %dma_wait3A_1270 = tpu.memref_slice %arg3[%dma_wait3A_1269] : memref<8126464xf32, #tpu.memory_space<hbm>> -> memref<3968xf32, #tpu.memory_space<hbm>>
    %dma_wait3A_1271 = arith.constant 0 : i32
    %dma_wait3A_1272 = tpu.memref_slice %arg5[%dma_wait3A_1271] : memref<16384xf32, #tpu.memory_space<vmem>> -> memref<3968xf32, #tpu.memory_space<vmem>>
    %dma_wait3A_1273 = arith.constant 0 : i32
    %dma_wait3A_1274 = tpu.memref_slice %arg3[%dma_wait3A_1273] : memref<8126464xf32, #tpu.memory_space<hbm>> -> memref<3968xf32, #tpu.memory_space<hbm>>
    tpu.wait_dma2 semaphore(%arg6 : memref<!tpu.dma_semaphore, #tpu.memory_space<semaphore_mem>>) src(%dma_wait3A_1274 : memref<3968xf32, #tpu.memory_space<hbm>>) dst(%dma_wait3A_1272 : memref<3968xf32, #tpu.memory_space<vmem>>)
    %dma_wait3A_1275 = arith.constant 0 : i32
    %dma_wait3A_1276 = tpu.memref_slice %arg5[%dma_wait3A_1275] : memref<16384xf32, #tpu.memory_space<vmem>> -> memref<3968xf32, #tpu.memory_space<vmem>>
    %dma_wait3A_1277 = arith.constant 0 : i32
    %dma_wait3A_1278 = tpu.memref_slice %arg3[%dma_wait3A_1277] : memref<8126464xf32, #tpu.memory_space<hbm>> -> memref<3968xf32, #tpu.memory_space<hbm>>
    %dma_wait3A_1279 = arith.constant 0 : i32
    %dma_wait3A_1280 = tpu.memref_slice %arg5[%dma_wait3A_1279] : memref<16384xf32, #tpu.memory_space<vmem>> -> memref<3968xf32, #tpu.memory_space<vmem>>
    %dma_wait3A_1281 = arith.constant 0 : i32
    %dma_wait3A_1282 = tpu.memref_slice %arg3[%dma_wait3A_1281] : memref<8126464xf32, #tpu.memory_space<hbm>> -> memref<3968xf32, #tpu.memory_space<hbm>>
    tpu.wait_dma2 semaphore(%arg6 : memref<!tpu.dma_semaphore, #tpu.memory_space<semaphore_mem>>) src(%dma_wait3A_1282 : memref<3968xf32, #tpu.memory_space<hbm>>) dst(%dma_wait3A_1280 : memref<3968xf32, #tpu.memory_space<vmem>>)
    %dma_wait3A_1283 = arith.constant 0 : i32
    %dma_wait3A_1284 = tpu.memref_slice %arg5[%dma_wait3A_1283] : memref<16384xf32, #tpu.memory_space<vmem>> -> memref<3968xf32, #tpu.memory_space<vmem>>
    %dma_wait3A_1285 = arith.constant 0 : i32
    %dma_wait3A_1286 = tpu.memref_slice %arg3[%dma_wait3A_1285] : memref<8126464xf32, #tpu.memory_space<hbm>> -> memref<3968xf32, #tpu.memory_space<hbm>>
    %dma_wait3A_1287 = arith.constant 0 : i32
    %dma_wait3A_1288 = tpu.memref_slice %arg5[%dma_wait3A_1287] : memref<16384xf32, #tpu.memory_space<vmem>> -> memref<3968xf32, #tpu.memory_space<vmem>>
    %dma_wait3A_1289 = arith.constant 0 : i32
    %dma_wait3A_1290 = tpu.memref_slice %arg3[%dma_wait3A_1289] : memref<8126464xf32, #tpu.memory_space<hbm>> -> memref<3968xf32, #tpu.memory_space<hbm>>
    tpu.wait_dma2 semaphore(%arg6 : memref<!tpu.dma_semaphore, #tpu.memory_space<semaphore_mem>>) src(%dma_wait3A_1290 : memref<3968xf32, #tpu.memory_space<hbm>>) dst(%dma_wait3A_1288 : memref<3968xf32, #tpu.memory_space<vmem>>)
    %dma_wait3A_1291 = arith.constant 0 : i32
    %dma_wait3A_1292 = tpu.memref_slice %arg5[%dma_wait3A_1291] : memref<16384xf32, #tpu.memory_space<vmem>> -> memref<3968xf32, #tpu.memory_space<vmem>>
    %dma_wait3A_1293 = arith.constant 0 : i32
    %dma_wait3A_1294 = tpu.memref_slice %arg3[%dma_wait3A_1293] : memref<8126464xf32, #tpu.memory_space<hbm>> -> memref<3968xf32, #tpu.memory_space<hbm>>
    %dma_wait3A_1295 = arith.constant 0 : i32
    %dma_wait3A_1296 = tpu.memref_slice %arg5[%dma_wait3A_1295] : memref<16384xf32, #tpu.memory_space<vmem>> -> memref<3968xf32, #tpu.memory_space<vmem>>
    %dma_wait3A_1297 = arith.constant 0 : i32
    %dma_wait3A_1298 = tpu.memref_slice %arg3[%dma_wait3A_1297] : memref<8126464xf32, #tpu.memory_space<hbm>> -> memref<3968xf32, #tpu.memory_space<hbm>>
    tpu.wait_dma2 semaphore(%arg6 : memref<!tpu.dma_semaphore, #tpu.memory_space<semaphore_mem>>) src(%dma_wait3A_1298 : memref<3968xf32, #tpu.memory_space<hbm>>) dst(%dma_wait3A_1296 : memref<3968xf32, #tpu.memory_space<vmem>>)
    %dma_wait3A_1299 = arith.constant 0 : i32
    %dma_wait3A_1300 = tpu.memref_slice %arg5[%dma_wait3A_1299] : memref<16384xf32, #tpu.memory_space<vmem>> -> memref<3968xf32, #tpu.memory_space<vmem>>
    %dma_wait3A_1301 = arith.constant 0 : i32
    %dma_wait3A_1302 = tpu.memref_slice %arg3[%dma_wait3A_1301] : memref<8126464xf32, #tpu.memory_space<hbm>> -> memref<3968xf32, #tpu.memory_space<hbm>>
    %dma_wait3A_1303 = arith.constant 0 : i32
    %dma_wait3A_1304 = tpu.memref_slice %arg5[%dma_wait3A_1303] : memref<16384xf32, #tpu.memory_space<vmem>> -> memref<3968xf32, #tpu.memory_space<vmem>>
    %dma_wait3A_1305 = arith.constant 0 : i32
    %dma_wait3A_1306 = tpu.memref_slice %arg3[%dma_wait3A_1305] : memref<8126464xf32, #tpu.memory_space<hbm>> -> memref<3968xf32, #tpu.memory_space<hbm>>
    tpu.wait_dma2 semaphore(%arg6 : memref<!tpu.dma_semaphore, #tpu.memory_space<semaphore_mem>>) src(%dma_wait3A_1306 : memref<3968xf32, #tpu.memory_space<hbm>>) dst(%dma_wait3A_1304 : memref<3968xf32, #tpu.memory_space<vmem>>)
    %dma_wait3A_1307 = arith.constant 0 : i32
    %dma_wait3A_1308 = tpu.memref_slice %arg5[%dma_wait3A_1307] : memref<16384xf32, #tpu.memory_space<vmem>> -> memref<3968xf32, #tpu.memory_space<vmem>>
    %dma_wait3A_1309 = arith.constant 0 : i32
    %dma_wait3A_1310 = tpu.memref_slice %arg3[%dma_wait3A_1309] : memref<8126464xf32, #tpu.memory_space<hbm>> -> memref<3968xf32, #tpu.memory_space<hbm>>
    %dma_wait3A_1311 = arith.constant 0 : i32
    %dma_wait3A_1312 = tpu.memref_slice %arg5[%dma_wait3A_1311] : memref<16384xf32, #tpu.memory_space<vmem>> -> memref<3968xf32, #tpu.memory_space<vmem>>
    %dma_wait3A_1313 = arith.constant 0 : i32
    %dma_wait3A_1314 = tpu.memref_slice %arg3[%dma_wait3A_1313] : memref<8126464xf32, #tpu.memory_space<hbm>> -> memref<3968xf32, #tpu.memory_space<hbm>>
    tpu.wait_dma2 semaphore(%arg6 : memref<!tpu.dma_semaphore, #tpu.memory_space<semaphore_mem>>) src(%dma_wait3A_1314 : memref<3968xf32, #tpu.memory_space<hbm>>) dst(%dma_wait3A_1312 : memref<3968xf32, #tpu.memory_space<vmem>>)
    %dma_wait3A_1315 = arith.constant 0 : i32
    %dma_wait3A_1316 = tpu.memref_slice %arg5[%dma_wait3A_1315] : memref<16384xf32, #tpu.memory_space<vmem>> -> memref<3968xf32, #tpu.memory_space<vmem>>
    %dma_wait3A_1317 = arith.constant 0 : i32
    %dma_wait3A_1318 = tpu.memref_slice %arg3[%dma_wait3A_1317] : memref<8126464xf32, #tpu.memory_space<hbm>> -> memref<3968xf32, #tpu.memory_space<hbm>>
    %dma_wait3A_1319 = arith.constant 0 : i32
    %dma_wait3A_1320 = tpu.memref_slice %arg5[%dma_wait3A_1319] : memref<16384xf32, #tpu.memory_space<vmem>> -> memref<3968xf32, #tpu.memory_space<vmem>>
    %dma_wait3A_1321 = arith.constant 0 : i32
    %dma_wait3A_1322 = tpu.memref_slice %arg3[%dma_wait3A_1321] : memref<8126464xf32, #tpu.memory_space<hbm>> -> memref<3968xf32, #tpu.memory_space<hbm>>
    tpu.wait_dma2 semaphore(%arg6 : memref<!tpu.dma_semaphore, #tpu.memory_space<semaphore_mem>>) src(%dma_wait3A_1322 : memref<3968xf32, #tpu.memory_space<hbm>>) dst(%dma_wait3A_1320 : memref<3968xf32, #tpu.memory_space<vmem>>)
    %dma_wait3A_1323 = arith.constant 0 : i32
    %dma_wait3A_1324 = tpu.memref_slice %arg5[%dma_wait3A_1323] : memref<16384xf32, #tpu.memory_space<vmem>> -> memref<3968xf32, #tpu.memory_space<vmem>>
    %dma_wait3A_1325 = arith.constant 0 : i32
    %dma_wait3A_1326 = tpu.memref_slice %arg3[%dma_wait3A_1325] : memref<8126464xf32, #tpu.memory_space<hbm>> -> memref<3968xf32, #tpu.memory_space<hbm>>
    %dma_wait3A_1327 = arith.constant 0 : i32
    %dma_wait3A_1328 = tpu.memref_slice %arg5[%dma_wait3A_1327] : memref<16384xf32, #tpu.memory_space<vmem>> -> memref<3968xf32, #tpu.memory_space<vmem>>
    %dma_wait3A_1329 = arith.constant 0 : i32
    %dma_wait3A_1330 = tpu.memref_slice %arg3[%dma_wait3A_1329] : memref<8126464xf32, #tpu.memory_space<hbm>> -> memref<3968xf32, #tpu.memory_space<hbm>>
    tpu.wait_dma2 semaphore(%arg6 : memref<!tpu.dma_semaphore, #tpu.memory_space<semaphore_mem>>) src(%dma_wait3A_1330 : memref<3968xf32, #tpu.memory_space<hbm>>) dst(%dma_wait3A_1328 : memref<3968xf32, #tpu.memory_space<vmem>>)
    %dma_wait3A_1331 = arith.constant 0 : i32
    %dma_wait3A_1332 = tpu.memref_slice %arg5[%dma_wait3A_1331] : memref<16384xf32, #tpu.memory_space<vmem>> -> memref<3968xf32, #tpu.memory_space<vmem>>
    %dma_wait3A_1333 = arith.constant 0 : i32
    %dma_wait3A_1334 = tpu.memref_slice %arg3[%dma_wait3A_1333] : memref<8126464xf32, #tpu.memory_space<hbm>> -> memref<3968xf32, #tpu.memory_space<hbm>>
    %dma_wait3A_1335 = arith.constant 0 : i32
    %dma_wait3A_1336 = tpu.memref_slice %arg5[%dma_wait3A_1335] : memref<16384xf32, #tpu.memory_space<vmem>> -> memref<3968xf32, #tpu.memory_space<vmem>>
    %dma_wait3A_1337 = arith.constant 0 : i32
    %dma_wait3A_1338 = tpu.memref_slice %arg3[%dma_wait3A_1337] : memref<8126464xf32, #tpu.memory_space<hbm>> -> memref<3968xf32, #tpu.memory_space<hbm>>
    tpu.wait_dma2 semaphore(%arg6 : memref<!tpu.dma_semaphore, #tpu.memory_space<semaphore_mem>>) src(%dma_wait3A_1338 : memref<3968xf32, #tpu.memory_space<hbm>>) dst(%dma_wait3A_1336 : memref<3968xf32, #tpu.memory_space<vmem>>)
    %dma_wait3A_1339 = arith.constant 0 : i32
    %dma_wait3A_1340 = tpu.memref_slice %arg5[%dma_wait3A_1339] : memref<16384xf32, #tpu.memory_space<vmem>> -> memref<3968xf32, #tpu.memory_space<vmem>>
    %dma_wait3A_1341 = arith.constant 0 : i32
    %dma_wait3A_1342 = tpu.memref_slice %arg3[%dma_wait3A_1341] : memref<8126464xf32, #tpu.memory_space<hbm>> -> memref<3968xf32, #tpu.memory_space<hbm>>
    %dma_wait3A_1343 = arith.constant 0 : i32
    %dma_wait3A_1344 = tpu.memref_slice %arg5[%dma_wait3A_1343] : memref<16384xf32, #tpu.memory_space<vmem>> -> memref<3968xf32, #tpu.memory_space<vmem>>
    %dma_wait3A_1345 = arith.constant 0 : i32
    %dma_wait3A_1346 = tpu.memref_slice %arg3[%dma_wait3A_1345] : memref<8126464xf32, #tpu.memory_space<hbm>> -> memref<3968xf32, #tpu.memory_space<hbm>>
    tpu.wait_dma2 semaphore(%arg6 : memref<!tpu.dma_semaphore, #tpu.memory_space<semaphore_mem>>) src(%dma_wait3A_1346 : memref<3968xf32, #tpu.memory_space<hbm>>) dst(%dma_wait3A_1344 : memref<3968xf32, #tpu.memory_space<vmem>>)
    %dma_wait3A_1347 = arith.constant 0 : i32
    %dma_wait3A_1348 = tpu.memref_slice %arg5[%dma_wait3A_1347] : memref<16384xf32, #tpu.memory_space<vmem>> -> memref<3968xf32, #tpu.memory_space<vmem>>
    %dma_wait3A_1349 = arith.constant 0 : i32
    %dma_wait3A_1350 = tpu.memref_slice %arg3[%dma_wait3A_1349] : memref<8126464xf32, #tpu.memory_space<hbm>> -> memref<3968xf32, #tpu.memory_space<hbm>>
    %dma_wait3A_1351 = arith.constant 0 : i32
    %dma_wait3A_1352 = tpu.memref_slice %arg5[%dma_wait3A_1351] : memref<16384xf32, #tpu.memory_space<vmem>> -> memref<3968xf32, #tpu.memory_space<vmem>>
    %dma_wait3A_1353 = arith.constant 0 : i32
    %dma_wait3A_1354 = tpu.memref_slice %arg3[%dma_wait3A_1353] : memref<8126464xf32, #tpu.memory_space<hbm>> -> memref<3968xf32, #tpu.memory_space<hbm>>
    tpu.wait_dma2 semaphore(%arg6 : memref<!tpu.dma_semaphore, #tpu.memory_space<semaphore_mem>>) src(%dma_wait3A_1354 : memref<3968xf32, #tpu.memory_space<hbm>>) dst(%dma_wait3A_1352 : memref<3968xf32, #tpu.memory_space<vmem>>)
    %dma_wait3A_1355 = arith.constant 0 : i32
    %dma_wait3A_1356 = tpu.memref_slice %arg5[%dma_wait3A_1355] : memref<16384xf32, #tpu.memory_space<vmem>> -> memref<3968xf32, #tpu.memory_space<vmem>>
    %dma_wait3A_1357 = arith.constant 0 : i32
    %dma_wait3A_1358 = tpu.memref_slice %arg3[%dma_wait3A_1357] : memref<8126464xf32, #tpu.memory_space<hbm>> -> memref<3968xf32, #tpu.memory_space<hbm>>
    %dma_wait3A_1359 = arith.constant 0 : i32
    %dma_wait3A_1360 = tpu.memref_slice %arg5[%dma_wait3A_1359] : memref<16384xf32, #tpu.memory_space<vmem>> -> memref<3968xf32, #tpu.memory_space<vmem>>
    %dma_wait3A_1361 = arith.constant 0 : i32
    %dma_wait3A_1362 = tpu.memref_slice %arg3[%dma_wait3A_1361] : memref<8126464xf32, #tpu.memory_space<hbm>> -> memref<3968xf32, #tpu.memory_space<hbm>>
    tpu.wait_dma2 semaphore(%arg6 : memref<!tpu.dma_semaphore, #tpu.memory_space<semaphore_mem>>) src(%dma_wait3A_1362 : memref<3968xf32, #tpu.memory_space<hbm>>) dst(%dma_wait3A_1360 : memref<3968xf32, #tpu.memory_space<vmem>>)
    %dma_wait3A_1363 = arith.constant 0 : i32
    %dma_wait3A_1364 = tpu.memref_slice %arg5[%dma_wait3A_1363] : memref<16384xf32, #tpu.memory_space<vmem>> -> memref<3968xf32, #tpu.memory_space<vmem>>
    %dma_wait3A_1365 = arith.constant 0 : i32
    %dma_wait3A_1366 = tpu.memref_slice %arg3[%dma_wait3A_1365] : memref<8126464xf32, #tpu.memory_space<hbm>> -> memref<3968xf32, #tpu.memory_space<hbm>>
    %dma_wait3A_1367 = arith.constant 0 : i32
    %dma_wait3A_1368 = tpu.memref_slice %arg5[%dma_wait3A_1367] : memref<16384xf32, #tpu.memory_space<vmem>> -> memref<3968xf32, #tpu.memory_space<vmem>>
    %dma_wait3A_1369 = arith.constant 0 : i32
    %dma_wait3A_1370 = tpu.memref_slice %arg3[%dma_wait3A_1369] : memref<8126464xf32, #tpu.memory_space<hbm>> -> memref<3968xf32, #tpu.memory_space<hbm>>
    tpu.wait_dma2 semaphore(%arg6 : memref<!tpu.dma_semaphore, #tpu.memory_space<semaphore_mem>>) src(%dma_wait3A_1370 : memref<3968xf32, #tpu.memory_space<hbm>>) dst(%dma_wait3A_1368 : memref<3968xf32, #tpu.memory_space<vmem>>)
    %dma_wait3A_1371 = arith.constant 0 : i32
    %dma_wait3A_1372 = tpu.memref_slice %arg5[%dma_wait3A_1371] : memref<16384xf32, #tpu.memory_space<vmem>> -> memref<3968xf32, #tpu.memory_space<vmem>>
    %dma_wait3A_1373 = arith.constant 0 : i32
    %dma_wait3A_1374 = tpu.memref_slice %arg3[%dma_wait3A_1373] : memref<8126464xf32, #tpu.memory_space<hbm>> -> memref<3968xf32, #tpu.memory_space<hbm>>
    %dma_wait3A_1375 = arith.constant 0 : i32
    %dma_wait3A_1376 = tpu.memref_slice %arg5[%dma_wait3A_1375] : memref<16384xf32, #tpu.memory_space<vmem>> -> memref<3968xf32, #tpu.memory_space<vmem>>
    %dma_wait3A_1377 = arith.constant 0 : i32
    %dma_wait3A_1378 = tpu.memref_slice %arg3[%dma_wait3A_1377] : memref<8126464xf32, #tpu.memory_space<hbm>> -> memref<3968xf32, #tpu.memory_space<hbm>>
    tpu.wait_dma2 semaphore(%arg6 : memref<!tpu.dma_semaphore, #tpu.memory_space<semaphore_mem>>) src(%dma_wait3A_1378 : memref<3968xf32, #tpu.memory_space<hbm>>) dst(%dma_wait3A_1376 : memref<3968xf32, #tpu.memory_space<vmem>>)
    %dma_wait3A_1379 = arith.constant 0 : i32
    %dma_wait3A_1380 = tpu.memref_slice %arg5[%dma_wait3A_1379] : memref<16384xf32, #tpu.memory_space<vmem>> -> memref<3968xf32, #tpu.memory_space<vmem>>
    %dma_wait3A_1381 = arith.constant 0 : i32
    %dma_wait3A_1382 = tpu.memref_slice %arg3[%dma_wait3A_1381] : memref<8126464xf32, #tpu.memory_space<hbm>> -> memref<3968xf32, #tpu.memory_space<hbm>>
    %dma_wait3A_1383 = arith.constant 0 : i32
    %dma_wait3A_1384 = tpu.memref_slice %arg5[%dma_wait3A_1383] : memref<16384xf32, #tpu.memory_space<vmem>> -> memref<3968xf32, #tpu.memory_space<vmem>>
    %dma_wait3A_1385 = arith.constant 0 : i32
    %dma_wait3A_1386 = tpu.memref_slice %arg3[%dma_wait3A_1385] : memref<8126464xf32, #tpu.memory_space<hbm>> -> memref<3968xf32, #tpu.memory_space<hbm>>
    tpu.wait_dma2 semaphore(%arg6 : memref<!tpu.dma_semaphore, #tpu.memory_space<semaphore_mem>>) src(%dma_wait3A_1386 : memref<3968xf32, #tpu.memory_space<hbm>>) dst(%dma_wait3A_1384 : memref<3968xf32, #tpu.memory_space<vmem>>)
    %dma_wait3A_1387 = arith.constant 0 : i32
    %dma_wait3A_1388 = tpu.memref_slice %arg5[%dma_wait3A_1387] : memref<16384xf32, #tpu.memory_space<vmem>> -> memref<3968xf32, #tpu.memory_space<vmem>>
    %dma_wait3A_1389 = arith.constant 0 : i32
    %dma_wait3A_1390 = tpu.memref_slice %arg3[%dma_wait3A_1389] : memref<8126464xf32, #tpu.memory_space<hbm>> -> memref<3968xf32, #tpu.memory_space<hbm>>
    %dma_wait3A_1391 = arith.constant 0 : i32
    %dma_wait3A_1392 = tpu.memref_slice %arg5[%dma_wait3A_1391] : memref<16384xf32, #tpu.memory_space<vmem>> -> memref<3968xf32, #tpu.memory_space<vmem>>
    %dma_wait3A_1393 = arith.constant 0 : i32
    %dma_wait3A_1394 = tpu.memref_slice %arg3[%dma_wait3A_1393] : memref<8126464xf32, #tpu.memory_space<hbm>> -> memref<3968xf32, #tpu.memory_space<hbm>>
    tpu.wait_dma2 semaphore(%arg6 : memref<!tpu.dma_semaphore, #tpu.memory_space<semaphore_mem>>) src(%dma_wait3A_1394 : memref<3968xf32, #tpu.memory_space<hbm>>) dst(%dma_wait3A_1392 : memref<3968xf32, #tpu.memory_space<vmem>>)
    %dma_wait3A_1395 = arith.constant 0 : i32
    %dma_wait3A_1396 = tpu.memref_slice %arg5[%dma_wait3A_1395] : memref<16384xf32, #tpu.memory_space<vmem>> -> memref<3968xf32, #tpu.memory_space<vmem>>
    %dma_wait3A_1397 = arith.constant 0 : i32
    %dma_wait3A_1398 = tpu.memref_slice %arg3[%dma_wait3A_1397] : memref<8126464xf32, #tpu.memory_space<hbm>> -> memref<3968xf32, #tpu.memory_space<hbm>>
    %dma_wait3A_1399 = arith.constant 0 : i32
    %dma_wait3A_1400 = tpu.memref_slice %arg5[%dma_wait3A_1399] : memref<16384xf32, #tpu.memory_space<vmem>> -> memref<3968xf32, #tpu.memory_space<vmem>>
    %dma_wait3A_1401 = arith.constant 0 : i32
    %dma_wait3A_1402 = tpu.memref_slice %arg3[%dma_wait3A_1401] : memref<8126464xf32, #tpu.memory_space<hbm>> -> memref<3968xf32, #tpu.memory_space<hbm>>
    tpu.wait_dma2 semaphore(%arg6 : memref<!tpu.dma_semaphore, #tpu.memory_space<semaphore_mem>>) src(%dma_wait3A_1402 : memref<3968xf32, #tpu.memory_space<hbm>>) dst(%dma_wait3A_1400 : memref<3968xf32, #tpu.memory_space<vmem>>)
    %dma_wait3A_1403 = arith.constant 0 : i32
    %dma_wait3A_1404 = tpu.memref_slice %arg5[%dma_wait3A_1403] : memref<16384xf32, #tpu.memory_space<vmem>> -> memref<3968xf32, #tpu.memory_space<vmem>>
    %dma_wait3A_1405 = arith.constant 0 : i32
    %dma_wait3A_1406 = tpu.memref_slice %arg3[%dma_wait3A_1405] : memref<8126464xf32, #tpu.memory_space<hbm>> -> memref<3968xf32, #tpu.memory_space<hbm>>
    %dma_wait3A_1407 = arith.constant 0 : i32
    %dma_wait3A_1408 = tpu.memref_slice %arg5[%dma_wait3A_1407] : memref<16384xf32, #tpu.memory_space<vmem>> -> memref<3968xf32, #tpu.memory_space<vmem>>
    %dma_wait3A_1409 = arith.constant 0 : i32
    %dma_wait3A_1410 = tpu.memref_slice %arg3[%dma_wait3A_1409] : memref<8126464xf32, #tpu.memory_space<hbm>> -> memref<3968xf32, #tpu.memory_space<hbm>>
    tpu.wait_dma2 semaphore(%arg6 : memref<!tpu.dma_semaphore, #tpu.memory_space<semaphore_mem>>) src(%dma_wait3A_1410 : memref<3968xf32, #tpu.memory_space<hbm>>) dst(%dma_wait3A_1408 : memref<3968xf32, #tpu.memory_space<vmem>>)
    %dma_wait3A_1411 = arith.constant 0 : i32
    %dma_wait3A_1412 = tpu.memref_slice %arg5[%dma_wait3A_1411] : memref<16384xf32, #tpu.memory_space<vmem>> -> memref<3968xf32, #tpu.memory_space<vmem>>
    %dma_wait3A_1413 = arith.constant 0 : i32
    %dma_wait3A_1414 = tpu.memref_slice %arg3[%dma_wait3A_1413] : memref<8126464xf32, #tpu.memory_space<hbm>> -> memref<3968xf32, #tpu.memory_space<hbm>>
    %dma_wait3A_1415 = arith.constant 0 : i32
    %dma_wait3A_1416 = tpu.memref_slice %arg5[%dma_wait3A_1415] : memref<16384xf32, #tpu.memory_space<vmem>> -> memref<3968xf32, #tpu.memory_space<vmem>>
    %dma_wait3A_1417 = arith.constant 0 : i32
    %dma_wait3A_1418 = tpu.memref_slice %arg3[%dma_wait3A_1417] : memref<8126464xf32, #tpu.memory_space<hbm>> -> memref<3968xf32, #tpu.memory_space<hbm>>
    tpu.wait_dma2 semaphore(%arg6 : memref<!tpu.dma_semaphore, #tpu.memory_space<semaphore_mem>>) src(%dma_wait3A_1418 : memref<3968xf32, #tpu.memory_space<hbm>>) dst(%dma_wait3A_1416 : memref<3968xf32, #tpu.memory_space<vmem>>)
    %dma_wait3A_1419 = arith.constant 0 : i32
    %dma_wait3A_1420 = tpu.memref_slice %arg5[%dma_wait3A_1419] : memref<16384xf32, #tpu.memory_space<vmem>> -> memref<3968xf32, #tpu.memory_space<vmem>>
    %dma_wait3A_1421 = arith.constant 0 : i32
    %dma_wait3A_1422 = tpu.memref_slice %arg3[%dma_wait3A_1421] : memref<8126464xf32, #tpu.memory_space<hbm>> -> memref<3968xf32, #tpu.memory_space<hbm>>
    %dma_wait3A_1423 = arith.constant 0 : i32
    %dma_wait3A_1424 = tpu.memref_slice %arg5[%dma_wait3A_1423] : memref<16384xf32, #tpu.memory_space<vmem>> -> memref<3968xf32, #tpu.memory_space<vmem>>
    %dma_wait3A_1425 = arith.constant 0 : i32
    %dma_wait3A_1426 = tpu.memref_slice %arg3[%dma_wait3A_1425] : memref<8126464xf32, #tpu.memory_space<hbm>> -> memref<3968xf32, #tpu.memory_space<hbm>>
    tpu.wait_dma2 semaphore(%arg6 : memref<!tpu.dma_semaphore, #tpu.memory_space<semaphore_mem>>) src(%dma_wait3A_1426 : memref<3968xf32, #tpu.memory_space<hbm>>) dst(%dma_wait3A_1424 : memref<3968xf32, #tpu.memory_space<vmem>>)
    %dma_wait3A_1427 = arith.constant 0 : i32
    %dma_wait3A_1428 = tpu.memref_slice %arg5[%dma_wait3A_1427] : memref<16384xf32, #tpu.memory_space<vmem>> -> memref<3968xf32, #tpu.memory_space<vmem>>
    %dma_wait3A_1429 = arith.constant 0 : i32
    %dma_wait3A_1430 = tpu.memref_slice %arg3[%dma_wait3A_1429] : memref<8126464xf32, #tpu.memory_space<hbm>> -> memref<3968xf32, #tpu.memory_space<hbm>>
    %dma_wait3A_1431 = arith.constant 0 : i32
    %dma_wait3A_1432 = tpu.memref_slice %arg5[%dma_wait3A_1431] : memref<16384xf32, #tpu.memory_space<vmem>> -> memref<3968xf32, #tpu.memory_space<vmem>>
    %dma_wait3A_1433 = arith.constant 0 : i32
    %dma_wait3A_1434 = tpu.memref_slice %arg3[%dma_wait3A_1433] : memref<8126464xf32, #tpu.memory_space<hbm>> -> memref<3968xf32, #tpu.memory_space<hbm>>
    tpu.wait_dma2 semaphore(%arg6 : memref<!tpu.dma_semaphore, #tpu.memory_space<semaphore_mem>>) src(%dma_wait3A_1434 : memref<3968xf32, #tpu.memory_space<hbm>>) dst(%dma_wait3A_1432 : memref<3968xf32, #tpu.memory_space<vmem>>)
    %dma_wait3A_1435 = arith.constant 0 : i32
    %dma_wait3A_1436 = tpu.memref_slice %arg5[%dma_wait3A_1435] : memref<16384xf32, #tpu.memory_space<vmem>> -> memref<3968xf32, #tpu.memory_space<vmem>>
    %dma_wait3A_1437 = arith.constant 0 : i32
    %dma_wait3A_1438 = tpu.memref_slice %arg3[%dma_wait3A_1437] : memref<8126464xf32, #tpu.memory_space<hbm>> -> memref<3968xf32, #tpu.memory_space<hbm>>
    %dma_wait3A_1439 = arith.constant 0 : i32
    %dma_wait3A_1440 = tpu.memref_slice %arg5[%dma_wait3A_1439] : memref<16384xf32, #tpu.memory_space<vmem>> -> memref<3968xf32, #tpu.memory_space<vmem>>
    %dma_wait3A_1441 = arith.constant 0 : i32
    %dma_wait3A_1442 = tpu.memref_slice %arg3[%dma_wait3A_1441] : memref<8126464xf32, #tpu.memory_space<hbm>> -> memref<3968xf32, #tpu.memory_space<hbm>>
    tpu.wait_dma2 semaphore(%arg6 : memref<!tpu.dma_semaphore, #tpu.memory_space<semaphore_mem>>) src(%dma_wait3A_1442 : memref<3968xf32, #tpu.memory_space<hbm>>) dst(%dma_wait3A_1440 : memref<3968xf32, #tpu.memory_space<vmem>>)
    %dma_wait3A_1443 = arith.constant 0 : i32
    %dma_wait3A_1444 = tpu.memref_slice %arg5[%dma_wait3A_1443] : memref<16384xf32, #tpu.memory_space<vmem>> -> memref<3968xf32, #tpu.memory_space<vmem>>
    %dma_wait3A_1445 = arith.constant 0 : i32
    %dma_wait3A_1446 = tpu.memref_slice %arg3[%dma_wait3A_1445] : memref<8126464xf32, #tpu.memory_space<hbm>> -> memref<3968xf32, #tpu.memory_space<hbm>>
    %dma_wait3A_1447 = arith.constant 0 : i32
    %dma_wait3A_1448 = tpu.memref_slice %arg5[%dma_wait3A_1447] : memref<16384xf32, #tpu.memory_space<vmem>> -> memref<3968xf32, #tpu.memory_space<vmem>>
    %dma_wait3A_1449 = arith.constant 0 : i32
    %dma_wait3A_1450 = tpu.memref_slice %arg3[%dma_wait3A_1449] : memref<8126464xf32, #tpu.memory_space<hbm>> -> memref<3968xf32, #tpu.memory_space<hbm>>
    tpu.wait_dma2 semaphore(%arg6 : memref<!tpu.dma_semaphore, #tpu.memory_space<semaphore_mem>>) src(%dma_wait3A_1450 : memref<3968xf32, #tpu.memory_space<hbm>>) dst(%dma_wait3A_1448 : memref<3968xf32, #tpu.memory_space<vmem>>)
    %dma_wait3A_1451 = arith.constant 0 : i32
    %dma_wait3A_1452 = tpu.memref_slice %arg5[%dma_wait3A_1451] : memref<16384xf32, #tpu.memory_space<vmem>> -> memref<3968xf32, #tpu.memory_space<vmem>>
    %dma_wait3A_1453 = arith.constant 0 : i32
    %dma_wait3A_1454 = tpu.memref_slice %arg3[%dma_wait3A_1453] : memref<8126464xf32, #tpu.memory_space<hbm>> -> memref<3968xf32, #tpu.memory_space<hbm>>
    %dma_wait3A_1455 = arith.constant 0 : i32
    %dma_wait3A_1456 = tpu.memref_slice %arg5[%dma_wait3A_1455] : memref<16384xf32, #tpu.memory_space<vmem>> -> memref<3968xf32, #tpu.memory_space<vmem>>
    %dma_wait3A_1457 = arith.constant 0 : i32
    %dma_wait3A_1458 = tpu.memref_slice %arg3[%dma_wait3A_1457] : memref<8126464xf32, #tpu.memory_space<hbm>> -> memref<3968xf32, #tpu.memory_space<hbm>>
    tpu.wait_dma2 semaphore(%arg6 : memref<!tpu.dma_semaphore, #tpu.memory_space<semaphore_mem>>) src(%dma_wait3A_1458 : memref<3968xf32, #tpu.memory_space<hbm>>) dst(%dma_wait3A_1456 : memref<3968xf32, #tpu.memory_space<vmem>>)
    %dma_wait3A_1459 = arith.constant 0 : i32
    %dma_wait3A_1460 = tpu.memref_slice %arg5[%dma_wait3A_1459] : memref<16384xf32, #tpu.memory_space<vmem>> -> memref<3968xf32, #tpu.memory_space<vmem>>
    %dma_wait3A_1461 = arith.constant 0 : i32
    %dma_wait3A_1462 = tpu.memref_slice %arg3[%dma_wait3A_1461] : memref<8126464xf32, #tpu.memory_space<hbm>> -> memref<3968xf32, #tpu.memory_space<hbm>>
    %dma_wait3A_1463 = arith.constant 0 : i32
    %dma_wait3A_1464 = tpu.memref_slice %arg5[%dma_wait3A_1463] : memref<16384xf32, #tpu.memory_space<vmem>> -> memref<3968xf32, #tpu.memory_space<vmem>>
    %dma_wait3A_1465 = arith.constant 0 : i32
    %dma_wait3A_1466 = tpu.memref_slice %arg3[%dma_wait3A_1465] : memref<8126464xf32, #tpu.memory_space<hbm>> -> memref<3968xf32, #tpu.memory_space<hbm>>
    tpu.wait_dma2 semaphore(%arg6 : memref<!tpu.dma_semaphore, #tpu.memory_space<semaphore_mem>>) src(%dma_wait3A_1466 : memref<3968xf32, #tpu.memory_space<hbm>>) dst(%dma_wait3A_1464 : memref<3968xf32, #tpu.memory_space<vmem>>)
    %dma_wait3A_1467 = arith.constant 0 : i32
    %dma_wait3A_1468 = tpu.memref_slice %arg5[%dma_wait3A_1467] : memref<16384xf32, #tpu.memory_space<vmem>> -> memref<3968xf32, #tpu.memory_space<vmem>>
    %dma_wait3A_1469 = arith.constant 0 : i32
    %dma_wait3A_1470 = tpu.memref_slice %arg3[%dma_wait3A_1469] : memref<8126464xf32, #tpu.memory_space<hbm>> -> memref<3968xf32, #tpu.memory_space<hbm>>
    %dma_wait3A_1471 = arith.constant 0 : i32
    %dma_wait3A_1472 = tpu.memref_slice %arg5[%dma_wait3A_1471] : memref<16384xf32, #tpu.memory_space<vmem>> -> memref<3968xf32, #tpu.memory_space<vmem>>
    %dma_wait3A_1473 = arith.constant 0 : i32
    %dma_wait3A_1474 = tpu.memref_slice %arg3[%dma_wait3A_1473] : memref<8126464xf32, #tpu.memory_space<hbm>> -> memref<3968xf32, #tpu.memory_space<hbm>>
    tpu.wait_dma2 semaphore(%arg6 : memref<!tpu.dma_semaphore, #tpu.memory_space<semaphore_mem>>) src(%dma_wait3A_1474 : memref<3968xf32, #tpu.memory_space<hbm>>) dst(%dma_wait3A_1472 : memref<3968xf32, #tpu.memory_space<vmem>>)
    %dma_wait3A_1475 = arith.constant 0 : i32
    %dma_wait3A_1476 = tpu.memref_slice %arg5[%dma_wait3A_1475] : memref<16384xf32, #tpu.memory_space<vmem>> -> memref<3968xf32, #tpu.memory_space<vmem>>
    %dma_wait3A_1477 = arith.constant 0 : i32
    %dma_wait3A_1478 = tpu.memref_slice %arg3[%dma_wait3A_1477] : memref<8126464xf32, #tpu.memory_space<hbm>> -> memref<3968xf32, #tpu.memory_space<hbm>>
    %dma_wait3A_1479 = arith.constant 0 : i32
    %dma_wait3A_1480 = tpu.memref_slice %arg5[%dma_wait3A_1479] : memref<16384xf32, #tpu.memory_space<vmem>> -> memref<3968xf32, #tpu.memory_space<vmem>>
    %dma_wait3A_1481 = arith.constant 0 : i32
    %dma_wait3A_1482 = tpu.memref_slice %arg3[%dma_wait3A_1481] : memref<8126464xf32, #tpu.memory_space<hbm>> -> memref<3968xf32, #tpu.memory_space<hbm>>
    tpu.wait_dma2 semaphore(%arg6 : memref<!tpu.dma_semaphore, #tpu.memory_space<semaphore_mem>>) src(%dma_wait3A_1482 : memref<3968xf32, #tpu.memory_space<hbm>>) dst(%dma_wait3A_1480 : memref<3968xf32, #tpu.memory_space<vmem>>)
    %dma_wait3A_1483 = arith.constant 0 : i32
    %dma_wait3A_1484 = tpu.memref_slice %arg5[%dma_wait3A_1483] : memref<16384xf32, #tpu.memory_space<vmem>> -> memref<3968xf32, #tpu.memory_space<vmem>>
    %dma_wait3A_1485 = arith.constant 0 : i32
    %dma_wait3A_1486 = tpu.memref_slice %arg3[%dma_wait3A_1485] : memref<8126464xf32, #tpu.memory_space<hbm>> -> memref<3968xf32, #tpu.memory_space<hbm>>
    %dma_wait3A_1487 = arith.constant 0 : i32
    %dma_wait3A_1488 = tpu.memref_slice %arg5[%dma_wait3A_1487] : memref<16384xf32, #tpu.memory_space<vmem>> -> memref<3968xf32, #tpu.memory_space<vmem>>
    %dma_wait3A_1489 = arith.constant 0 : i32
    %dma_wait3A_1490 = tpu.memref_slice %arg3[%dma_wait3A_1489] : memref<8126464xf32, #tpu.memory_space<hbm>> -> memref<3968xf32, #tpu.memory_space<hbm>>
    tpu.wait_dma2 semaphore(%arg6 : memref<!tpu.dma_semaphore, #tpu.memory_space<semaphore_mem>>) src(%dma_wait3A_1490 : memref<3968xf32, #tpu.memory_space<hbm>>) dst(%dma_wait3A_1488 : memref<3968xf32, #tpu.memory_space<vmem>>)
    %dma_wait3A_1491 = arith.constant 0 : i32
    %dma_wait3A_1492 = tpu.memref_slice %arg5[%dma_wait3A_1491] : memref<16384xf32, #tpu.memory_space<vmem>> -> memref<3968xf32, #tpu.memory_space<vmem>>
    %dma_wait3A_1493 = arith.constant 0 : i32
    %dma_wait3A_1494 = tpu.memref_slice %arg3[%dma_wait3A_1493] : memref<8126464xf32, #tpu.memory_space<hbm>> -> memref<3968xf32, #tpu.memory_space<hbm>>
    %dma_wait3A_1495 = arith.constant 0 : i32
    %dma_wait3A_1496 = tpu.memref_slice %arg5[%dma_wait3A_1495] : memref<16384xf32, #tpu.memory_space<vmem>> -> memref<3968xf32, #tpu.memory_space<vmem>>
    %dma_wait3A_1497 = arith.constant 0 : i32
    %dma_wait3A_1498 = tpu.memref_slice %arg3[%dma_wait3A_1497] : memref<8126464xf32, #tpu.memory_space<hbm>> -> memref<3968xf32, #tpu.memory_space<hbm>>
    tpu.wait_dma2 semaphore(%arg6 : memref<!tpu.dma_semaphore, #tpu.memory_space<semaphore_mem>>) src(%dma_wait3A_1498 : memref<3968xf32, #tpu.memory_space<hbm>>) dst(%dma_wait3A_1496 : memref<3968xf32, #tpu.memory_space<vmem>>)
    %dma_wait3A_1499 = arith.constant 0 : i32
    %dma_wait3A_1500 = tpu.memref_slice %arg5[%dma_wait3A_1499] : memref<16384xf32, #tpu.memory_space<vmem>> -> memref<3968xf32, #tpu.memory_space<vmem>>
    %dma_wait3A_1501 = arith.constant 0 : i32
    %dma_wait3A_1502 = tpu.memref_slice %arg3[%dma_wait3A_1501] : memref<8126464xf32, #tpu.memory_space<hbm>> -> memref<3968xf32, #tpu.memory_space<hbm>>
    %dma_wait3A_1503 = arith.constant 0 : i32
    %dma_wait3A_1504 = tpu.memref_slice %arg5[%dma_wait3A_1503] : memref<16384xf32, #tpu.memory_space<vmem>> -> memref<3968xf32, #tpu.memory_space<vmem>>
    %dma_wait3A_1505 = arith.constant 0 : i32
    %dma_wait3A_1506 = tpu.memref_slice %arg3[%dma_wait3A_1505] : memref<8126464xf32, #tpu.memory_space<hbm>> -> memref<3968xf32, #tpu.memory_space<hbm>>
    tpu.wait_dma2 semaphore(%arg6 : memref<!tpu.dma_semaphore, #tpu.memory_space<semaphore_mem>>) src(%dma_wait3A_1506 : memref<3968xf32, #tpu.memory_space<hbm>>) dst(%dma_wait3A_1504 : memref<3968xf32, #tpu.memory_space<vmem>>)
    %dma_wait3A_1507 = arith.constant 0 : i32
    %dma_wait3A_1508 = tpu.memref_slice %arg5[%dma_wait3A_1507] : memref<16384xf32, #tpu.memory_space<vmem>> -> memref<3968xf32, #tpu.memory_space<vmem>>
    %dma_wait3A_1509 = arith.constant 0 : i32
    %dma_wait3A_1510 = tpu.memref_slice %arg3[%dma_wait3A_1509] : memref<8126464xf32, #tpu.memory_space<hbm>> -> memref<3968xf32, #tpu.memory_space<hbm>>
    %dma_wait3A_1511 = arith.constant 0 : i32
    %dma_wait3A_1512 = tpu.memref_slice %arg5[%dma_wait3A_1511] : memref<16384xf32, #tpu.memory_space<vmem>> -> memref<3968xf32, #tpu.memory_space<vmem>>
    %dma_wait3A_1513 = arith.constant 0 : i32
    %dma_wait3A_1514 = tpu.memref_slice %arg3[%dma_wait3A_1513] : memref<8126464xf32, #tpu.memory_space<hbm>> -> memref<3968xf32, #tpu.memory_space<hbm>>
    tpu.wait_dma2 semaphore(%arg6 : memref<!tpu.dma_semaphore, #tpu.memory_space<semaphore_mem>>) src(%dma_wait3A_1514 : memref<3968xf32, #tpu.memory_space<hbm>>) dst(%dma_wait3A_1512 : memref<3968xf32, #tpu.memory_space<vmem>>)
    %dma_wait3A_1515 = arith.constant 0 : i32
    %dma_wait3A_1516 = tpu.memref_slice %arg5[%dma_wait3A_1515] : memref<16384xf32, #tpu.memory_space<vmem>> -> memref<3968xf32, #tpu.memory_space<vmem>>
    %dma_wait3A_1517 = arith.constant 0 : i32
    %dma_wait3A_1518 = tpu.memref_slice %arg3[%dma_wait3A_1517] : memref<8126464xf32, #tpu.memory_space<hbm>> -> memref<3968xf32, #tpu.memory_space<hbm>>
    %dma_wait3A_1519 = arith.constant 0 : i32
    %dma_wait3A_1520 = tpu.memref_slice %arg5[%dma_wait3A_1519] : memref<16384xf32, #tpu.memory_space<vmem>> -> memref<3968xf32, #tpu.memory_space<vmem>>
    %dma_wait3A_1521 = arith.constant 0 : i32
    %dma_wait3A_1522 = tpu.memref_slice %arg3[%dma_wait3A_1521] : memref<8126464xf32, #tpu.memory_space<hbm>> -> memref<3968xf32, #tpu.memory_space<hbm>>
    tpu.wait_dma2 semaphore(%arg6 : memref<!tpu.dma_semaphore, #tpu.memory_space<semaphore_mem>>) src(%dma_wait3A_1522 : memref<3968xf32, #tpu.memory_space<hbm>>) dst(%dma_wait3A_1520 : memref<3968xf32, #tpu.memory_space<vmem>>)
    %dma_wait3A_1523 = arith.constant 0 : i32
    %dma_wait3A_1524 = tpu.memref_slice %arg5[%dma_wait3A_1523] : memref<16384xf32, #tpu.memory_space<vmem>> -> memref<3968xf32, #tpu.memory_space<vmem>>
    %dma_wait3A_1525 = arith.constant 0 : i32
    %dma_wait3A_1526 = tpu.memref_slice %arg3[%dma_wait3A_1525] : memref<8126464xf32, #tpu.memory_space<hbm>> -> memref<3968xf32, #tpu.memory_space<hbm>>
    %dma_wait3A_1527 = arith.constant 0 : i32
    %dma_wait3A_1528 = tpu.memref_slice %arg5[%dma_wait3A_1527] : memref<16384xf32, #tpu.memory_space<vmem>> -> memref<3968xf32, #tpu.memory_space<vmem>>
    %dma_wait3A_1529 = arith.constant 0 : i32
    %dma_wait3A_1530 = tpu.memref_slice %arg3[%dma_wait3A_1529] : memref<8126464xf32, #tpu.memory_space<hbm>> -> memref<3968xf32, #tpu.memory_space<hbm>>
    tpu.wait_dma2 semaphore(%arg6 : memref<!tpu.dma_semaphore, #tpu.memory_space<semaphore_mem>>) src(%dma_wait3A_1530 : memref<3968xf32, #tpu.memory_space<hbm>>) dst(%dma_wait3A_1528 : memref<3968xf32, #tpu.memory_space<vmem>>)
    %dma_wait3A_1531 = arith.constant 0 : i32
    %dma_wait3A_1532 = tpu.memref_slice %arg5[%dma_wait3A_1531] : memref<16384xf32, #tpu.memory_space<vmem>> -> memref<3968xf32, #tpu.memory_space<vmem>>
    %dma_wait3A_1533 = arith.constant 0 : i32
    %dma_wait3A_1534 = tpu.memref_slice %arg3[%dma_wait3A_1533] : memref<8126464xf32, #tpu.memory_space<hbm>> -> memref<3968xf32, #tpu.memory_space<hbm>>
    %dma_wait3A_1535 = arith.constant 0 : i32
    %dma_wait3A_1536 = tpu.memref_slice %arg5[%dma_wait3A_1535] : memref<16384xf32, #tpu.memory_space<vmem>> -> memref<3968xf32, #tpu.memory_space<vmem>>
    %dma_wait3A_1537 = arith.constant 0 : i32
    %dma_wait3A_1538 = tpu.memref_slice %arg3[%dma_wait3A_1537] : memref<8126464xf32, #tpu.memory_space<hbm>> -> memref<3968xf32, #tpu.memory_space<hbm>>
    tpu.wait_dma2 semaphore(%arg6 : memref<!tpu.dma_semaphore, #tpu.memory_space<semaphore_mem>>) src(%dma_wait3A_1538 : memref<3968xf32, #tpu.memory_space<hbm>>) dst(%dma_wait3A_1536 : memref<3968xf32, #tpu.memory_space<vmem>>)
    %dma_wait3A_1539 = arith.constant 0 : i32
    %dma_wait3A_1540 = tpu.memref_slice %arg5[%dma_wait3A_1539] : memref<16384xf32, #tpu.memory_space<vmem>> -> memref<3968xf32, #tpu.memory_space<vmem>>
    %dma_wait3A_1541 = arith.constant 0 : i32
    %dma_wait3A_1542 = tpu.memref_slice %arg3[%dma_wait3A_1541] : memref<8126464xf32, #tpu.memory_space<hbm>> -> memref<3968xf32, #tpu.memory_space<hbm>>
    %dma_wait3A_1543 = arith.constant 0 : i32
    %dma_wait3A_1544 = tpu.memref_slice %arg5[%dma_wait3A_1543] : memref<16384xf32, #tpu.memory_space<vmem>> -> memref<3968xf32, #tpu.memory_space<vmem>>
    %dma_wait3A_1545 = arith.constant 0 : i32
    %dma_wait3A_1546 = tpu.memref_slice %arg3[%dma_wait3A_1545] : memref<8126464xf32, #tpu.memory_space<hbm>> -> memref<3968xf32, #tpu.memory_space<hbm>>
    tpu.wait_dma2 semaphore(%arg6 : memref<!tpu.dma_semaphore, #tpu.memory_space<semaphore_mem>>) src(%dma_wait3A_1546 : memref<3968xf32, #tpu.memory_space<hbm>>) dst(%dma_wait3A_1544 : memref<3968xf32, #tpu.memory_space<vmem>>)
    %dma_wait3A_1547 = arith.constant 0 : i32
    %dma_wait3A_1548 = tpu.memref_slice %arg5[%dma_wait3A_1547] : memref<16384xf32, #tpu.memory_space<vmem>> -> memref<3968xf32, #tpu.memory_space<vmem>>
    %dma_wait3A_1549 = arith.constant 0 : i32
    %dma_wait3A_1550 = tpu.memref_slice %arg3[%dma_wait3A_1549] : memref<8126464xf32, #tpu.memory_space<hbm>> -> memref<3968xf32, #tpu.memory_space<hbm>>
    %dma_wait3A_1551 = arith.constant 0 : i32
    %dma_wait3A_1552 = tpu.memref_slice %arg5[%dma_wait3A_1551] : memref<16384xf32, #tpu.memory_space<vmem>> -> memref<3968xf32, #tpu.memory_space<vmem>>
    %dma_wait3A_1553 = arith.constant 0 : i32
    %dma_wait3A_1554 = tpu.memref_slice %arg3[%dma_wait3A_1553] : memref<8126464xf32, #tpu.memory_space<hbm>> -> memref<3968xf32, #tpu.memory_space<hbm>>
    tpu.wait_dma2 semaphore(%arg6 : memref<!tpu.dma_semaphore, #tpu.memory_space<semaphore_mem>>) src(%dma_wait3A_1554 : memref<3968xf32, #tpu.memory_space<hbm>>) dst(%dma_wait3A_1552 : memref<3968xf32, #tpu.memory_space<vmem>>)
    %dma_wait3A_1555 = arith.constant 0 : i32
    %dma_wait3A_1556 = tpu.memref_slice %arg5[%dma_wait3A_1555] : memref<16384xf32, #tpu.memory_space<vmem>> -> memref<3968xf32, #tpu.memory_space<vmem>>
    %dma_wait3A_1557 = arith.constant 0 : i32
    %dma_wait3A_1558 = tpu.memref_slice %arg3[%dma_wait3A_1557] : memref<8126464xf32, #tpu.memory_space<hbm>> -> memref<3968xf32, #tpu.memory_space<hbm>>
    %dma_wait3A_1559 = arith.constant 0 : i32
    %dma_wait3A_1560 = tpu.memref_slice %arg5[%dma_wait3A_1559] : memref<16384xf32, #tpu.memory_space<vmem>> -> memref<3968xf32, #tpu.memory_space<vmem>>
    %dma_wait3A_1561 = arith.constant 0 : i32
    %dma_wait3A_1562 = tpu.memref_slice %arg3[%dma_wait3A_1561] : memref<8126464xf32, #tpu.memory_space<hbm>> -> memref<3968xf32, #tpu.memory_space<hbm>>
    tpu.wait_dma2 semaphore(%arg6 : memref<!tpu.dma_semaphore, #tpu.memory_space<semaphore_mem>>) src(%dma_wait3A_1562 : memref<3968xf32, #tpu.memory_space<hbm>>) dst(%dma_wait3A_1560 : memref<3968xf32, #tpu.memory_space<vmem>>)
    %dma_wait3A_1563 = arith.constant 0 : i32
    %dma_wait3A_1564 = tpu.memref_slice %arg5[%dma_wait3A_1563] : memref<16384xf32, #tpu.memory_space<vmem>> -> memref<3968xf32, #tpu.memory_space<vmem>>
    %dma_wait3A_1565 = arith.constant 0 : i32
    %dma_wait3A_1566 = tpu.memref_slice %arg3[%dma_wait3A_1565] : memref<8126464xf32, #tpu.memory_space<hbm>> -> memref<3968xf32, #tpu.memory_space<hbm>>
    %dma_wait3A_1567 = arith.constant 0 : i32
    %dma_wait3A_1568 = tpu.memref_slice %arg5[%dma_wait3A_1567] : memref<16384xf32, #tpu.memory_space<vmem>> -> memref<3968xf32, #tpu.memory_space<vmem>>
    %dma_wait3A_1569 = arith.constant 0 : i32
    %dma_wait3A_1570 = tpu.memref_slice %arg3[%dma_wait3A_1569] : memref<8126464xf32, #tpu.memory_space<hbm>> -> memref<3968xf32, #tpu.memory_space<hbm>>
    tpu.wait_dma2 semaphore(%arg6 : memref<!tpu.dma_semaphore, #tpu.memory_space<semaphore_mem>>) src(%dma_wait3A_1570 : memref<3968xf32, #tpu.memory_space<hbm>>) dst(%dma_wait3A_1568 : memref<3968xf32, #tpu.memory_space<vmem>>)
    %dma_wait3A_1571 = arith.constant 0 : i32
    %dma_wait3A_1572 = tpu.memref_slice %arg5[%dma_wait3A_1571] : memref<16384xf32, #tpu.memory_space<vmem>> -> memref<3968xf32, #tpu.memory_space<vmem>>
    %dma_wait3A_1573 = arith.constant 0 : i32
    %dma_wait3A_1574 = tpu.memref_slice %arg3[%dma_wait3A_1573] : memref<8126464xf32, #tpu.memory_space<hbm>> -> memref<3968xf32, #tpu.memory_space<hbm>>
    %dma_wait3A_1575 = arith.constant 0 : i32
    %dma_wait3A_1576 = tpu.memref_slice %arg5[%dma_wait3A_1575] : memref<16384xf32, #tpu.memory_space<vmem>> -> memref<3968xf32, #tpu.memory_space<vmem>>
    %dma_wait3A_1577 = arith.constant 0 : i32
    %dma_wait3A_1578 = tpu.memref_slice %arg3[%dma_wait3A_1577] : memref<8126464xf32, #tpu.memory_space<hbm>> -> memref<3968xf32, #tpu.memory_space<hbm>>
    tpu.wait_dma2 semaphore(%arg6 : memref<!tpu.dma_semaphore, #tpu.memory_space<semaphore_mem>>) src(%dma_wait3A_1578 : memref<3968xf32, #tpu.memory_space<hbm>>) dst(%dma_wait3A_1576 : memref<3968xf32, #tpu.memory_space<vmem>>)
    %dma_wait3A_1579 = arith.constant 0 : i32
    %dma_wait3A_1580 = tpu.memref_slice %arg5[%dma_wait3A_1579] : memref<16384xf32, #tpu.memory_space<vmem>> -> memref<3968xf32, #tpu.memory_space<vmem>>
    %dma_wait3A_1581 = arith.constant 0 : i32
    %dma_wait3A_1582 = tpu.memref_slice %arg3[%dma_wait3A_1581] : memref<8126464xf32, #tpu.memory_space<hbm>> -> memref<3968xf32, #tpu.memory_space<hbm>>
    %dma_wait3A_1583 = arith.constant 0 : i32
    %dma_wait3A_1584 = tpu.memref_slice %arg5[%dma_wait3A_1583] : memref<16384xf32, #tpu.memory_space<vmem>> -> memref<3968xf32, #tpu.memory_space<vmem>>
    %dma_wait3A_1585 = arith.constant 0 : i32
    %dma_wait3A_1586 = tpu.memref_slice %arg3[%dma_wait3A_1585] : memref<8126464xf32, #tpu.memory_space<hbm>> -> memref<3968xf32, #tpu.memory_space<hbm>>
    tpu.wait_dma2 semaphore(%arg6 : memref<!tpu.dma_semaphore, #tpu.memory_space<semaphore_mem>>) src(%dma_wait3A_1586 : memref<3968xf32, #tpu.memory_space<hbm>>) dst(%dma_wait3A_1584 : memref<3968xf32, #tpu.memory_space<vmem>>)
    %dma_wait3A_1587 = arith.constant 0 : i32
    %dma_wait3A_1588 = tpu.memref_slice %arg5[%dma_wait3A_1587] : memref<16384xf32, #tpu.memory_space<vmem>> -> memref<3968xf32, #tpu.memory_space<vmem>>
    %dma_wait3A_1589 = arith.constant 0 : i32
    %dma_wait3A_1590 = tpu.memref_slice %arg3[%dma_wait3A_1589] : memref<8126464xf32, #tpu.memory_space<hbm>> -> memref<3968xf32, #tpu.memory_space<hbm>>
    %dma_wait3A_1591 = arith.constant 0 : i32
    %dma_wait3A_1592 = tpu.memref_slice %arg5[%dma_wait3A_1591] : memref<16384xf32, #tpu.memory_space<vmem>> -> memref<3968xf32, #tpu.memory_space<vmem>>
    %dma_wait3A_1593 = arith.constant 0 : i32
    %dma_wait3A_1594 = tpu.memref_slice %arg3[%dma_wait3A_1593] : memref<8126464xf32, #tpu.memory_space<hbm>> -> memref<3968xf32, #tpu.memory_space<hbm>>
    tpu.wait_dma2 semaphore(%arg6 : memref<!tpu.dma_semaphore, #tpu.memory_space<semaphore_mem>>) src(%dma_wait3A_1594 : memref<3968xf32, #tpu.memory_space<hbm>>) dst(%dma_wait3A_1592 : memref<3968xf32, #tpu.memory_space<vmem>>)
    %dma_wait3A_1595 = arith.constant 0 : i32
    %dma_wait3A_1596 = tpu.memref_slice %arg5[%dma_wait3A_1595] : memref<16384xf32, #tpu.memory_space<vmem>> -> memref<3968xf32, #tpu.memory_space<vmem>>
    %dma_wait3A_1597 = arith.constant 0 : i32
    %dma_wait3A_1598 = tpu.memref_slice %arg3[%dma_wait3A_1597] : memref<8126464xf32, #tpu.memory_space<hbm>> -> memref<3968xf32, #tpu.memory_space<hbm>>
    %dma_wait3A_1599 = arith.constant 0 : i32
    %dma_wait3A_1600 = tpu.memref_slice %arg5[%dma_wait3A_1599] : memref<16384xf32, #tpu.memory_space<vmem>> -> memref<3968xf32, #tpu.memory_space<vmem>>
    %dma_wait3A_1601 = arith.constant 0 : i32
    %dma_wait3A_1602 = tpu.memref_slice %arg3[%dma_wait3A_1601] : memref<8126464xf32, #tpu.memory_space<hbm>> -> memref<3968xf32, #tpu.memory_space<hbm>>
    tpu.wait_dma2 semaphore(%arg6 : memref<!tpu.dma_semaphore, #tpu.memory_space<semaphore_mem>>) src(%dma_wait3A_1602 : memref<3968xf32, #tpu.memory_space<hbm>>) dst(%dma_wait3A_1600 : memref<3968xf32, #tpu.memory_space<vmem>>)
    %dma_wait3A_1603 = arith.constant 0 : i32
    %dma_wait3A_1604 = tpu.memref_slice %arg5[%dma_wait3A_1603] : memref<16384xf32, #tpu.memory_space<vmem>> -> memref<3968xf32, #tpu.memory_space<vmem>>
    %dma_wait3A_1605 = arith.constant 0 : i32
    %dma_wait3A_1606 = tpu.memref_slice %arg3[%dma_wait3A_1605] : memref<8126464xf32, #tpu.memory_space<hbm>> -> memref<3968xf32, #tpu.memory_space<hbm>>
    %dma_wait3A_1607 = arith.constant 0 : i32
    %dma_wait3A_1608 = tpu.memref_slice %arg5[%dma_wait3A_1607] : memref<16384xf32, #tpu.memory_space<vmem>> -> memref<3968xf32, #tpu.memory_space<vmem>>
    %dma_wait3A_1609 = arith.constant 0 : i32
    %dma_wait3A_1610 = tpu.memref_slice %arg3[%dma_wait3A_1609] : memref<8126464xf32, #tpu.memory_space<hbm>> -> memref<3968xf32, #tpu.memory_space<hbm>>
    tpu.wait_dma2 semaphore(%arg6 : memref<!tpu.dma_semaphore, #tpu.memory_space<semaphore_mem>>) src(%dma_wait3A_1610 : memref<3968xf32, #tpu.memory_space<hbm>>) dst(%dma_wait3A_1608 : memref<3968xf32, #tpu.memory_space<vmem>>)
    %dma_wait3A_1611 = arith.constant 0 : i32
    %dma_wait3A_1612 = tpu.memref_slice %arg5[%dma_wait3A_1611] : memref<16384xf32, #tpu.memory_space<vmem>> -> memref<3968xf32, #tpu.memory_space<vmem>>
    %dma_wait3A_1613 = arith.constant 0 : i32
    %dma_wait3A_1614 = tpu.memref_slice %arg3[%dma_wait3A_1613] : memref<8126464xf32, #tpu.memory_space<hbm>> -> memref<3968xf32, #tpu.memory_space<hbm>>
    %dma_wait3A_1615 = arith.constant 0 : i32
    %dma_wait3A_1616 = tpu.memref_slice %arg5[%dma_wait3A_1615] : memref<16384xf32, #tpu.memory_space<vmem>> -> memref<3968xf32, #tpu.memory_space<vmem>>
    %dma_wait3A_1617 = arith.constant 0 : i32
    %dma_wait3A_1618 = tpu.memref_slice %arg3[%dma_wait3A_1617] : memref<8126464xf32, #tpu.memory_space<hbm>> -> memref<3968xf32, #tpu.memory_space<hbm>>
    tpu.wait_dma2 semaphore(%arg6 : memref<!tpu.dma_semaphore, #tpu.memory_space<semaphore_mem>>) src(%dma_wait3A_1618 : memref<3968xf32, #tpu.memory_space<hbm>>) dst(%dma_wait3A_1616 : memref<3968xf32, #tpu.memory_space<vmem>>)
    %dma_wait3A_1619 = arith.constant 0 : i32
    %dma_wait3A_1620 = tpu.memref_slice %arg5[%dma_wait3A_1619] : memref<16384xf32, #tpu.memory_space<vmem>> -> memref<3968xf32, #tpu.memory_space<vmem>>
    %dma_wait3A_1621 = arith.constant 0 : i32
    %dma_wait3A_1622 = tpu.memref_slice %arg3[%dma_wait3A_1621] : memref<8126464xf32, #tpu.memory_space<hbm>> -> memref<3968xf32, #tpu.memory_space<hbm>>
    %dma_wait3A_1623 = arith.constant 0 : i32
    %dma_wait3A_1624 = tpu.memref_slice %arg5[%dma_wait3A_1623] : memref<16384xf32, #tpu.memory_space<vmem>> -> memref<3968xf32, #tpu.memory_space<vmem>>
    %dma_wait3A_1625 = arith.constant 0 : i32
    %dma_wait3A_1626 = tpu.memref_slice %arg3[%dma_wait3A_1625] : memref<8126464xf32, #tpu.memory_space<hbm>> -> memref<3968xf32, #tpu.memory_space<hbm>>
    tpu.wait_dma2 semaphore(%arg6 : memref<!tpu.dma_semaphore, #tpu.memory_space<semaphore_mem>>) src(%dma_wait3A_1626 : memref<3968xf32, #tpu.memory_space<hbm>>) dst(%dma_wait3A_1624 : memref<3968xf32, #tpu.memory_space<vmem>>)
    %dma_wait3A_1627 = arith.constant 0 : i32
    %dma_wait3A_1628 = tpu.memref_slice %arg5[%dma_wait3A_1627] : memref<16384xf32, #tpu.memory_space<vmem>> -> memref<3968xf32, #tpu.memory_space<vmem>>
    %dma_wait3A_1629 = arith.constant 0 : i32
    %dma_wait3A_1630 = tpu.memref_slice %arg3[%dma_wait3A_1629] : memref<8126464xf32, #tpu.memory_space<hbm>> -> memref<3968xf32, #tpu.memory_space<hbm>>
    %dma_wait3A_1631 = arith.constant 0 : i32
    %dma_wait3A_1632 = tpu.memref_slice %arg5[%dma_wait3A_1631] : memref<16384xf32, #tpu.memory_space<vmem>> -> memref<3968xf32, #tpu.memory_space<vmem>>
    %dma_wait3A_1633 = arith.constant 0 : i32
    %dma_wait3A_1634 = tpu.memref_slice %arg3[%dma_wait3A_1633] : memref<8126464xf32, #tpu.memory_space<hbm>> -> memref<3968xf32, #tpu.memory_space<hbm>>
    tpu.wait_dma2 semaphore(%arg6 : memref<!tpu.dma_semaphore, #tpu.memory_space<semaphore_mem>>) src(%dma_wait3A_1634 : memref<3968xf32, #tpu.memory_space<hbm>>) dst(%dma_wait3A_1632 : memref<3968xf32, #tpu.memory_space<vmem>>)
    %dma_wait3A_1635 = arith.constant 0 : i32
    %dma_wait3A_1636 = tpu.memref_slice %arg5[%dma_wait3A_1635] : memref<16384xf32, #tpu.memory_space<vmem>> -> memref<3968xf32, #tpu.memory_space<vmem>>
    %dma_wait3A_1637 = arith.constant 0 : i32
    %dma_wait3A_1638 = tpu.memref_slice %arg3[%dma_wait3A_1637] : memref<8126464xf32, #tpu.memory_space<hbm>> -> memref<3968xf32, #tpu.memory_space<hbm>>
    %dma_wait3A_1639 = arith.constant 0 : i32
    %dma_wait3A_1640 = tpu.memref_slice %arg5[%dma_wait3A_1639] : memref<16384xf32, #tpu.memory_space<vmem>> -> memref<3968xf32, #tpu.memory_space<vmem>>
    %dma_wait3A_1641 = arith.constant 0 : i32
    %dma_wait3A_1642 = tpu.memref_slice %arg3[%dma_wait3A_1641] : memref<8126464xf32, #tpu.memory_space<hbm>> -> memref<3968xf32, #tpu.memory_space<hbm>>
    tpu.wait_dma2 semaphore(%arg6 : memref<!tpu.dma_semaphore, #tpu.memory_space<semaphore_mem>>) src(%dma_wait3A_1642 : memref<3968xf32, #tpu.memory_space<hbm>>) dst(%dma_wait3A_1640 : memref<3968xf32, #tpu.memory_space<vmem>>)
    %dma_wait3A_1643 = arith.constant 0 : i32
    %dma_wait3A_1644 = tpu.memref_slice %arg5[%dma_wait3A_1643] : memref<16384xf32, #tpu.memory_space<vmem>> -> memref<3968xf32, #tpu.memory_space<vmem>>
    %dma_wait3A_1645 = arith.constant 0 : i32
    %dma_wait3A_1646 = tpu.memref_slice %arg3[%dma_wait3A_1645] : memref<8126464xf32, #tpu.memory_space<hbm>> -> memref<3968xf32, #tpu.memory_space<hbm>>
    %dma_wait3A_1647 = arith.constant 0 : i32
    %dma_wait3A_1648 = tpu.memref_slice %arg5[%dma_wait3A_1647] : memref<16384xf32, #tpu.memory_space<vmem>> -> memref<3968xf32, #tpu.memory_space<vmem>>
    %dma_wait3A_1649 = arith.constant 0 : i32
    %dma_wait3A_1650 = tpu.memref_slice %arg3[%dma_wait3A_1649] : memref<8126464xf32, #tpu.memory_space<hbm>> -> memref<3968xf32, #tpu.memory_space<hbm>>
    tpu.wait_dma2 semaphore(%arg6 : memref<!tpu.dma_semaphore, #tpu.memory_space<semaphore_mem>>) src(%dma_wait3A_1650 : memref<3968xf32, #tpu.memory_space<hbm>>) dst(%dma_wait3A_1648 : memref<3968xf32, #tpu.memory_space<vmem>>)
    %dma_wait3A_1651 = arith.constant 0 : i32
    %dma_wait3A_1652 = tpu.memref_slice %arg5[%dma_wait3A_1651] : memref<16384xf32, #tpu.memory_space<vmem>> -> memref<3968xf32, #tpu.memory_space<vmem>>
    %dma_wait3A_1653 = arith.constant 0 : i32
    %dma_wait3A_1654 = tpu.memref_slice %arg3[%dma_wait3A_1653] : memref<8126464xf32, #tpu.memory_space<hbm>> -> memref<3968xf32, #tpu.memory_space<hbm>>
    %dma_wait3A_1655 = arith.constant 0 : i32
    %dma_wait3A_1656 = tpu.memref_slice %arg5[%dma_wait3A_1655] : memref<16384xf32, #tpu.memory_space<vmem>> -> memref<3968xf32, #tpu.memory_space<vmem>>
    %dma_wait3A_1657 = arith.constant 0 : i32
    %dma_wait3A_1658 = tpu.memref_slice %arg3[%dma_wait3A_1657] : memref<8126464xf32, #tpu.memory_space<hbm>> -> memref<3968xf32, #tpu.memory_space<hbm>>
    tpu.wait_dma2 semaphore(%arg6 : memref<!tpu.dma_semaphore, #tpu.memory_space<semaphore_mem>>) src(%dma_wait3A_1658 : memref<3968xf32, #tpu.memory_space<hbm>>) dst(%dma_wait3A_1656 : memref<3968xf32, #tpu.memory_space<vmem>>)
    %dma_wait3A_1659 = arith.constant 0 : i32
    %dma_wait3A_1660 = tpu.memref_slice %arg5[%dma_wait3A_1659] : memref<16384xf32, #tpu.memory_space<vmem>> -> memref<3968xf32, #tpu.memory_space<vmem>>
    %dma_wait3A_1661 = arith.constant 0 : i32
    %dma_wait3A_1662 = tpu.memref_slice %arg3[%dma_wait3A_1661] : memref<8126464xf32, #tpu.memory_space<hbm>> -> memref<3968xf32, #tpu.memory_space<hbm>>
    %dma_wait3A_1663 = arith.constant 0 : i32
    %dma_wait3A_1664 = tpu.memref_slice %arg5[%dma_wait3A_1663] : memref<16384xf32, #tpu.memory_space<vmem>> -> memref<3968xf32, #tpu.memory_space<vmem>>
    %dma_wait3A_1665 = arith.constant 0 : i32
    %dma_wait3A_1666 = tpu.memref_slice %arg3[%dma_wait3A_1665] : memref<8126464xf32, #tpu.memory_space<hbm>> -> memref<3968xf32, #tpu.memory_space<hbm>>
    tpu.wait_dma2 semaphore(%arg6 : memref<!tpu.dma_semaphore, #tpu.memory_space<semaphore_mem>>) src(%dma_wait3A_1666 : memref<3968xf32, #tpu.memory_space<hbm>>) dst(%dma_wait3A_1664 : memref<3968xf32, #tpu.memory_space<vmem>>)
    %dma_wait3A_1667 = arith.constant 0 : i32
    %dma_wait3A_1668 = tpu.memref_slice %arg5[%dma_wait3A_1667] : memref<16384xf32, #tpu.memory_space<vmem>> -> memref<3968xf32, #tpu.memory_space<vmem>>
    %dma_wait3A_1669 = arith.constant 0 : i32
    %dma_wait3A_1670 = tpu.memref_slice %arg3[%dma_wait3A_1669] : memref<8126464xf32, #tpu.memory_space<hbm>> -> memref<3968xf32, #tpu.memory_space<hbm>>
    %dma_wait3A_1671 = arith.constant 0 : i32
    %dma_wait3A_1672 = tpu.memref_slice %arg5[%dma_wait3A_1671] : memref<16384xf32, #tpu.memory_space<vmem>> -> memref<3968xf32, #tpu.memory_space<vmem>>
    %dma_wait3A_1673 = arith.constant 0 : i32
    %dma_wait3A_1674 = tpu.memref_slice %arg3[%dma_wait3A_1673] : memref<8126464xf32, #tpu.memory_space<hbm>> -> memref<3968xf32, #tpu.memory_space<hbm>>
    tpu.wait_dma2 semaphore(%arg6 : memref<!tpu.dma_semaphore, #tpu.memory_space<semaphore_mem>>) src(%dma_wait3A_1674 : memref<3968xf32, #tpu.memory_space<hbm>>) dst(%dma_wait3A_1672 : memref<3968xf32, #tpu.memory_space<vmem>>)
    %dma_wait3A_1675 = arith.constant 0 : i32
    %dma_wait3A_1676 = tpu.memref_slice %arg5[%dma_wait3A_1675] : memref<16384xf32, #tpu.memory_space<vmem>> -> memref<3968xf32, #tpu.memory_space<vmem>>
    %dma_wait3A_1677 = arith.constant 0 : i32
    %dma_wait3A_1678 = tpu.memref_slice %arg3[%dma_wait3A_1677] : memref<8126464xf32, #tpu.memory_space<hbm>> -> memref<3968xf32, #tpu.memory_space<hbm>>
    %dma_wait3A_1679 = arith.constant 0 : i32
    %dma_wait3A_1680 = tpu.memref_slice %arg5[%dma_wait3A_1679] : memref<16384xf32, #tpu.memory_space<vmem>> -> memref<3968xf32, #tpu.memory_space<vmem>>
    %dma_wait3A_1681 = arith.constant 0 : i32
    %dma_wait3A_1682 = tpu.memref_slice %arg3[%dma_wait3A_1681] : memref<8126464xf32, #tpu.memory_space<hbm>> -> memref<3968xf32, #tpu.memory_space<hbm>>
    tpu.wait_dma2 semaphore(%arg6 : memref<!tpu.dma_semaphore, #tpu.memory_space<semaphore_mem>>) src(%dma_wait3A_1682 : memref<3968xf32, #tpu.memory_space<hbm>>) dst(%dma_wait3A_1680 : memref<3968xf32, #tpu.memory_space<vmem>>)
    %dma_wait3A_1683 = arith.constant 0 : i32
    %dma_wait3A_1684 = tpu.memref_slice %arg5[%dma_wait3A_1683] : memref<16384xf32, #tpu.memory_space<vmem>> -> memref<3968xf32, #tpu.memory_space<vmem>>
    %dma_wait3A_1685 = arith.constant 0 : i32
    %dma_wait3A_1686 = tpu.memref_slice %arg3[%dma_wait3A_1685] : memref<8126464xf32, #tpu.memory_space<hbm>> -> memref<3968xf32, #tpu.memory_space<hbm>>
    %dma_wait3A_1687 = arith.constant 0 : i32
    %dma_wait3A_1688 = tpu.memref_slice %arg5[%dma_wait3A_1687] : memref<16384xf32, #tpu.memory_space<vmem>> -> memref<3968xf32, #tpu.memory_space<vmem>>
    %dma_wait3A_1689 = arith.constant 0 : i32
    %dma_wait3A_1690 = tpu.memref_slice %arg3[%dma_wait3A_1689] : memref<8126464xf32, #tpu.memory_space<hbm>> -> memref<3968xf32, #tpu.memory_space<hbm>>
    tpu.wait_dma2 semaphore(%arg6 : memref<!tpu.dma_semaphore, #tpu.memory_space<semaphore_mem>>) src(%dma_wait3A_1690 : memref<3968xf32, #tpu.memory_space<hbm>>) dst(%dma_wait3A_1688 : memref<3968xf32, #tpu.memory_space<vmem>>)
    %dma_wait3A_1691 = arith.constant 0 : i32
    %dma_wait3A_1692 = tpu.memref_slice %arg5[%dma_wait3A_1691] : memref<16384xf32, #tpu.memory_space<vmem>> -> memref<3968xf32, #tpu.memory_space<vmem>>
    %dma_wait3A_1693 = arith.constant 0 : i32
    %dma_wait3A_1694 = tpu.memref_slice %arg3[%dma_wait3A_1693] : memref<8126464xf32, #tpu.memory_space<hbm>> -> memref<3968xf32, #tpu.memory_space<hbm>>
    %dma_wait3A_1695 = arith.constant 0 : i32
    %dma_wait3A_1696 = tpu.memref_slice %arg5[%dma_wait3A_1695] : memref<16384xf32, #tpu.memory_space<vmem>> -> memref<3968xf32, #tpu.memory_space<vmem>>
    %dma_wait3A_1697 = arith.constant 0 : i32
    %dma_wait3A_1698 = tpu.memref_slice %arg3[%dma_wait3A_1697] : memref<8126464xf32, #tpu.memory_space<hbm>> -> memref<3968xf32, #tpu.memory_space<hbm>>
    tpu.wait_dma2 semaphore(%arg6 : memref<!tpu.dma_semaphore, #tpu.memory_space<semaphore_mem>>) src(%dma_wait3A_1698 : memref<3968xf32, #tpu.memory_space<hbm>>) dst(%dma_wait3A_1696 : memref<3968xf32, #tpu.memory_space<vmem>>)
    %dma_wait3A_1699 = arith.constant 0 : i32
    %dma_wait3A_1700 = tpu.memref_slice %arg5[%dma_wait3A_1699] : memref<16384xf32, #tpu.memory_space<vmem>> -> memref<3968xf32, #tpu.memory_space<vmem>>
    %dma_wait3A_1701 = arith.constant 0 : i32
    %dma_wait3A_1702 = tpu.memref_slice %arg3[%dma_wait3A_1701] : memref<8126464xf32, #tpu.memory_space<hbm>> -> memref<3968xf32, #tpu.memory_space<hbm>>
    %dma_wait3A_1703 = arith.constant 0 : i32
    %dma_wait3A_1704 = tpu.memref_slice %arg5[%dma_wait3A_1703] : memref<16384xf32, #tpu.memory_space<vmem>> -> memref<3968xf32, #tpu.memory_space<vmem>>
    %dma_wait3A_1705 = arith.constant 0 : i32
    %dma_wait3A_1706 = tpu.memref_slice %arg3[%dma_wait3A_1705] : memref<8126464xf32, #tpu.memory_space<hbm>> -> memref<3968xf32, #tpu.memory_space<hbm>>
    tpu.wait_dma2 semaphore(%arg6 : memref<!tpu.dma_semaphore, #tpu.memory_space<semaphore_mem>>) src(%dma_wait3A_1706 : memref<3968xf32, #tpu.memory_space<hbm>>) dst(%dma_wait3A_1704 : memref<3968xf32, #tpu.memory_space<vmem>>)
    %dma_wait3A_1707 = arith.constant 0 : i32
    %dma_wait3A_1708 = tpu.memref_slice %arg5[%dma_wait3A_1707] : memref<16384xf32, #tpu.memory_space<vmem>> -> memref<3968xf32, #tpu.memory_space<vmem>>
    %dma_wait3A_1709 = arith.constant 0 : i32
    %dma_wait3A_1710 = tpu.memref_slice %arg3[%dma_wait3A_1709] : memref<8126464xf32, #tpu.memory_space<hbm>> -> memref<3968xf32, #tpu.memory_space<hbm>>
    %dma_wait3A_1711 = arith.constant 0 : i32
    %dma_wait3A_1712 = tpu.memref_slice %arg5[%dma_wait3A_1711] : memref<16384xf32, #tpu.memory_space<vmem>> -> memref<3968xf32, #tpu.memory_space<vmem>>
    %dma_wait3A_1713 = arith.constant 0 : i32
    %dma_wait3A_1714 = tpu.memref_slice %arg3[%dma_wait3A_1713] : memref<8126464xf32, #tpu.memory_space<hbm>> -> memref<3968xf32, #tpu.memory_space<hbm>>
    tpu.wait_dma2 semaphore(%arg6 : memref<!tpu.dma_semaphore, #tpu.memory_space<semaphore_mem>>) src(%dma_wait3A_1714 : memref<3968xf32, #tpu.memory_space<hbm>>) dst(%dma_wait3A_1712 : memref<3968xf32, #tpu.memory_space<vmem>>)
    %dma_wait3A_1715 = arith.constant 0 : i32
    %dma_wait3A_1716 = tpu.memref_slice %arg5[%dma_wait3A_1715] : memref<16384xf32, #tpu.memory_space<vmem>> -> memref<3968xf32, #tpu.memory_space<vmem>>
    %dma_wait3A_1717 = arith.constant 0 : i32
    %dma_wait3A_1718 = tpu.memref_slice %arg3[%dma_wait3A_1717] : memref<8126464xf32, #tpu.memory_space<hbm>> -> memref<3968xf32, #tpu.memory_space<hbm>>
    %dma_wait3A_1719 = arith.constant 0 : i32
    %dma_wait3A_1720 = tpu.memref_slice %arg5[%dma_wait3A_1719] : memref<16384xf32, #tpu.memory_space<vmem>> -> memref<3968xf32, #tpu.memory_space<vmem>>
    %dma_wait3A_1721 = arith.constant 0 : i32
    %dma_wait3A_1722 = tpu.memref_slice %arg3[%dma_wait3A_1721] : memref<8126464xf32, #tpu.memory_space<hbm>> -> memref<3968xf32, #tpu.memory_space<hbm>>
    tpu.wait_dma2 semaphore(%arg6 : memref<!tpu.dma_semaphore, #tpu.memory_space<semaphore_mem>>) src(%dma_wait3A_1722 : memref<3968xf32, #tpu.memory_space<hbm>>) dst(%dma_wait3A_1720 : memref<3968xf32, #tpu.memory_space<vmem>>)
    %dma_wait3A_1723 = arith.constant 0 : i32
    %dma_wait3A_1724 = tpu.memref_slice %arg5[%dma_wait3A_1723] : memref<16384xf32, #tpu.memory_space<vmem>> -> memref<3968xf32, #tpu.memory_space<vmem>>
    %dma_wait3A_1725 = arith.constant 0 : i32
    %dma_wait3A_1726 = tpu.memref_slice %arg3[%dma_wait3A_1725] : memref<8126464xf32, #tpu.memory_space<hbm>> -> memref<3968xf32, #tpu.memory_space<hbm>>
    %dma_wait3A_1727 = arith.constant 0 : i32
    %dma_wait3A_1728 = tpu.memref_slice %arg5[%dma_wait3A_1727] : memref<16384xf32, #tpu.memory_space<vmem>> -> memref<3968xf32, #tpu.memory_space<vmem>>
    %dma_wait3A_1729 = arith.constant 0 : i32
    %dma_wait3A_1730 = tpu.memref_slice %arg3[%dma_wait3A_1729] : memref<8126464xf32, #tpu.memory_space<hbm>> -> memref<3968xf32, #tpu.memory_space<hbm>>
    tpu.wait_dma2 semaphore(%arg6 : memref<!tpu.dma_semaphore, #tpu.memory_space<semaphore_mem>>) src(%dma_wait3A_1730 : memref<3968xf32, #tpu.memory_space<hbm>>) dst(%dma_wait3A_1728 : memref<3968xf32, #tpu.memory_space<vmem>>)
    %dma_wait3A_1731 = arith.constant 0 : i32
    %dma_wait3A_1732 = tpu.memref_slice %arg5[%dma_wait3A_1731] : memref<16384xf32, #tpu.memory_space<vmem>> -> memref<3968xf32, #tpu.memory_space<vmem>>
    %dma_wait3A_1733 = arith.constant 0 : i32
    %dma_wait3A_1734 = tpu.memref_slice %arg3[%dma_wait3A_1733] : memref<8126464xf32, #tpu.memory_space<hbm>> -> memref<3968xf32, #tpu.memory_space<hbm>>
    %dma_wait3A_1735 = arith.constant 0 : i32
    %dma_wait3A_1736 = tpu.memref_slice %arg5[%dma_wait3A_1735] : memref<16384xf32, #tpu.memory_space<vmem>> -> memref<3968xf32, #tpu.memory_space<vmem>>
    %dma_wait3A_1737 = arith.constant 0 : i32
    %dma_wait3A_1738 = tpu.memref_slice %arg3[%dma_wait3A_1737] : memref<8126464xf32, #tpu.memory_space<hbm>> -> memref<3968xf32, #tpu.memory_space<hbm>>
    tpu.wait_dma2 semaphore(%arg6 : memref<!tpu.dma_semaphore, #tpu.memory_space<semaphore_mem>>) src(%dma_wait3A_1738 : memref<3968xf32, #tpu.memory_space<hbm>>) dst(%dma_wait3A_1736 : memref<3968xf32, #tpu.memory_space<vmem>>)
    %dma_wait3A_1739 = arith.constant 0 : i32
    %dma_wait3A_1740 = tpu.memref_slice %arg5[%dma_wait3A_1739] : memref<16384xf32, #tpu.memory_space<vmem>> -> memref<3968xf32, #tpu.memory_space<vmem>>
    %dma_wait3A_1741 = arith.constant 0 : i32
    %dma_wait3A_1742 = tpu.memref_slice %arg3[%dma_wait3A_1741] : memref<8126464xf32, #tpu.memory_space<hbm>> -> memref<3968xf32, #tpu.memory_space<hbm>>
    %dma_wait3A_1743 = arith.constant 0 : i32
    %dma_wait3A_1744 = tpu.memref_slice %arg5[%dma_wait3A_1743] : memref<16384xf32, #tpu.memory_space<vmem>> -> memref<3968xf32, #tpu.memory_space<vmem>>
    %dma_wait3A_1745 = arith.constant 0 : i32
    %dma_wait3A_1746 = tpu.memref_slice %arg3[%dma_wait3A_1745] : memref<8126464xf32, #tpu.memory_space<hbm>> -> memref<3968xf32, #tpu.memory_space<hbm>>
    tpu.wait_dma2 semaphore(%arg6 : memref<!tpu.dma_semaphore, #tpu.memory_space<semaphore_mem>>) src(%dma_wait3A_1746 : memref<3968xf32, #tpu.memory_space<hbm>>) dst(%dma_wait3A_1744 : memref<3968xf32, #tpu.memory_space<vmem>>)
    return
  }
}

module attributes {stable_mosaic.version = 14 : i64} {
  func.func @_tc_body(%arg0: i32, %arg1: i32, %arg2: memref<1x128x3968xf32, #tpu.memory_space<vmem>>, %arg3: memref<1x16x2048x2048xf32, #tpu.memory_space<any>>, %arg4: memref<!tpu.dma_semaphore, #tpu.memory_space<semaphore_mem>>) attributes {dimension_semantics = [#tpu.dimension_semantics<arbitrary>, #tpu.dimension_semantics<arbitrary>], iteration_bounds = array<i64: 16, 16>, scalar_prefetch = 0 : i64, scratch_operands = 1 : i64, tpu.core_type = #tpu.core_type<tc>, window_params = [{transform_indices = @transform_0, window_bounds = array<i64: 1, 128, 3968>}, {}]} {
    %mul3A = arith.constant 16 : i32
    %mul3A_0 = arith.muli %arg0, %mul3A : i32
    %add3A = arith.addi %mul3A_0, %arg1 : i32
    %sub3A = arith.constant 15 : i32
    %sub3A_1 = arith.subi %sub3A, %arg1 : i32
    %mul3A_2 = arith.constant 128 : i32
    %mul3A_3 = arith.muli %mul3A_2, %sub3A_1 : i32
    %mul3A_4 = arith.constant 128 : i32
    %mul3A_5 = arith.muli %mul3A_4, %arg1 : i32
    %add3A_6 = arith.constant 0 : i32
    %add3A_7 = arith.addi %mul3A_5, %add3A_6 : i32
    %dma_start3A = arith.constant 0 : i32
    %dma_start3A_8 = arith.constant 0 : i32
    %dma_start3A_9 = arith.constant 0 : i32
    %dma_start3A_10 = tpu.memref_slice %arg3[%dma_start3A_8, %arg0, %add3A_7, %dma_start3A_9] : memref<1x16x2048x2048xf32, #tpu.memory_space<any>> -> memref<1x1x64x2048xf32, #tpu.memory_space<any>>
    %dma_start3A_11 = tpu.memref_squeeze %dma_start3A_10 : memref<1x1x64x2048xf32, #tpu.memory_space<any>> -> memref<64x2048xf32, #tpu.memory_space<any>>
    %dma_start3A_12 = arith.constant 0 : i32
    %dma_start3A_13 = tpu.memref_slice %arg2[%dma_start3A, %dma_start3A_12, %mul3A_3] : memref<1x128x3968xf32, #tpu.memory_space<vmem>> -> memref<1x64x2048xf32, #tpu.memory_space<vmem>>
    %dma_start3A_14 = tpu.memref_squeeze %dma_start3A_13 : memref<1x64x2048xf32, #tpu.memory_space<vmem>> -> memref<64x2048xf32, #tpu.memory_space<vmem>>
    tpu.enqueue_dma source(%dma_start3A_14 : memref<64x2048xf32, #tpu.memory_space<vmem>>) target(%dma_start3A_11 : memref<64x2048xf32, #tpu.memory_space<any>>) target_semaphore(%arg4 : memref<!tpu.dma_semaphore, #tpu.memory_space<semaphore_mem>>)
    %mul3A_15 = arith.constant 128 : i32
    %mul3A_16 = arith.muli %mul3A_15, %arg1 : i32
    %add3A_17 = arith.constant 64 : i32
    %add3A_18 = arith.addi %mul3A_16, %add3A_17 : i32
    %dma_start3A_19 = arith.constant 0 : i32
    %dma_start3A_20 = arith.constant 0 : i32
    %dma_start3A_21 = arith.constant 0 : i32
    %dma_start3A_22 = tpu.memref_slice %arg3[%dma_start3A_20, %arg0, %add3A_18, %dma_start3A_21] : memref<1x16x2048x2048xf32, #tpu.memory_space<any>> -> memref<1x1x64x2048xf32, #tpu.memory_space<any>>
    %dma_start3A_23 = tpu.memref_squeeze %dma_start3A_22 : memref<1x1x64x2048xf32, #tpu.memory_space<any>> -> memref<64x2048xf32, #tpu.memory_space<any>>
    %dma_start3A_24 = arith.constant 64 : i32
    %dma_start3A_25 = tpu.memref_slice %arg2[%dma_start3A_19, %dma_start3A_24, %mul3A_3] : memref<1x128x3968xf32, #tpu.memory_space<vmem>> -> memref<1x64x2048xf32, #tpu.memory_space<vmem>>
    %dma_start3A_26 = tpu.memref_squeeze %dma_start3A_25 : memref<1x64x2048xf32, #tpu.memory_space<vmem>> -> memref<64x2048xf32, #tpu.memory_space<vmem>>
    tpu.enqueue_dma source(%dma_start3A_26 : memref<64x2048xf32, #tpu.memory_space<vmem>>) target(%dma_start3A_23 : memref<64x2048xf32, #tpu.memory_space<any>>) target_semaphore(%arg4 : memref<!tpu.dma_semaphore, #tpu.memory_space<semaphore_mem>>)
    %ge3A = arith.constant 8 : i32
    %ge3A_27 = arith.cmpi sge, %add3A, %ge3A : i32
    %convert_element_type3A = arith.extui %ge3A_27 : i1 to i32
    %cond3A = arith.constant 0 : i32
    %cond3A_28 = arith.cmpi ne, %convert_element_type3A, %cond3A : i32
    scf.if %cond3A_28 {
      %dma_wait3A = arith.constant 0 : i32
      %dma_wait3A_33 = arith.constant 0 : i32
      %dma_wait3A_34 = arith.constant 0 : i32
      %dma_wait3A_35 = arith.constant 0 : i32
      %dma_wait3A_36 = arith.constant 0 : i32
      %dma_wait3A_37 = tpu.memref_slice %arg3[%dma_wait3A_33, %dma_wait3A_34, %dma_wait3A_35, %dma_wait3A_36] : memref<1x16x2048x2048xf32, #tpu.memory_space<any>> -> memref<1x1x64x2048xf32, #tpu.memory_space<any>>
      %dma_wait3A_38 = tpu.memref_squeeze %dma_wait3A_37 : memref<1x1x64x2048xf32, #tpu.memory_space<any>> -> memref<64x2048xf32, #tpu.memory_space<any>>
      %dma_wait3A_39 = arith.constant 0 : i32
      %dma_wait3A_40 = arith.constant 0 : i32
      %dma_wait3A_41 = tpu.memref_slice %arg2[%dma_wait3A, %dma_wait3A_39, %dma_wait3A_40] : memref<1x128x3968xf32, #tpu.memory_space<vmem>> -> memref<1x64x2048xf32, #tpu.memory_space<vmem>>
      %dma_wait3A_42 = tpu.memref_squeeze %dma_wait3A_41 : memref<1x64x2048xf32, #tpu.memory_space<vmem>> -> memref<64x2048xf32, #tpu.memory_space<vmem>>
      tpu.wait_dma2 semaphore(%arg4 : memref<!tpu.dma_semaphore, #tpu.memory_space<semaphore_mem>>) src(%dma_wait3A_42 : memref<64x2048xf32, #tpu.memory_space<vmem>>) dst(%dma_wait3A_38 : memref<64x2048xf32, #tpu.memory_space<any>>)
      %dma_wait3A_43 = arith.constant 0 : i32
      %dma_wait3A_44 = arith.constant 0 : i32
      %dma_wait3A_45 = arith.constant 0 : i32
      %dma_wait3A_46 = arith.constant 0 : i32
      %dma_wait3A_47 = arith.constant 0 : i32
      %dma_wait3A_48 = tpu.memref_slice %arg3[%dma_wait3A_44, %dma_wait3A_45, %dma_wait3A_46, %dma_wait3A_47] : memref<1x16x2048x2048xf32, #tpu.memory_space<any>> -> memref<1x1x64x2048xf32, #tpu.memory_space<any>>
      %dma_wait3A_49 = tpu.memref_squeeze %dma_wait3A_48 : memref<1x1x64x2048xf32, #tpu.memory_space<any>> -> memref<64x2048xf32, #tpu.memory_space<any>>
      %dma_wait3A_50 = arith.constant 0 : i32
      %dma_wait3A_51 = arith.constant 0 : i32
      %dma_wait3A_52 = tpu.memref_slice %arg2[%dma_wait3A_43, %dma_wait3A_50, %dma_wait3A_51] : memref<1x128x3968xf32, #tpu.memory_space<vmem>> -> memref<1x64x2048xf32, #tpu.memory_space<vmem>>
      %dma_wait3A_53 = tpu.memref_squeeze %dma_wait3A_52 : memref<1x64x2048xf32, #tpu.memory_space<vmem>> -> memref<64x2048xf32, #tpu.memory_space<vmem>>
      tpu.wait_dma2 semaphore(%arg4 : memref<!tpu.dma_semaphore, #tpu.memory_space<semaphore_mem>>) src(%dma_wait3A_53 : memref<64x2048xf32, #tpu.memory_space<vmem>>) dst(%dma_wait3A_49 : memref<64x2048xf32, #tpu.memory_space<any>>)
    } else {
    }
    %eq3A = arith.constant 255 : i32
    %eq3A_29 = arith.cmpi eq, %add3A, %eq3A : i32
    %convert_element_type3A_30 = arith.extui %eq3A_29 : i1 to i32
    %cond3A_31 = arith.constant 0 : i32
    %cond3A_32 = arith.cmpi ne, %convert_element_type3A_30, %cond3A_31 : i32
    scf.if %cond3A_32 {
      %dma_wait3A = arith.constant 0 : i32
      %dma_wait3A_33 = arith.constant 0 : i32
      %dma_wait3A_34 = arith.constant 0 : i32
      %dma_wait3A_35 = arith.constant 0 : i32
      %dma_wait3A_36 = arith.constant 0 : i32
      %dma_wait3A_37 = tpu.memref_slice %arg3[%dma_wait3A_33, %dma_wait3A_34, %dma_wait3A_35, %dma_wait3A_36] : memref<1x16x2048x2048xf32, #tpu.memory_space<any>> -> memref<1x1x64x2048xf32, #tpu.memory_space<any>>
      %dma_wait3A_38 = tpu.memref_squeeze %dma_wait3A_37 : memref<1x1x64x2048xf32, #tpu.memory_space<any>> -> memref<64x2048xf32, #tpu.memory_space<any>>
      %dma_wait3A_39 = arith.constant 0 : i32
      %dma_wait3A_40 = arith.constant 0 : i32
      %dma_wait3A_41 = tpu.memref_slice %arg2[%dma_wait3A, %dma_wait3A_39, %dma_wait3A_40] : memref<1x128x3968xf32, #tpu.memory_space<vmem>> -> memref<1x64x2048xf32, #tpu.memory_space<vmem>>
      %dma_wait3A_42 = tpu.memref_squeeze %dma_wait3A_41 : memref<1x64x2048xf32, #tpu.memory_space<vmem>> -> memref<64x2048xf32, #tpu.memory_space<vmem>>
      tpu.wait_dma2 semaphore(%arg4 : memref<!tpu.dma_semaphore, #tpu.memory_space<semaphore_mem>>) src(%dma_wait3A_42 : memref<64x2048xf32, #tpu.memory_space<vmem>>) dst(%dma_wait3A_38 : memref<64x2048xf32, #tpu.memory_space<any>>)
      %dma_wait3A_43 = arith.constant 0 : i32
      %dma_wait3A_44 = arith.constant 0 : i32
      %dma_wait3A_45 = arith.constant 0 : i32
      %dma_wait3A_46 = arith.constant 0 : i32
      %dma_wait3A_47 = arith.constant 0 : i32
      %dma_wait3A_48 = tpu.memref_slice %arg3[%dma_wait3A_44, %dma_wait3A_45, %dma_wait3A_46, %dma_wait3A_47] : memref<1x16x2048x2048xf32, #tpu.memory_space<any>> -> memref<1x1x64x2048xf32, #tpu.memory_space<any>>
      %dma_wait3A_49 = tpu.memref_squeeze %dma_wait3A_48 : memref<1x1x64x2048xf32, #tpu.memory_space<any>> -> memref<64x2048xf32, #tpu.memory_space<any>>
      %dma_wait3A_50 = arith.constant 0 : i32
      %dma_wait3A_51 = arith.constant 0 : i32
      %dma_wait3A_52 = tpu.memref_slice %arg2[%dma_wait3A_43, %dma_wait3A_50, %dma_wait3A_51] : memref<1x128x3968xf32, #tpu.memory_space<vmem>> -> memref<1x64x2048xf32, #tpu.memory_space<vmem>>
      %dma_wait3A_53 = tpu.memref_squeeze %dma_wait3A_52 : memref<1x64x2048xf32, #tpu.memory_space<vmem>> -> memref<64x2048xf32, #tpu.memory_space<vmem>>
      tpu.wait_dma2 semaphore(%arg4 : memref<!tpu.dma_semaphore, #tpu.memory_space<semaphore_mem>>) src(%dma_wait3A_53 : memref<64x2048xf32, #tpu.memory_space<vmem>>) dst(%dma_wait3A_49 : memref<64x2048xf32, #tpu.memory_space<any>>)
      %dma_wait3A_54 = arith.constant 0 : i32
      %dma_wait3A_55 = arith.constant 0 : i32
      %dma_wait3A_56 = arith.constant 0 : i32
      %dma_wait3A_57 = arith.constant 0 : i32
      %dma_wait3A_58 = arith.constant 0 : i32
      %dma_wait3A_59 = tpu.memref_slice %arg3[%dma_wait3A_55, %dma_wait3A_56, %dma_wait3A_57, %dma_wait3A_58] : memref<1x16x2048x2048xf32, #tpu.memory_space<any>> -> memref<1x1x64x2048xf32, #tpu.memory_space<any>>
      %dma_wait3A_60 = tpu.memref_squeeze %dma_wait3A_59 : memref<1x1x64x2048xf32, #tpu.memory_space<any>> -> memref<64x2048xf32, #tpu.memory_space<any>>
      %dma_wait3A_61 = arith.constant 0 : i32
      %dma_wait3A_62 = arith.constant 0 : i32
      %dma_wait3A_63 = tpu.memref_slice %arg2[%dma_wait3A_54, %dma_wait3A_61, %dma_wait3A_62] : memref<1x128x3968xf32, #tpu.memory_space<vmem>> -> memref<1x64x2048xf32, #tpu.memory_space<vmem>>
      %dma_wait3A_64 = tpu.memref_squeeze %dma_wait3A_63 : memref<1x64x2048xf32, #tpu.memory_space<vmem>> -> memref<64x2048xf32, #tpu.memory_space<vmem>>
      tpu.wait_dma2 semaphore(%arg4 : memref<!tpu.dma_semaphore, #tpu.memory_space<semaphore_mem>>) src(%dma_wait3A_64 : memref<64x2048xf32, #tpu.memory_space<vmem>>) dst(%dma_wait3A_60 : memref<64x2048xf32, #tpu.memory_space<any>>)
      %dma_wait3A_65 = arith.constant 0 : i32
      %dma_wait3A_66 = arith.constant 0 : i32
      %dma_wait3A_67 = arith.constant 0 : i32
      %dma_wait3A_68 = arith.constant 0 : i32
      %dma_wait3A_69 = arith.constant 0 : i32
      %dma_wait3A_70 = tpu.memref_slice %arg3[%dma_wait3A_66, %dma_wait3A_67, %dma_wait3A_68, %dma_wait3A_69] : memref<1x16x2048x2048xf32, #tpu.memory_space<any>> -> memref<1x1x64x2048xf32, #tpu.memory_space<any>>
      %dma_wait3A_71 = tpu.memref_squeeze %dma_wait3A_70 : memref<1x1x64x2048xf32, #tpu.memory_space<any>> -> memref<64x2048xf32, #tpu.memory_space<any>>
      %dma_wait3A_72 = arith.constant 0 : i32
      %dma_wait3A_73 = arith.constant 0 : i32
      %dma_wait3A_74 = tpu.memref_slice %arg2[%dma_wait3A_65, %dma_wait3A_72, %dma_wait3A_73] : memref<1x128x3968xf32, #tpu.memory_space<vmem>> -> memref<1x64x2048xf32, #tpu.memory_space<vmem>>
      %dma_wait3A_75 = tpu.memref_squeeze %dma_wait3A_74 : memref<1x64x2048xf32, #tpu.memory_space<vmem>> -> memref<64x2048xf32, #tpu.memory_space<vmem>>
      tpu.wait_dma2 semaphore(%arg4 : memref<!tpu.dma_semaphore, #tpu.memory_space<semaphore_mem>>) src(%dma_wait3A_75 : memref<64x2048xf32, #tpu.memory_space<vmem>>) dst(%dma_wait3A_71 : memref<64x2048xf32, #tpu.memory_space<any>>)
      %dma_wait3A_76 = arith.constant 0 : i32
      %dma_wait3A_77 = arith.constant 0 : i32
      %dma_wait3A_78 = arith.constant 0 : i32
      %dma_wait3A_79 = arith.constant 0 : i32
      %dma_wait3A_80 = arith.constant 0 : i32
      %dma_wait3A_81 = tpu.memref_slice %arg3[%dma_wait3A_77, %dma_wait3A_78, %dma_wait3A_79, %dma_wait3A_80] : memref<1x16x2048x2048xf32, #tpu.memory_space<any>> -> memref<1x1x64x2048xf32, #tpu.memory_space<any>>
      %dma_wait3A_82 = tpu.memref_squeeze %dma_wait3A_81 : memref<1x1x64x2048xf32, #tpu.memory_space<any>> -> memref<64x2048xf32, #tpu.memory_space<any>>
      %dma_wait3A_83 = arith.constant 0 : i32
      %dma_wait3A_84 = arith.constant 0 : i32
      %dma_wait3A_85 = tpu.memref_slice %arg2[%dma_wait3A_76, %dma_wait3A_83, %dma_wait3A_84] : memref<1x128x3968xf32, #tpu.memory_space<vmem>> -> memref<1x64x2048xf32, #tpu.memory_space<vmem>>
      %dma_wait3A_86 = tpu.memref_squeeze %dma_wait3A_85 : memref<1x64x2048xf32, #tpu.memory_space<vmem>> -> memref<64x2048xf32, #tpu.memory_space<vmem>>
      tpu.wait_dma2 semaphore(%arg4 : memref<!tpu.dma_semaphore, #tpu.memory_space<semaphore_mem>>) src(%dma_wait3A_86 : memref<64x2048xf32, #tpu.memory_space<vmem>>) dst(%dma_wait3A_82 : memref<64x2048xf32, #tpu.memory_space<any>>)
      %dma_wait3A_87 = arith.constant 0 : i32
      %dma_wait3A_88 = arith.constant 0 : i32
      %dma_wait3A_89 = arith.constant 0 : i32
      %dma_wait3A_90 = arith.constant 0 : i32
      %dma_wait3A_91 = arith.constant 0 : i32
      %dma_wait3A_92 = tpu.memref_slice %arg3[%dma_wait3A_88, %dma_wait3A_89, %dma_wait3A_90, %dma_wait3A_91] : memref<1x16x2048x2048xf32, #tpu.memory_space<any>> -> memref<1x1x64x2048xf32, #tpu.memory_space<any>>
      %dma_wait3A_93 = tpu.memref_squeeze %dma_wait3A_92 : memref<1x1x64x2048xf32, #tpu.memory_space<any>> -> memref<64x2048xf32, #tpu.memory_space<any>>
      %dma_wait3A_94 = arith.constant 0 : i32
      %dma_wait3A_95 = arith.constant 0 : i32
      %dma_wait3A_96 = tpu.memref_slice %arg2[%dma_wait3A_87, %dma_wait3A_94, %dma_wait3A_95] : memref<1x128x3968xf32, #tpu.memory_space<vmem>> -> memref<1x64x2048xf32, #tpu.memory_space<vmem>>
      %dma_wait3A_97 = tpu.memref_squeeze %dma_wait3A_96 : memref<1x64x2048xf32, #tpu.memory_space<vmem>> -> memref<64x2048xf32, #tpu.memory_space<vmem>>
      tpu.wait_dma2 semaphore(%arg4 : memref<!tpu.dma_semaphore, #tpu.memory_space<semaphore_mem>>) src(%dma_wait3A_97 : memref<64x2048xf32, #tpu.memory_space<vmem>>) dst(%dma_wait3A_93 : memref<64x2048xf32, #tpu.memory_space<any>>)
      %dma_wait3A_98 = arith.constant 0 : i32
      %dma_wait3A_99 = arith.constant 0 : i32
      %dma_wait3A_100 = arith.constant 0 : i32
      %dma_wait3A_101 = arith.constant 0 : i32
      %dma_wait3A_102 = arith.constant 0 : i32
      %dma_wait3A_103 = tpu.memref_slice %arg3[%dma_wait3A_99, %dma_wait3A_100, %dma_wait3A_101, %dma_wait3A_102] : memref<1x16x2048x2048xf32, #tpu.memory_space<any>> -> memref<1x1x64x2048xf32, #tpu.memory_space<any>>
      %dma_wait3A_104 = tpu.memref_squeeze %dma_wait3A_103 : memref<1x1x64x2048xf32, #tpu.memory_space<any>> -> memref<64x2048xf32, #tpu.memory_space<any>>
      %dma_wait3A_105 = arith.constant 0 : i32
      %dma_wait3A_106 = arith.constant 0 : i32
      %dma_wait3A_107 = tpu.memref_slice %arg2[%dma_wait3A_98, %dma_wait3A_105, %dma_wait3A_106] : memref<1x128x3968xf32, #tpu.memory_space<vmem>> -> memref<1x64x2048xf32, #tpu.memory_space<vmem>>
      %dma_wait3A_108 = tpu.memref_squeeze %dma_wait3A_107 : memref<1x64x2048xf32, #tpu.memory_space<vmem>> -> memref<64x2048xf32, #tpu.memory_space<vmem>>
      tpu.wait_dma2 semaphore(%arg4 : memref<!tpu.dma_semaphore, #tpu.memory_space<semaphore_mem>>) src(%dma_wait3A_108 : memref<64x2048xf32, #tpu.memory_space<vmem>>) dst(%dma_wait3A_104 : memref<64x2048xf32, #tpu.memory_space<any>>)
      %dma_wait3A_109 = arith.constant 0 : i32
      %dma_wait3A_110 = arith.constant 0 : i32
      %dma_wait3A_111 = arith.constant 0 : i32
      %dma_wait3A_112 = arith.constant 0 : i32
      %dma_wait3A_113 = arith.constant 0 : i32
      %dma_wait3A_114 = tpu.memref_slice %arg3[%dma_wait3A_110, %dma_wait3A_111, %dma_wait3A_112, %dma_wait3A_113] : memref<1x16x2048x2048xf32, #tpu.memory_space<any>> -> memref<1x1x64x2048xf32, #tpu.memory_space<any>>
      %dma_wait3A_115 = tpu.memref_squeeze %dma_wait3A_114 : memref<1x1x64x2048xf32, #tpu.memory_space<any>> -> memref<64x2048xf32, #tpu.memory_space<any>>
      %dma_wait3A_116 = arith.constant 0 : i32
      %dma_wait3A_117 = arith.constant 0 : i32
      %dma_wait3A_118 = tpu.memref_slice %arg2[%dma_wait3A_109, %dma_wait3A_116, %dma_wait3A_117] : memref<1x128x3968xf32, #tpu.memory_space<vmem>> -> memref<1x64x2048xf32, #tpu.memory_space<vmem>>
      %dma_wait3A_119 = tpu.memref_squeeze %dma_wait3A_118 : memref<1x64x2048xf32, #tpu.memory_space<vmem>> -> memref<64x2048xf32, #tpu.memory_space<vmem>>
      tpu.wait_dma2 semaphore(%arg4 : memref<!tpu.dma_semaphore, #tpu.memory_space<semaphore_mem>>) src(%dma_wait3A_119 : memref<64x2048xf32, #tpu.memory_space<vmem>>) dst(%dma_wait3A_115 : memref<64x2048xf32, #tpu.memory_space<any>>)
      %dma_wait3A_120 = arith.constant 0 : i32
      %dma_wait3A_121 = arith.constant 0 : i32
      %dma_wait3A_122 = arith.constant 0 : i32
      %dma_wait3A_123 = arith.constant 0 : i32
      %dma_wait3A_124 = arith.constant 0 : i32
      %dma_wait3A_125 = tpu.memref_slice %arg3[%dma_wait3A_121, %dma_wait3A_122, %dma_wait3A_123, %dma_wait3A_124] : memref<1x16x2048x2048xf32, #tpu.memory_space<any>> -> memref<1x1x64x2048xf32, #tpu.memory_space<any>>
      %dma_wait3A_126 = tpu.memref_squeeze %dma_wait3A_125 : memref<1x1x64x2048xf32, #tpu.memory_space<any>> -> memref<64x2048xf32, #tpu.memory_space<any>>
      %dma_wait3A_127 = arith.constant 0 : i32
      %dma_wait3A_128 = arith.constant 0 : i32
      %dma_wait3A_129 = tpu.memref_slice %arg2[%dma_wait3A_120, %dma_wait3A_127, %dma_wait3A_128] : memref<1x128x3968xf32, #tpu.memory_space<vmem>> -> memref<1x64x2048xf32, #tpu.memory_space<vmem>>
      %dma_wait3A_130 = tpu.memref_squeeze %dma_wait3A_129 : memref<1x64x2048xf32, #tpu.memory_space<vmem>> -> memref<64x2048xf32, #tpu.memory_space<vmem>>
      tpu.wait_dma2 semaphore(%arg4 : memref<!tpu.dma_semaphore, #tpu.memory_space<semaphore_mem>>) src(%dma_wait3A_130 : memref<64x2048xf32, #tpu.memory_space<vmem>>) dst(%dma_wait3A_126 : memref<64x2048xf32, #tpu.memory_space<any>>)
      %dma_wait3A_131 = arith.constant 0 : i32
      %dma_wait3A_132 = arith.constant 0 : i32
      %dma_wait3A_133 = arith.constant 0 : i32
      %dma_wait3A_134 = arith.constant 0 : i32
      %dma_wait3A_135 = arith.constant 0 : i32
      %dma_wait3A_136 = tpu.memref_slice %arg3[%dma_wait3A_132, %dma_wait3A_133, %dma_wait3A_134, %dma_wait3A_135] : memref<1x16x2048x2048xf32, #tpu.memory_space<any>> -> memref<1x1x64x2048xf32, #tpu.memory_space<any>>
      %dma_wait3A_137 = tpu.memref_squeeze %dma_wait3A_136 : memref<1x1x64x2048xf32, #tpu.memory_space<any>> -> memref<64x2048xf32, #tpu.memory_space<any>>
      %dma_wait3A_138 = arith.constant 0 : i32
      %dma_wait3A_139 = arith.constant 0 : i32
      %dma_wait3A_140 = tpu.memref_slice %arg2[%dma_wait3A_131, %dma_wait3A_138, %dma_wait3A_139] : memref<1x128x3968xf32, #tpu.memory_space<vmem>> -> memref<1x64x2048xf32, #tpu.memory_space<vmem>>
      %dma_wait3A_141 = tpu.memref_squeeze %dma_wait3A_140 : memref<1x64x2048xf32, #tpu.memory_space<vmem>> -> memref<64x2048xf32, #tpu.memory_space<vmem>>
      tpu.wait_dma2 semaphore(%arg4 : memref<!tpu.dma_semaphore, #tpu.memory_space<semaphore_mem>>) src(%dma_wait3A_141 : memref<64x2048xf32, #tpu.memory_space<vmem>>) dst(%dma_wait3A_137 : memref<64x2048xf32, #tpu.memory_space<any>>)
      %dma_wait3A_142 = arith.constant 0 : i32
      %dma_wait3A_143 = arith.constant 0 : i32
      %dma_wait3A_144 = arith.constant 0 : i32
      %dma_wait3A_145 = arith.constant 0 : i32
      %dma_wait3A_146 = arith.constant 0 : i32
      %dma_wait3A_147 = tpu.memref_slice %arg3[%dma_wait3A_143, %dma_wait3A_144, %dma_wait3A_145, %dma_wait3A_146] : memref<1x16x2048x2048xf32, #tpu.memory_space<any>> -> memref<1x1x64x2048xf32, #tpu.memory_space<any>>
      %dma_wait3A_148 = tpu.memref_squeeze %dma_wait3A_147 : memref<1x1x64x2048xf32, #tpu.memory_space<any>> -> memref<64x2048xf32, #tpu.memory_space<any>>
      %dma_wait3A_149 = arith.constant 0 : i32
      %dma_wait3A_150 = arith.constant 0 : i32
      %dma_wait3A_151 = tpu.memref_slice %arg2[%dma_wait3A_142, %dma_wait3A_149, %dma_wait3A_150] : memref<1x128x3968xf32, #tpu.memory_space<vmem>> -> memref<1x64x2048xf32, #tpu.memory_space<vmem>>
      %dma_wait3A_152 = tpu.memref_squeeze %dma_wait3A_151 : memref<1x64x2048xf32, #tpu.memory_space<vmem>> -> memref<64x2048xf32, #tpu.memory_space<vmem>>
      tpu.wait_dma2 semaphore(%arg4 : memref<!tpu.dma_semaphore, #tpu.memory_space<semaphore_mem>>) src(%dma_wait3A_152 : memref<64x2048xf32, #tpu.memory_space<vmem>>) dst(%dma_wait3A_148 : memref<64x2048xf32, #tpu.memory_space<any>>)
      %dma_wait3A_153 = arith.constant 0 : i32
      %dma_wait3A_154 = arith.constant 0 : i32
      %dma_wait3A_155 = arith.constant 0 : i32
      %dma_wait3A_156 = arith.constant 0 : i32
      %dma_wait3A_157 = arith.constant 0 : i32
      %dma_wait3A_158 = tpu.memref_slice %arg3[%dma_wait3A_154, %dma_wait3A_155, %dma_wait3A_156, %dma_wait3A_157] : memref<1x16x2048x2048xf32, #tpu.memory_space<any>> -> memref<1x1x64x2048xf32, #tpu.memory_space<any>>
      %dma_wait3A_159 = tpu.memref_squeeze %dma_wait3A_158 : memref<1x1x64x2048xf32, #tpu.memory_space<any>> -> memref<64x2048xf32, #tpu.memory_space<any>>
      %dma_wait3A_160 = arith.constant 0 : i32
      %dma_wait3A_161 = arith.constant 0 : i32
      %dma_wait3A_162 = tpu.memref_slice %arg2[%dma_wait3A_153, %dma_wait3A_160, %dma_wait3A_161] : memref<1x128x3968xf32, #tpu.memory_space<vmem>> -> memref<1x64x2048xf32, #tpu.memory_space<vmem>>
      %dma_wait3A_163 = tpu.memref_squeeze %dma_wait3A_162 : memref<1x64x2048xf32, #tpu.memory_space<vmem>> -> memref<64x2048xf32, #tpu.memory_space<vmem>>
      tpu.wait_dma2 semaphore(%arg4 : memref<!tpu.dma_semaphore, #tpu.memory_space<semaphore_mem>>) src(%dma_wait3A_163 : memref<64x2048xf32, #tpu.memory_space<vmem>>) dst(%dma_wait3A_159 : memref<64x2048xf32, #tpu.memory_space<any>>)
      %dma_wait3A_164 = arith.constant 0 : i32
      %dma_wait3A_165 = arith.constant 0 : i32
      %dma_wait3A_166 = arith.constant 0 : i32
      %dma_wait3A_167 = arith.constant 0 : i32
      %dma_wait3A_168 = arith.constant 0 : i32
      %dma_wait3A_169 = tpu.memref_slice %arg3[%dma_wait3A_165, %dma_wait3A_166, %dma_wait3A_167, %dma_wait3A_168] : memref<1x16x2048x2048xf32, #tpu.memory_space<any>> -> memref<1x1x64x2048xf32, #tpu.memory_space<any>>
      %dma_wait3A_170 = tpu.memref_squeeze %dma_wait3A_169 : memref<1x1x64x2048xf32, #tpu.memory_space<any>> -> memref<64x2048xf32, #tpu.memory_space<any>>
      %dma_wait3A_171 = arith.constant 0 : i32
      %dma_wait3A_172 = arith.constant 0 : i32
      %dma_wait3A_173 = tpu.memref_slice %arg2[%dma_wait3A_164, %dma_wait3A_171, %dma_wait3A_172] : memref<1x128x3968xf32, #tpu.memory_space<vmem>> -> memref<1x64x2048xf32, #tpu.memory_space<vmem>>
      %dma_wait3A_174 = tpu.memref_squeeze %dma_wait3A_173 : memref<1x64x2048xf32, #tpu.memory_space<vmem>> -> memref<64x2048xf32, #tpu.memory_space<vmem>>
      tpu.wait_dma2 semaphore(%arg4 : memref<!tpu.dma_semaphore, #tpu.memory_space<semaphore_mem>>) src(%dma_wait3A_174 : memref<64x2048xf32, #tpu.memory_space<vmem>>) dst(%dma_wait3A_170 : memref<64x2048xf32, #tpu.memory_space<any>>)
      %dma_wait3A_175 = arith.constant 0 : i32
      %dma_wait3A_176 = arith.constant 0 : i32
      %dma_wait3A_177 = arith.constant 0 : i32
      %dma_wait3A_178 = arith.constant 0 : i32
      %dma_wait3A_179 = arith.constant 0 : i32
      %dma_wait3A_180 = tpu.memref_slice %arg3[%dma_wait3A_176, %dma_wait3A_177, %dma_wait3A_178, %dma_wait3A_179] : memref<1x16x2048x2048xf32, #tpu.memory_space<any>> -> memref<1x1x64x2048xf32, #tpu.memory_space<any>>
      %dma_wait3A_181 = tpu.memref_squeeze %dma_wait3A_180 : memref<1x1x64x2048xf32, #tpu.memory_space<any>> -> memref<64x2048xf32, #tpu.memory_space<any>>
      %dma_wait3A_182 = arith.constant 0 : i32
      %dma_wait3A_183 = arith.constant 0 : i32
      %dma_wait3A_184 = tpu.memref_slice %arg2[%dma_wait3A_175, %dma_wait3A_182, %dma_wait3A_183] : memref<1x128x3968xf32, #tpu.memory_space<vmem>> -> memref<1x64x2048xf32, #tpu.memory_space<vmem>>
      %dma_wait3A_185 = tpu.memref_squeeze %dma_wait3A_184 : memref<1x64x2048xf32, #tpu.memory_space<vmem>> -> memref<64x2048xf32, #tpu.memory_space<vmem>>
      tpu.wait_dma2 semaphore(%arg4 : memref<!tpu.dma_semaphore, #tpu.memory_space<semaphore_mem>>) src(%dma_wait3A_185 : memref<64x2048xf32, #tpu.memory_space<vmem>>) dst(%dma_wait3A_181 : memref<64x2048xf32, #tpu.memory_space<any>>)
      %dma_wait3A_186 = arith.constant 0 : i32
      %dma_wait3A_187 = arith.constant 0 : i32
      %dma_wait3A_188 = arith.constant 0 : i32
      %dma_wait3A_189 = arith.constant 0 : i32
      %dma_wait3A_190 = arith.constant 0 : i32
      %dma_wait3A_191 = tpu.memref_slice %arg3[%dma_wait3A_187, %dma_wait3A_188, %dma_wait3A_189, %dma_wait3A_190] : memref<1x16x2048x2048xf32, #tpu.memory_space<any>> -> memref<1x1x64x2048xf32, #tpu.memory_space<any>>
      %dma_wait3A_192 = tpu.memref_squeeze %dma_wait3A_191 : memref<1x1x64x2048xf32, #tpu.memory_space<any>> -> memref<64x2048xf32, #tpu.memory_space<any>>
      %dma_wait3A_193 = arith.constant 0 : i32
      %dma_wait3A_194 = arith.constant 0 : i32
      %dma_wait3A_195 = tpu.memref_slice %arg2[%dma_wait3A_186, %dma_wait3A_193, %dma_wait3A_194] : memref<1x128x3968xf32, #tpu.memory_space<vmem>> -> memref<1x64x2048xf32, #tpu.memory_space<vmem>>
      %dma_wait3A_196 = tpu.memref_squeeze %dma_wait3A_195 : memref<1x64x2048xf32, #tpu.memory_space<vmem>> -> memref<64x2048xf32, #tpu.memory_space<vmem>>
      tpu.wait_dma2 semaphore(%arg4 : memref<!tpu.dma_semaphore, #tpu.memory_space<semaphore_mem>>) src(%dma_wait3A_196 : memref<64x2048xf32, #tpu.memory_space<vmem>>) dst(%dma_wait3A_192 : memref<64x2048xf32, #tpu.memory_space<any>>)
      %dma_wait3A_197 = arith.constant 0 : i32
      %dma_wait3A_198 = arith.constant 0 : i32
      %dma_wait3A_199 = arith.constant 0 : i32
      %dma_wait3A_200 = arith.constant 0 : i32
      %dma_wait3A_201 = arith.constant 0 : i32
      %dma_wait3A_202 = tpu.memref_slice %arg3[%dma_wait3A_198, %dma_wait3A_199, %dma_wait3A_200, %dma_wait3A_201] : memref<1x16x2048x2048xf32, #tpu.memory_space<any>> -> memref<1x1x64x2048xf32, #tpu.memory_space<any>>
      %dma_wait3A_203 = tpu.memref_squeeze %dma_wait3A_202 : memref<1x1x64x2048xf32, #tpu.memory_space<any>> -> memref<64x2048xf32, #tpu.memory_space<any>>
      %dma_wait3A_204 = arith.constant 0 : i32
      %dma_wait3A_205 = arith.constant 0 : i32
      %dma_wait3A_206 = tpu.memref_slice %arg2[%dma_wait3A_197, %dma_wait3A_204, %dma_wait3A_205] : memref<1x128x3968xf32, #tpu.memory_space<vmem>> -> memref<1x64x2048xf32, #tpu.memory_space<vmem>>
      %dma_wait3A_207 = tpu.memref_squeeze %dma_wait3A_206 : memref<1x64x2048xf32, #tpu.memory_space<vmem>> -> memref<64x2048xf32, #tpu.memory_space<vmem>>
      tpu.wait_dma2 semaphore(%arg4 : memref<!tpu.dma_semaphore, #tpu.memory_space<semaphore_mem>>) src(%dma_wait3A_207 : memref<64x2048xf32, #tpu.memory_space<vmem>>) dst(%dma_wait3A_203 : memref<64x2048xf32, #tpu.memory_space<any>>)
    } else {
    }
    return
  }
  func.func @transform_0(%arg0: i32, %arg1: i32) -> (i32, i32, i32) {
    %c0_i32 = arith.constant 0 : i32
    %c0_i32_0 = arith.constant 0 : i32
    %c0_i32_1 = arith.constant 0 : i32
    return %arg0, %c0_i32, %c0_i32_0 : i32, i32, i32
  }
}

</mosaic_0001>

<sc_bundles>
// kernel: _bias_grid.4.cloned.1.call-start
scs
__scs_entry_jumppad:
0x0: {  	(pc) =	sbr.rel $0x88, $3  }
0x1: {  	(tag) =	ssettag $0x0;
	lr =	simm.s32 $0x1  }
0x2: {  	[smem:$0x3FA0] =	sst lr;
	_ =	strace $0xD0000000  }
0x3: {  	_ = 	snop  }
0x4: {  	_ = 	snop  }
0x5: {  	_ = 	snop  }
0x6: {  	_ = 	snop  }
0x7: {  	_ = 	snop  }
__scs_overlays_trampoline_lowered:
0x8: {  	[smem:$0x3FAF] =	sst s0  }
0x9: {  	[smem:$0x3FB0] =	sst s1  }
0xa: {  	[smem:$0x3FB1] =	sst s2  }
0xb: {  	[smem:$0x3FB2] =	sst s3  }
0xc: {  	[smem:$0x3FB3] =	sst s4  }
0xd: {  	[smem:$0x3FB4] =	sst s5  }
0xe: {  	[smem:$0x3FB5] =	sst s6  }
0xf: {  	[smem:$0x3FB6] =	sst s7  }
0x10: {  	[smem:$0x3FB7] =	sst s8  }
0x11: {  	[smem:$0x3FB8] =	sst s9;
	s0 =	simm.s32 @!p0 $0x0  }
0x12: {  	s1 =	sld [smem:$0x3F9E];
	s0 =	simm.s32 @p0 $0x1  }
0x13: {  	[smem:$0x3FB9] =	sst s0;
	s0 =	simm.s32 @!p1 $0x0  }
0x14: {  	s2 =	sld [smem:$0x3F9D];
	s0 =	simm.s32 @p1 $0x1  }
0x15: {  	[smem:$0x3FBA] =	sst s0;
	s0 =	simm.s32 @!p2 $0x0  }
0x16: {  	s3 =	sld [smem:$0x3FDB];
	s0 =	simm.s32 @p2 $0x1  }
0x17: {  	s4 =	simm.s32 $0x1BF5;
	[smem:$0x3FBC] =	sst s0  }
0x18: {  	s0 =	sld [smem:$0x3F9F];
	_ =	swait.ge [sflag:s4], $0x0  }
0x19: {  	s7 =	sld [smem:$0x3FA0]  }
0x1a: {  	s8 =	sadd.s32 $0xFFFFE003, lr  }
0x1b: {  	s9 =	sadd.s32 $0xFFFFFEF7, lr;
	s5 =	simm.s32 $0xFFFFFFFF;
	p2 =	slt.u32 s8, $0xFFFFF086  }
0x1c: {  	p1 =	slt.u32 s9, $0xF7A;
	s5 =	simm.s32 @!p2 $0x0  }
0x1d: {  	s5 =	simm.s32 @p1 $0x1;
	p0 =	seq.s32 s7, s2  }
0x1e: {  	s7 =	smul.u32 @!p0 $0xF7A, s2;
	p2 =	seq.s32 @!p0 s5, $0x0  }
0x1f: {  	s9 =	smul.u32 $0xF7A, s1;
	s8 =	simm.s32 @!p0 $0x1BF5;
	p2 =	por !p2, p0  }
0x20: {  	[sflag:s8] =	ssyncset.s32 @!p0 $0xFFFFF086;
	s6 =	sadd.s32 @!p0 s3, s7;
	s7 =	simm.s32 @!p0 $0x108  }
0x21: {  	s3 =	sadd.s32 s3, s9;
	s6 =	sadd.s32 @!p0 $0x88, s6;
	s7 =	simm.s32 @p2 $0x1082  }
0x22: {  	[simem:s7], [sflag:s8] =	dma.local @!p0 [hbm:s6], $0xF7A  }
0x23: {  	s9 =	sor.u32 $0xD0000000, s2;
	s6 =	simm.s32 $0x108;
	_ =	swait.ge @!p0 [sflag:s8], $0x0  }
0x24: {  	s3 =	sadd.s32 $0x88, s3;
	s6 =	simm.s32 @!p1 $0x1082;
	[sflag:s4] =	ssyncset.s32 $0xFFFFF086  }
0x25: {  	[simem:s6], [sflag:s4] =	dma.local [hbm:s3], $0xF7A  }
0x26: {  	[smem:$0x3FA0] =	sst s1;
	(tag) =	ssettag s2;
	_ =	strace s9  }
0x27: {  	s1 =	sld [smem:$0x3FB0]  }
0x28: {  	s2 =	sld [smem:$0x3FB1]  }
0x29: {  	s4 =	sld [smem:$0x3FB3]  }
0x2a: {  	p0 =	seq.s32 s5, $0x0;
	s5 =	sld [smem:$0x3FB4]  }
0x2b: {  	s6 =	sld [smem:$0x3FB5]  }
0x2c: {  	s7 =	sld [smem:$0x3FB6]  }
0x2d: {  	s3 =	simm.s32 $0x108;
	s8 =	sld [smem:$0x3FB7]  }
0x2e: {  	s3 =	simm.s32 @!p0 $0x1082;
	s9 =	sld [smem:$0x3FB8]  }
0x2f: {  	lr =	sadd.s32 s0, s3;
	s0 =	sld [smem:$0x3FAF]  }
0x30: {  	s3 =	sld [smem:$0x3FB2]  }
0x31: {  	[smem:$0x3FBB] =	sst s10  }
0x32: {  	s10 =	sld [smem:$0x3FB9];
	_ =	sdelay $0x3  }
0x33: {  	p0 =	seq.s32 s10, $0x1;
	s10 =	sld [smem:$0x3FBB];
	_ =	sdelay $0x3  }
0x34: {  	[smem:$0x3FBB] =	sst s10  }
0x35: {  	s10 =	sld [smem:$0x3FBA];
	_ =	sdelay $0x3  }
0x36: {  	p1 =	seq.s32 s10, $0x1;
	s10 =	sld [smem:$0x3FBB];
	_ =	sdelay $0x3  }
0x37: {  	[smem:$0x3FBB] =	sst s10  }
0x38: {  	s10 =	sld [smem:$0x3FBC]  }
0x39: {  	_ = 	snop;
	(pc) =	sbr.ind lr, $3  }
0x3a: {  	_ = 	snop  }
0x3b: {  	_ = 	snop  }
0x3c: {  	p2 =	seq.s32 s10, $0x1;
	s10 =	sld [smem:$0x3FBB]  }
0x3d: {  	_ =	shalt  }
0x3e: {  	_ =	shalt  }
0x3f: {  	_ =	shalt  }
0x40: {  	_ =	shalt  }
0x41: {  	_ =	shalt  }
0x42: {  	_ =	shalt  }
0x43: {  	_ =	shalt  }
0x44: {  	_ =	shalt  }
0x45: {  	_ =	shalt  }
0x46: {  	_ =	shalt  }
0x47: {  	_ =	shalt  }
0x48: {  	_ =	shalt  }
0x49: {  	_ =	shalt  }
0x4a: {  	_ =	shalt  }
0x4b: {  	_ =	shalt  }
0x4c: {  	_ =	shalt  }
0x4d: {  	_ =	shalt  }
0x4e: {  	_ =	shalt  }
0x4f: {  	_ =	shalt  }
0x50: {  	_ =	shalt  }
0x51: {  	_ =	shalt  }
0x52: {  	_ =	shalt  }
0x53: {  	_ =	shalt  }
0x54: {  	_ =	shalt  }
0x55: {  	_ =	shalt  }
0x56: {  	_ =	shalt  }
0x57: {  	_ =	shalt  }
0x58: {  	_ =	shalt  }
0x59: {  	_ =	shalt  }
0x5a: {  	_ =	shalt  }
0x5b: {  	_ =	shalt  }
0x5c: {  	_ =	shalt  }
0x5d: {  	_ =	shalt  }
0x5e: {  	_ =	shalt  }
0x5f: {  	_ =	shalt  }
0x60: {  	_ =	shalt  }
0x61: {  	_ =	shalt  }
0x62: {  	_ =	shalt  }
0x63: {  	_ =	shalt  }
0x64: {  	_ =	shalt  }
0x65: {  	_ =	shalt  }
0x66: {  	_ =	shalt  }
0x67: {  	_ =	shalt  }
0x68: {  	_ =	shalt  }
0x69: {  	_ =	shalt  }
0x6a: {  	_ =	shalt  }
0x6b: {  	_ =	shalt  }
0x6c: {  	_ =	shalt  }
0x6d: {  	_ =	shalt  }
0x6e: {  	_ =	shalt  }
0x6f: {  	_ =	shalt  }
0x70: {  	_ =	shalt  }
0x71: {  	_ =	shalt  }
0x72: {  	_ =	shalt  }
0x73: {  	_ =	shalt  }
0x74: {  	_ =	shalt  }
0x75: {  	_ =	shalt  }
0x76: {  	_ =	shalt  }
0x77: {  	_ =	shalt  }
0x78: {  	_ =	shalt  }
0x79: {  	_ =	shalt  }
0x7a: {  	_ =	shalt  }
0x7b: {  	_ =	shalt  }
0x7c: {  	_ =	shalt  }
0x7d: {  	_ =	shalt  }
0x7e: {  	_ =	shalt  }
0x7f: {  	_ =	shalt  }
0x80: {  	_ =	shalt  }
0x81: {  	_ =	shalt  }
0x82: {  	_ =	shalt  }
0x83: {  	_ =	shalt  }
0x84: {  	_ =	shalt  }
0x85: {  	_ =	shalt  }
0x86: {  	_ =	shalt  }
0x87: {  	_ =	shalt  }
.Lfunc_end0:
.L_simem_size_0:
called_computation_lowered:
.L_overlay_start_0:
0x88: {  	s2 =	sld [smem:$0x3FD9]  }
0x89: {  	s3 =	sld [smem:$0x3FFE];
	_ =	sdelay $0x1  }
0x8a: {  	s1 =	srdreg.scid  }
0x8b: {  	s0 =	sand.u32 $0x1, s1  }
0x8c: {  	s17 =	sshll.u32 s0, $0xA;
	s2 =	sadd.s32 s3, s2  }
0x8d: {  	s2 =	sadd.s32 s2, s17  }
0x8e: {  	[smem:$0x3FC7] =	sst s2  }
0x8f: {  	_ = 	snop  }
0x90: {  	s2 =	sld [smem:$0x3FD0];
	(tm) =	ssettm $0x1  }
0x91: {  	s18 =	sld [smem:$0x3FFB];
	_ =	sdelay $0x3  }
0x92: {  	_ =	strace s18  }
0x93: {  	s3 =	sld [smem:$0x3FFC];
	_ =	sdelay $0x3  }
0x94: {  	_ =	strace s3  }
0x95: {  	s3 =	sld [smem:$0x3FFD];
	_ =	sdelay $0x3  }
0x96: {  	_ =	strace s3  }
0x97: {  	_ =	strace $0x8FFFFFFF  }
0x98: {  	s19 =	sld [smem:$0x3FDB];
	_ =	sdelay $0x1  }
0x99: {  	s4 =	simm.s32 $_scs_section_size  }
0x9a: {  	s5 =	simm.s32 $_size__tile_overlayer_lowered;
	s6 =	simm.s32 $_tile_overlayer_lowered  }
0x9b: {  	s22 =	simm.s32 $0x1BFF;
	s21 =	sshll.u32 s6, $0x1;
	s3 =	sadd.s32 s4, s19  }
0x9c: {  	s7 =	simm.s32 $0x0;
	s20 =	sshll.u32 s5, $0x1;
	s5 =	sadd.s32 s21, s3  }
0x9d: {  	[timem:s7], [sflag:s22] =	dma.local [hbm:s5], s20  }
0x9e: {  	_ =	swait.ge [sflag:s22], s20  }
0x9f: {  	s4 =	ssub.s32 $0x0, s20;
	[sflag:s22] =	ssyncset.done $0x0  }
0xa0: {  	[sflag:s22] =	ssyncadd.s32 s4;
	_ =	sdelay $0x1  }
0xa1: {  	s23 =	simm.s32 $0x1B8B  }
0xa2: {  	_ =	swait.ge [sflag:s23], $0x1  }
0xa3: {  	[sflag:s23] =	ssyncset.done $0x0  }
0xa4: {  	s25 =	simm.s32 $0x1B8E;
	s24 =	sld [smem:$0x3FFE];
	[sflag:s23] =	ssyncadd.s32 $0xFFFFFFFF  }
0xa5: {  	s26 =	simm.s32 $execute0_lowered;
	[smem:$0x3FD2] =	sst s25  }
0xa6: {  	s5 =	sshll.u32 s26, $0x1;
	_ =	strace $0x80000046;
	[dreg:$0x1] =	wrdreg $0xFFFFFFFF  }
0xa7: {  	s28 =	simm.s32 $_size_execute0_lowered;
	s3 =	sadd.s32 s3, s5;
	[dreg:$0x0] =	wrdreg $0x0  }
0xa8: {  	s5 =	sshll.u32 s28, $0x1;
	[dreg:$0x2] =	wrdreg s3  }
0xa9: {  	[dreg:$0x3] =	wrdreg s5  }
0xaa: {  	[dreg:$0x4] =	wrdreg $0xC0  }
0xab: {  	_ =	task [dreg:s7], $0x5FFFF  }
0xac: {  	[dreg:$0x1] =	wrdreg $0xFFFFFFFF  }
0xad: {  	[dreg:$0x0] =	wrdreg $0x60  }
0xae: {  	[dreg:$0x2] =	wrdreg s24  }
0xaf: {  	[dreg:$0x3] =	wrdreg s2  }
0xb0: {  	[dreg:$0x4] =	wrdreg $0x9  }
0xb1: {  	_ =	task.clear_ibuf [dreg:s7], $0x5FFFF;
	_ =	strace $0x90000046  }
0xb2: {  	s29 =	simm.s32 $0x9;
	_ =	strace $0x80000048  }
0xb3: {  	_ =	swait.ge [sflag:s29], $0x1  }
0xb4: {  	[sflag:s29] =	ssyncadd.s32 $0xFFFFFFFF  }
0xb5: {  	_ =	strace $0x90000048  }
0xb6: {  	_ =	sfence  }
0xb7: {  	s30 =	sld [smem:$0x0];
	_ =	sdelay $0x2  }
0xb8: {  	s31 =	sshll.u32 s1, $0xD;
	s1 =	sshrl.u32 s1, $0x2  }
0xb9: {  	s3 =	sand.u32 $0x4000, s31;
	s1 =	sadd.s32 s1, s30  }
0xba: {  	s0 =	sor.u32 s3, s0;
	s1 =	sshll.u32 s1, $0x11  }
0xbb: {  	s0 =	sor.u32 s1, s0  }
0xbc: {  	s0 =	sadd.s32 $0x8F2B, s0  }
0xbd: {  	[sflag:s0] =	ssyncadd.remote.s32 $0x1  }
0xbe: {  	_ =	sfence.sel $0xFFFF  }
0xbf: {  	[dreg:$0x0] =	wrdreg $0xFFFFFFFF;
	(pc) =	sbr.abs _section_cstart, $3  }
0xc0: {  	[dreg:$0x1] =	wrdreg $0xFFFFFFFF  }
0xc1: {  	_ =	task.clear_ibuf [dreg:s7], $0x2FFFF;
	_ =	strace $0x9FFFFFFF  }
0xc2: {  	(tm) =	ssettm $0x7FFFFFFF  }
0xc3: {  	_ =	shalt  }
tec
execute0_lowered:
.L_overlay_start_1:
0x0: {  	(tag) =	ssettag $0x1  }
0x1: {  	s0 =	srdreg.scid  }
0x2: {  	s1 =	stileid.u32;
	s2 =	sand.u32 $0x1, s0  }
0x3: {  	s21 =	sshll.u32 s1, $0x7;
	s11 =	sshll.u32 s2, $0x2  }
0x4: {  	s3 =	sor.u32 s11, s21  }
0x5: {  	s4 =	smul.u32 $0x1F0, s3;
	s5 =	sor.u32 $0x8, s3  }
0x6: {  	s8 =	sor.u32 $0x10, s3;
	s6 =	smul.u32 $0x1F0, s5  }
0x7: {  	s10 =	sor.u32 $0x18, s3;
	s9 =	smul.u32 $0x1F0, s8  }
0x8: {  	s13 =	sor.u32 $0x20, s3;
	s12 =	smul.u32 $0x1F0, s10  }
0x9: {  	s15 =	sor.u32 $0x28, s3;
	s14 =	smul.u32 $0x1F0, s13  }
0xa: {  	s16 =	sor.u32 $0x30, s3;
	s22 =	smul.u32 $0x1F0, s15  }
0xb: {  	s18 =	sor.u32 $0x40, s3;
	s23 =	smul.u32 $0x1F0, s16  }
0xc: {  	s19 =	sor.u32 $0x48, s3;
	s24 =	smul.u32 $0x1F0, s18  }
0xd: {  	s20 =	sor.u32 $0x50, s3;
	s25 =	smul.u32 $0x1F0, s19  }
0xe: {  	s2 =	ssub.s32 $0x2, s2;
	s26 =	smul.u32 $0x1F0, s20  }
0xf: {  	s0 =	rddreg [dreg:$0x1];
	s7 =	sshrl.u32 s2, $0x1;
	s5 =	smul.u32 $0xF80, s5  }
0x10: {  	s7 =	ssub.s32 s2, s7;
	s17 =	sor.u32 $0x38, s3;
	s8 =	smul.u32 $0xF80, s8  }
0x11: {  	s21 =	sor.u32 $0x58, s3;
	s13 =	smul.u32 $0xF80, s13;
	s4 =	sadd.s32 s0, s4  }
0x12: {  	[dreg:$0x3] =	wrdreg s4;
	s6 =	sadd.s32 s0, s6;
	s9 =	sadd.s32 s0, s9  }
0x13: {  	s12 =	sadd.s32 s0, s12;
	s14 =	sadd.s32 s0, s14;
	[dreg:$0x4] =	wrdreg s6  }
0x14: {  	s2 =	sadd.s32 s0, s22;
	s22 =	sor.u32 $0x60, s3;
	[dreg:$0x5] =	wrdreg s9  }
0x15: {  	s4 =	sadd.s32 s0, s23;
	s6 =	smul.u32 $0x1F0, s17;
	[dreg:$0x6] =	wrdreg s12  }
0x16: {  	s23 =	sor.u32 $0x68, s3;
	[dreg:$0x8] =	wrdreg s2;
	s2 =	smul.u32 $0x1F0, s21  }
0x17: {  	s24 =	sadd.s32 s0, s24;
	[dreg:$0x9] =	wrdreg s4;
	s4 =	smul.u32 $0x1F0, s22  }
0x18: {  	[dreg:$0x7] =	wrdreg s14;
	s9 =	sor.u32 $0x70, s3;
	s12 =	smul.u32 $0xF80, s3  }
0x19: {  	s14 =	sadd.s32 s0, s26;
	s3 =	sor.u32 $0x78, s3;
	s26 =	smul.u32 $0x1F0, s9  }
0x1a: {  	[dreg:$0xb] =	wrdreg s24;
	s24 =	smul.u32 $0x1F0, s3  }
0x1b: {  	[dreg:$0xd] =	wrdreg s14;
	s14 =	smul.u32 $0xF80, s15  }
0x1c: {  	s15 =	smul.u32 $0xF80, s16  }
0x1d: {  	s16 =	smul.u32 $0xF80, s17  }
0x1e: {  	s17 =	smul.u32 $0xF80, s18  }
0x1f: {  	s18 =	smul.u32 $0xF80, s19  }
0x20: {  	s19 =	smul.u32 $0xF80, s20  }
0x21: {  	s1 =	simm.s32 $0x0;
	s20 =	smul.u32 $0xF80, s21  }
0x22: {  	[smem:$0x7FF] =	sst s1;
	s25 =	sadd.s32 s0, s25;
	s21 =	smul.u32 $0xF80, s22  }
0x23: {  	[dreg:$0xc] =	wrdreg s25;
	s22 =	smul.u32 $0xF80, s23;
	s6 =	sadd.s32 s0, s6  }
0x24: {  	s3 =	smul.u32 $0xF80, s3;
	s2 =	sadd.s32 s0, s2;
	[dreg:$0xa] =	wrdreg s6  }
0x25: {  	s4 =	sadd.s32 s0, s4;
	s6 =	smul.u32 $0x1F0, s23;
	[dreg:$0xe] =	wrdreg s2  }
0x26: {  	[dreg:$0xf] =	wrdreg s4;
	s26 =	sadd.s32 s0, s26;
	s2 =	sadd.s32 s0, s24  }
0x27: {  	s4 =	sshrl.u32 s5, $0x3;
	s5 =	sshrl.u32 s8, $0x3;
	s8 =	sshrl.u32 s13, $0x3  }
0x28: {  	s13 =	sshrl.u32 s16, $0x3;
	s16 =	sshrl.u32 s19, $0x3;
	s23 =	rddreg [dreg:$0x0]  }
0x29: {  	s19 =	sshrl.u32 s22, $0x3;
	s3 =	sshrl.u32 s3, $0x3;
	[dreg:$0x11] =	wrdreg s26  }
0x2a: {  	[dreg:$0x12] =	wrdreg s2;
	s4 =	sadd.s32 s0, s4;
	s5 =	sadd.s32 s0, s5  }
0x2b: {  	s24 =	sadd.s32 $0x400, s23;
	s25 =	sadd.s32 s0, s6;
	s6 =	sshrl.u32 s12, $0x3  }
0x2c: {  	s12 =	smul.u32 $0xF80, s10;
	s10 =	sshrl.u32 s14, $0x3;
	s14 =	sshrl.u32 s17, $0x3  }
0x2d: {  	s17 =	sshrl.u32 s20, $0x3;
	s20 =	sadd.s32 $0x1F0, s4;
	[dreg:$0x10] =	wrdreg s25  }
0x2e: {  	s22 =	sadd.s32 $0x3E0, s4;
	_ =	strace $0x80000047;
	[dreg:$0x13] =	wrdreg s24  }
0x2f: {  	s23 =	sadd.s32 $0x5D0, s4;
	s2 =	sadd.s32 s0, s6;
	[dreg:$0x17] =	wrdreg s20  }
0x30: {  	s6 =	sshrl.u32 s12, $0x3;
	s12 =	sshrl.u32 s15, $0x3;
	[dreg:$0x18] =	wrdreg s22  }
0x31: {  	s15 =	sshrl.u32 s18, $0x3;
	s25 =	sadd.s32 $0x1F0, s2;
	[dreg:$0x19] =	wrdreg s23  }
0x32: {  	s18 =	sshrl.u32 s21, $0x3;
	s26 =	sadd.s32 $0x3E0, s2;
	[dreg:$0x14] =	wrdreg s25  }
0x33: {  	s21 =	sadd.s32 s0, s3;
	s3 =	sadd.s32 $0x5D0, s2;
	[dreg:$0x15] =	wrdreg s26  }
0x34: {  	s10 =	sadd.s32 s0, s10;
	s24 =	sadd.s32 $0x1F0, s5;
	[dreg:$0x16] =	wrdreg s3  }
0x35: {  	s20 =	sadd.s32 $0x1F0, s10;
	[dreg:$0x1a] =	wrdreg s24  }
0x36: {  	s22 =	sadd.s32 $0x3E0, s10;
	[smem:$0x7EB] =	sst s20  }
0x37: {  	s7 =	smax.u32 s7, $0x1;
	s23 =	sadd.s32 $0x5D0, s10;
	[smem:$0x7EC] =	sst s22  }
0x38: {  	s9 =	smul.u32 $0xF80, s9;
	s25 =	sadd.s32 $0x3E0, s5;
	[smem:$0x7ED] =	sst s23  }
0x39: {  	s8 =	sadd.s32 s0, s8;
	s26 =	sadd.s32 $0x5D0, s5;
	[dreg:$0x1b] =	wrdreg s25  }
0x3a: {  	s16 =	sadd.s32 s0, s16;
	s5 =	sadd.s32 $0x1F0, s8;
	[dreg:$0x1c] =	wrdreg s26  }
0x3b: {  	s17 =	sadd.s32 s0, s17;
	s20 =	sadd.s32 $0x5D0, s16;
	[smem:$0x7E8] =	sst s5  }
0x3c: {  	s6 =	sadd.s32 s0, s6;
	s22 =	sadd.s32 $0x1F0, s17;
	[smem:$0x7FC] =	sst s20  }
0x3d: {  	s9 =	sshrl.u32 s9, $0x3;
	s2 =	sadd.s32 $0x1F0, s6;
	[smem:$0x7FD] =	sst s22  }
0x3e: {  	s13 =	sadd.s32 s0, s13;
	s3 =	sadd.s32 $0x3E0, s6;
	[dreg:$0x1d] =	wrdreg s2  }
0x3f: {  	s19 =	sadd.s32 s0, s19;
	s4 =	sadd.s32 $0x5D0, s6;
	[dreg:$0x1e] =	wrdreg s3  }
0x40: {  	s9 =	sadd.s32 s0, s9;
	s6 =	sadd.s32 $0x3E0, s8;
	[dreg:$0x1f] =	wrdreg s4  }
0x41: {  	s12 =	sadd.s32 s0, s12;
	s8 =	sadd.s32 $0x5D0, s8;
	[smem:$0x7E9] =	sst s6  }
0x42: {  	s30 =	sadd.s32 $0x1F0, s19;
	s24 =	sadd.s32 $0x1F0, s12;
	[smem:$0x7EA] =	sst s8  }
0x43: {  	s31 =	sadd.s32 $0x3E0, s19;
	s25 =	sadd.s32 $0x3E0, s12;
	[smem:$0x7EE] =	sst s24  }
0x44: {  	s14 =	sadd.s32 s0, s14;
	s26 =	sadd.s32 $0x5D0, s12;
	[smem:$0x7EF] =	sst s25  }
0x45: {  	s15 =	sadd.s32 s0, s15;
	s5 =	sadd.s32 $0x1F0, s14;
	[smem:$0x7F0] =	sst s26  }
0x46: {  	s18 =	sadd.s32 s0, s18;
	s10 =	sadd.s32 $0x1F0, s15;
	[smem:$0x7F4] =	sst s5  }
0x47: {  	s0 =	sadd.s32 $0x1F0, s9;
	s12 =	sadd.s32 $0x3E0, s15;
	[smem:$0x7F7] =	sst s10  }
0x48: {  	s23 =	stileid.u32;
	s2 =	sadd.s32 $0x1F0, s13;
	[smem:$0x7F8] =	sst s12  }
0x49: {  	s28 =	sadd.s32 $0x3E0, s18;
	s3 =	sadd.s32 $0x3E0, s13;
	[smem:$0x7F1] =	sst s2  }
0x4a: {  	s29 =	sadd.s32 $0x5D0, s18;
	s4 =	sadd.s32 $0x5D0, s13;
	[smem:$0x7F2] =	sst s3  }
0x4b: {  	s6 =	sadd.s32 $0x3E0, s14;
	s8 =	sadd.s32 $0x5D0, s14;
	[smem:$0x7F3] =	sst s4  }
0x4c: {  	s13 =	sadd.s32 $0x5D0, s15;
	s14 =	sadd.s32 $0x1F0, s16;
	[smem:$0x7F5] =	sst s6  }
0x4d: {  	s15 =	sadd.s32 $0x3E0, s16;
	s24 =	sadd.s32 $0x3E0, s17;
	[smem:$0x7F6] =	sst s8  }
0x4e: {  	s25 =	sadd.s32 $0x5D0, s17;
	s26 =	sadd.s32 $0x1F0, s18;
	[smem:$0x7F9] =	sst s13  }
0x4f: {  	s18 =	sadd.s32 $0x5D0, s19;
	s5 =	sadd.s32 $0x3E0, s21;
	[smem:$0x7FA] =	sst s14  }
0x50: {  	s10 =	sxor.u32 $0xFFFFF806, s11;
	s12 =	simm.s32 $0x2;
	[smem:$0x7FB] =	sst s15  }
0x51: {  	s2 =	sadd.s32 $0x3E0, s9;
	s3 =	sadd.s32 $0x5D0, s9;
	s4 =	sadd.s32 $0x1F0, s21  }
0x52: {  	v1 =	vlaneseq.u32;
	s6 =	sadd.s32 $0x5D0, s21;
	s8 =	ssub.s32 $0xFFFFF808, s11;
	s9 =	sxor.u32 $0xFFFFF807, s11  }
0x53: {  	v2 =	vimm.s32 $0x0;
	v3 =	vimm.s32 $0x8;
	v0 =	vmov s23;
	s11 =	sxor.u32 $0xFFFFF805, s11;
	s13 =	simm.s32 $0x1;
	s14 =	simm.s32 $0x0  }
.LBB2_1:
0x54: {  	v4 =	vadd.s32 s8, v1  }
0x55: {  	v5 =	vsub.s32 $0x0, v4  }
0x56: {  	v5 =	vmin.u32 v4, v5  }
0x57: {  	vm0 =	vgt.s32 v5, $0xB  }
0x58: {  	v6 =	vsel vm0, $0x9, v3;
	vm0 =	vgt.s32 v5, $0xF  }
0x59: {  	s15 =	sadd.s32 $0x10, s8;
	v6 =	vsel vm0, $0xA, v6;
	vm0 =	vgt.s32 v5, $0x16  }
0x5a: {  	v7 =	vadd.s32 s15, v1;
	v6 =	vsel vm0, $0xB, v6;
	vm0 =	vgt.s32 v5, $0x1F  }
0x5b: {  	vm2 =	vlt.s32 v2, v4;
	v6 =	vsel vm0, $0xC, v6;
	vm0 =	vgt.s32 v5, $0x2D  }
0x5c: {  	v8 =	vsub.s32 $0x0, v7;
	v6 =	vsel vm0, $0xD, v6;
	vm0 =	vgt.s32 v5, $0x3F  }
0x5d: {  	v8 =	vmin.u32 v7, v8;
	v6 =	vsel vm0, $0xE, v6;
	vm0 =	vgt.s32 v5, $0x5A  }
0x5e: {  	vm1 =	vgt.s32 v8, $0xB;
	v6 =	vsel vm0, $0xF, v6;
	vm0 =	vlt.s32 v5, $0x8  }
0x5f: {  	v4 =	vsel vm0, v5, v6;
	v5 =	vsel vm1, $0x9, v3;
	vm0 =	vgt.s32 v8, $0xF  }
0x60: {  	v4 =	vshll.u32 v4, $0x7;
	v5 =	vsel vm0, $0xA, v5;
	vm0 =	vgt.s32 v8, $0x16  }
0x61: {  	v6 =	vadd.s32 $0x800, v4;
	v5 =	vsel vm0, $0xB, v5;
	vm0 =	vgt.s32 v8, $0x1F  }
0x62: {  	s15 =	sadd.s32 $0x10, s15;
	v4 =	vsel vm2, v6, v4;
	v5 =	vsel vm0, $0xC, v5;
	vm0 =	vgt.s32 v8, $0x2D  }
0x63: {  	vm2 =	vlt.s32 v2, v7;
	v6 =	vor.u32 v0, v4;
	v4 =	vadd.s32 s15, v1  }
0x64: {  	v5 =	vsel vm0, $0xD, v5;
	vm0 =	vgt.s32 v8, $0x3F;
	v9 =	vsub.s32 $0x0, v4  }
0x65: {  	s16 =	rddreg [dreg:$0x13];
	v10 =	vsel vm0, $0xE, v5;
	vm0 =	vgt.s32 v8, $0x5A;
	v5 =	vmin.u32 v4, v9  }
0x66: {  	[tilespmem:s1], [sflag:$0x2] =	stream.linear.gather [hbm4b:s16+s1], $0x1000, $0x38;
	v9 =	vsel vm0, $0xF, v10;
	vm0 =	vlt.s32 v8, $0x8;
	vm1 =	vgt.s32 v5, $0xB;
	[tilespmem:$0x5000] =	vst v63  }
0x67: {  	_ =	swait.ge [sflag:s12], $0x1000;
	v7 =	vsel vm0, v8, v9;
	vm0 =	vgt.s32 v5, $0xF;
	v8 =	vsel vm1, $0x9, v3  }
0x68: {  	[sflag:s12] =	ssyncset.done $0x0;
	v7 =	vshll.u32 v7, $0x7;
	v8 =	vsel vm0, $0xA, v8;
	vm0 =	vgt.s32 v5, $0x16  }
0x69: {  	[sflag:s12] =	ssyncadd.s32 $0xFFFFF000;
	v9 =	vadd.s32 $0x800, v7;
	v8 =	vsel vm0, $0xB, v8;
	vm0 =	vgt.s32 v5, $0x1F  }
0x6a: {  	v7 =	vsel vm2, v9, v7;
	v9 =	vsel vm0, $0xC, v8;
	v8 =	vld.idx.msk [tilespmem:v6+s1+$0x0], $0xffff;
	_ =	sdelay $0x1  }
0x6b: {  	s19 =	simm.s32 $0x40;
	s17 =	simm.s32 $0xC0;
	s21 =	sadd.s32 $0x10, s15;
	vm0 =	vgt.s32 v5, $0x2D;
	v7 =	vor.u32 v0, v7  }
0x6c: {  	s22 =	simm.s32 $0x100;
	s20 =	simm.s32 $0x0;
	s16 =	simm.s32 $0x80;
	v6 =	vadd.s32 s21, v1;
	v9 =	vsel vm0, $0xD, v9;
	vm0 =	vgt.s32 v5, $0x3F  }
.LBB2_2:
0x6d: {  	p0 =	sne.s32 s22, $0x3FC0;
	v10 =	vsub.s32 $0x0, v6;
	v9 =	vsel vm0, $0xE, v9;
	vm0 =	vgt.s32 v5, $0x5A;
	s15 =	sshra.s32 s20, $0x2;
	s20 =	smov.u32 s19  }
0x6e: {  	s19 =	smov.u32 s16;
	s16 =	smov.u32 s17;
	s17 =	smov.u32 s22;
	v10 =	vmin.u32 v6, v10;
	v9 =	vsel vm0, $0xF, v9;
	vm0 =	vlt.s32 v5, $0x8;
	[tilespmem:s15+$0x1000] =	vst v8  }
0x6f: {  	vm2 =	vlt.s32 v2, v4;
	v4 =	vmovc v6;
	s15 =	simm.s32 $0x0;
	vm1 =	vgt.s32 v10, $0xB;
	v8 =	vsel vm0, v5, v9;
	v5 =	vmovc v10  }
.Ltmp0:
0x70: {  	v6 =	vsel vm1, $0x9, v3;
	vm0 =	vgt.s32 v5, $0xF;
	v9 =	vshll.u32 v8, $0x7;
	v8 =	vld.idx.msk [tilespmem:v7+s15+$0x0], $0xffff;
	(pc) =	sbr.rel @p0 .LBB2_2-.Ltmp0, $4  }
0x71: {  	v6 =	vsel vm0, $0xA, v6;
	vm0 =	vgt.s32 v5, $0x16;
	v7 =	vadd.s32 $0x800, v9  }
0x72: {  	v6 =	vsel vm0, $0xB, v6;
	vm0 =	vgt.s32 v5, $0x1F;
	v7 =	vsel vm2, v7, v9  }
0x73: {  	s21 =	sadd.s32 $0x10, s21;
	v9 =	vsel vm0, $0xC, v6;
	vm0 =	vgt.s32 v5, $0x2D;
	v7 =	vor.u32 v0, v7  }
0x74: {  	s22 =	sadd.s32 $0x40, s22;
	v6 =	vadd.s32 s21, v1;
	v9 =	vsel vm0, $0xD, v9;
	vm0 =	vgt.s32 v5, $0x3F  }
0x75: {  	v10 =	vsub.s32 $0x0, v6  }
0x76: {  	v9 =	vsel vm0, $0xE, v9;
	vm5 =	vgt.s32 v5, $0x5A;
	v10 =	vmin.u32 v6, v10  }
0x77: {  	vm6 =	vlt.s32 v5, $0x8;
	vm8 =	vlt.s32 v2, v4;
	vm1 =	vgt.s32 v10, $0xB  }
0x78: {  	v9 =	vsel vm5, $0xF, v9;
	vm7 =	vgt.s32 v10, $0xF;
	v61 =	vsel vm1, $0x9, v3  }
0x79: {  	v5 =	vsel vm6, v5, v9;
	vm9 =	vgt.s32 v10, $0x16;
	v4 =	vsel vm7, $0xA, v61  }
0x7a: {  	s20 =	sshra.s32 s20, $0x2;
	vm10 =	vgt.s32 v10, $0x1F;
	v5 =	vshll.u32 v5, $0x7;
	v4 =	vsel vm9, $0xB, v4  }
0x7b: {  	[tilespmem:s20+$0x1000] =	vst v8;
	vm11 =	vgt.s32 v10, $0x2D;
	v62 =	vadd.s32 $0x800, v5;
	v4 =	vsel vm10, $0xC, v4  }
0x7c: {  	v7 =	vld.idx.msk [tilespmem:v7+s15+$0x0], $0xffff;
	vm12 =	vgt.s32 v10, $0x3F;
	v5 =	vsel vm8, v62, v5;
	v4 =	vsel vm11, $0xD, v4  }
0x7d: {  	vm13 =	vgt.s32 v10, $0x5A;
	v5 =	vor.u32 v0, v5;
	v4 =	vsel vm12, $0xE, v4  }
0x7e: {  	vm14 =	vlt.s32 v10, $0x8;
	v4 =	vsel vm13, $0xF, v4  }
0x7f: {  	v4 =	vsel vm14, v10, v4  }
0x80: {  	s19 =	sshra.s32 s19, $0x2;
	v4 =	vshll.u32 v4, $0x7  }
0x81: {  	vm15 =	vlt.s32 v2, v6;
	[tilespmem:s19+$0x1000] =	vst v7;
	v63 =	vadd.s32 $0x800, v4  }
0x82: {  	v5 =	vld.idx.msk [tilespmem:v5+s15+$0x0], $0xffff;
	v4 =	vsel vm15, v63, v4  }
0x83: {  	v4 =	vor.u32 v0, v4;
	_ =	sdelay $0x2  }
0x84: {  	s16 =	sshra.s32 s16, $0x2  }
0x85: {  	[tilespmem:s16+$0x1000] =	vst v5  }
0x86: {  	p1 =	por $0x1, $0x1;
	v4 =	vld.idx.msk [tilespmem:v4+s15+$0x0], $0xffff  }
.Ltmp1:
0x87: {  	_ = 	snop;
	(pc) =	sbr.rel @!p1 .LBB2_4-.Ltmp1, $3  }
0x88: {  	_ =	sdelay $0x1  }
0x89: {  	s17 =	sshra.s32 s17, $0x2;
	s22 =	sadd.s32 $0x0, s9;
	p2 =	por $0x0, $0x0  }
0x8a: {  	p3 =	por $0x0, $0x0;
	p0 =	por $0x0, $0x0;
	s16 =	simm.s32 $0x10;
	[tilespmem:s17+$0x1000] =	vst v4  }
0x8b: {  	v5 =	vadd.s32 s22, v1  }
0x8c: {  	v4 =	vsub.s32 $0x0, v5  }
0x8d: {  	p4 =	por $0x1, $0x1;
	v4 =	vmin.u32 v5, v4  }
.Ltmp2:
0x8e: {  	vm0 =	vgt.s32 v4, $0xB;
	(pc) =	sbr.rel @!p4 .LBB2_6-.Ltmp2, $4  }
0x8f: {  	v6 =	vsel vm0, $0x9, v3;
	vm0 =	vgt.s32 v4, $0xF  }
0x90: {  	v6 =	vsel vm0, $0xA, v6;
	vm0 =	vgt.s32 v4, $0x16  }
0x91: {  	v6 =	vsel vm0, $0xB, v6;
	vm0 =	vgt.s32 v4, $0x1F  }
0x92: {  	s22 =	sadd.s32 $0x10, s9;
	s21 =	simm.s32 $0x20;
	p2 =	por $0x1, $0x1;
	v9 =	vsel vm0, $0xC, v6;
	vm0 =	vgt.s32 v4, $0x2D  }
0x93: {  	v8 =	vadd.s32 s22, v1;
	v6 =	vsel vm0, $0xD, v9;
	vm0 =	vgt.s32 v4, $0x3F  }
0x94: {  	v7 =	vsub.s32 $0x0, v8;
	v6 =	vsel vm0, $0xE, v6;
	vm0 =	vgt.s32 v4, $0x5A  }
0x95: {  	p4 =	por $0x1, $0x1;
	v7 =	vmin.u32 v8, v7;
	v6 =	vsel vm0, $0xF, v6;
	vm0 =	vlt.s32 v4, $0x8  }
.Ltmp3:
0x96: {  	vm2 =	vlt.s32 v2, v5;
	vm1 =	vgt.s32 v7, $0xB;
	v4 =	vsel vm0, v4, v6;
	(pc) =	sbr.rel @!p4 .LBB2_8-.Ltmp3, $4  }
0x97: {  	vm0 =	vgt.s32 v7, $0xF;
	v5 =	vsel vm1, $0x9, v3;
	v4 =	vshll.u32 v4, $0x7  }
0x98: {  	v5 =	vsel vm0, $0xA, v5;
	vm0 =	vgt.s32 v7, $0x16;
	v6 =	vadd.s32 $0x800, v4  }
0x99: {  	v5 =	vsel vm0, $0xB, v5;
	vm0 =	vgt.s32 v7, $0x1F;
	v4 =	vsel vm2, v6, v4  }
0x9a: {  	s22 =	sadd.s32 $0x20, s9;
	s17 =	simm.s32 $0x30;
	p3 =	por $0x1, $0x1;
	v9 =	vsel vm0, $0xC, v5;
	vm0 =	vgt.s32 v7, $0x2D;
	v6 =	vor.u32 v0, v4  }
0x9b: {  	v5 =	vadd.s32 s22, v1;
	v4 =	vsel vm0, $0xD, v9;
	vm0 =	vgt.s32 v7, $0x3F  }
0x9c: {  	v9 =	vsub.s32 $0x0, v5;
	v10 =	vsel vm0, $0xE, v4;
	vm0 =	vgt.s32 v7, $0x5A  }
0x9d: {  	v4 =	vmin.u32 v5, v9;
	v9 =	vsel vm0, $0xF, v10;
	vm0 =	vlt.s32 v7, $0x8  }
0x9e: {  	p5 =	por $0x1, $0x1;
	v7 =	vsel vm0, v7, v9  }
.Ltmp4:
0x9f: {  	vm2 =	vlt.s32 v2, v8;
	vm1 =	vgt.s32 v4, $0xB;
	v7 =	vshll.u32 v7, $0x7;
	(pc) =	sbr.rel @!p5 .LBB2_10-.Ltmp4, $4  }
0xa0: {  	vm0 =	vgt.s32 v4, $0xF;
	v8 =	vsel vm1, $0x9, v3;
	v9 =	vadd.s32 $0x800, v7  }
0xa1: {  	v8 =	vsel vm0, $0xA, v8;
	vm0 =	vgt.s32 v4, $0x16;
	v10 =	vsel vm2, v9, v7;
	v7 =	vld.idx.msk [tilespmem:v6+s15+$0x0], $0xffff  }
0xa2: {  	s22 =	sadd.s32 $0x30, s9;
	s23 =	simm.s32 $0x40;
	v8 =	vsel vm0, $0xB, v8;
	vm0 =	vgt.s32 v4, $0x1F  }
0xa3: {  	p4 =	por $0x1, $0x1;
	s20 =	simm.s32 $0x0;
	s19 =	simm.s32 $0x10;
	v9 =	vsel vm0, $0xC, v8;
	vm0 =	vgt.s32 v4, $0x2D;
	v8 =	vor.u32 v0, v10  }
.LBB2_11:
0xa4: {  	p5 =	sne.s32 s23, $0xFF0;
	v10 =	vadd.s32 s22, v1;
	v9 =	vsel vm0, $0xD, v9;
	vm0 =	vgt.s32 v4, $0x3F  }
0xa5: {  	s22 =	sand.u32 $0xFF0, s20;
	s20 =	smov.u32 s19;
	s19 =	smov.u32 s21;
	v11 =	vsub.s32 $0x0, v10;
	v9 =	vsel vm0, $0xE, v9;
	vm0 =	vgt.s32 v4, $0x5A  }
0xa6: {  	s21 =	smov.u32 s17;
	s17 =	smov.u32 s23;
	v11 =	vmin.u32 v10, v11;
	v9 =	vsel vm0, $0xF, v9;
	vm0 =	vlt.s32 v4, $0x8;
	[tilespmem:s22+$0x2000] =	vst v7  }
.Ltmp5:
0xa7: {  	vm2 =	vlt.s32 v2, v5;
	v5 =	vmovc v10;
	vm1 =	vgt.s32 v11, $0xB;
	v7 =	vsel vm0, v4, v9;
	v4 =	vmovc v11;
	(pc) =	sbr.rel @p5 .LBB2_11-.Ltmp5, $4  }
0xa8: {  	v9 =	vsel vm1, $0x9, v3;
	vm0 =	vgt.s32 v4, $0xF;
	v10 =	vshll.u32 v7, $0x7;
	v7 =	vld.idx.msk [tilespmem:v8+s15+$0x0], $0xffff  }
0xa9: {  	v8 =	vsel vm0, $0xA, v9;
	vm0 =	vgt.s32 v4, $0x16;
	v9 =	vadd.s32 $0x800, v10  }
0xaa: {  	v8 =	vsel vm0, $0xB, v8;
	vm0 =	vgt.s32 v4, $0x1F;
	v10 =	vsel vm2, v9, v10  }
0xab: {  	s23 =	sadd.s32 $0x10, s23;
	s22 =	sadd.s32 s17, s9;
	v9 =	vsel vm0, $0xC, v8;
	vm0 =	vgt.s32 v4, $0x2D;
	v8 =	vor.u32 v0, v10  }
0xac: {  	s23 =	smov.u32 s21;
	s21 =	smov.u32 s17  }
.LBB2_13:
0xad: {  	v10 =	vadd.s32 s22, v1;
	v9 =	vsel @p2 vm0, $0xD, v9;
	vm0 =	vgt.s32 @p2 v4, $0x3F  }
0xae: {  	v11 =	vsub.s32 $0x0, v10;
	v9 =	vsel @p2 vm0, $0xE, v9;
	vm0 =	vgt.s32 @p2 v4, $0x5A  }
0xaf: {  	v11 =	vmin.u32 v10, v11;
	v9 =	vsel @p2 vm0, $0xF, v9;
	vm0 =	vlt.s32 @p2 v4, $0x8  }
0xb0: {  	vm1 =	vlt.s32 @p2 v2, v5;
	v4 =	vsel @p2 vm0, v4, v9;
	vm7 =	vgt.s32 v11, $0xB  }
0xb1: {  	s17 =	sand.u32 @p4 $0xFF0, s20;
	vm8 =	vgt.s32 v11, $0xF;
	v5 =	vsel vm7, $0x9, v3;
	v4 =	vshll.u32 @p2 v4, $0x7  }
0xb2: {  	[tilespmem:s17+$0x2000] =	vst @p4 v7;
	vm9 =	vgt.s32 v11, $0x16;
	v5 =	vsel vm8, $0xA, v5;
	v7 =	vadd.s32 @p2 $0x800, v4  }
0xb3: {  	v8 =	vld.idx.msk @p3 [tilespmem:v8+s15+$0x0], $0xffff;
	vm10 =	vgt.s32 v11, $0x1F;
	v5 =	vsel vm9, $0xB, v5;
	v4 =	vsel @p2 vm1, v7, v4  }
0xb4: {  	vm11 =	vgt.s32 v11, $0x2D;
	v5 =	vsel vm10, $0xC, v5;
	v4 =	vor.u32 @p2 v0, v4  }
0xb5: {  	vm12 =	vgt.s32 v11, $0x3F;
	v4 =	vpsel p2, v4, v6;
	v5 =	vsel vm11, $0xD, v5  }
0xb6: {  	s17 =	smov.u32 @p3 s19;
	vm13 =	vgt.s32 v11, $0x5A;
	v5 =	vsel vm12, $0xE, v5  }
0xb7: {  	s17 =	smov.u32 @p3 s17;
	vm14 =	vlt.s32 v11, $0x8;
	v5 =	vsel vm13, $0xF, v5  }
0xb8: {  	s17 =	sand.u32 @p3 $0xFF0, s17;
	v6 =	vpsel p3, v8, v0;
	v5 =	vsel vm14, v11, v5  }
0xb9: {  	[tilespmem:s17+$0x2000] =	vst @p3 v6;
	v5 =	vshll.u32 v5, $0x7  }
0xba: {  	vm15 =	vlt.s32 v2, v10;
	v4 =	vld.idx.msk @p2 [tilespmem:v4+s15+$0x0], $0xffff;
	v63 =	vadd.s32 $0x800, v5  }
0xbb: {  	s19 =	smov.u32 s15;
	s17 =	smov.u32 @p2 s23;
	v5 =	vsel vm15, v63, v5  }
0xbc: {  	s19 =	smov.u32 @p2 s17;
	v5 =	vor.u32 v0, v5  }
0xbd: {  	s17 =	smov.u32 @p2 s19  }
0xbe: {  	s17 =	smov.u32 @p2 s17  }
0xbf: {  	s17 =	sand.u32 @p2 $0xFF0, s17;
	v4 =	vpsel p2, v4, v0  }
0xc0: {  	[tilespmem:s17+$0x2000] =	vst @p2 v4  }
0xc1: {  	v4 =	vld.idx.msk [tilespmem:v5+s15+$0x0], $0xffff  }
.Ltmp6:
0xc2: {  	_ = 	snop;
	(pc) =	sbr.rel @!p1 .LBB2_14-.Ltmp6, $3  }
0xc3: {  	_ =	sdelay $0x1  }
0xc4: {  	s23 =	sand.u32 $0xFF0, s21  }
0xc5: {  	s21 =	sadd.s32 $0x0, s10;
	[tilespmem:s23+$0x2000] =	vst v4  }
0xc6: {  	v5 =	vadd.s32 s21, v1  }
0xc7: {  	v4 =	vsub.s32 $0x0, v5  }
0xc8: {  	p2 =	por $0x1, $0x1;
	v4 =	vmin.u32 v5, v4  }
.Ltmp7:
0xc9: {  	vm0 =	vgt.s32 v4, $0xB;
	(pc) =	sbr.rel @!p2 .LBB2_16-.Ltmp7, $4  }
0xca: {  	v6 =	vsel vm0, $0x9, v3;
	vm0 =	vgt.s32 v4, $0xF  }
0xcb: {  	v6 =	vsel vm0, $0xA, v6;
	vm0 =	vgt.s32 v4, $0x16  }
0xcc: {  	v6 =	vsel vm0, $0xB, v6;
	vm0 =	vgt.s32 v4, $0x1F  }
0xcd: {  	s21 =	sadd.s32 $0x10, s10;
	s17 =	simm.s32 $0x20;
	p1 =	por $0x1, $0x1;
	v9 =	vsel vm0, $0xC, v6;
	vm0 =	vgt.s32 v4, $0x2D  }
0xce: {  	v8 =	vadd.s32 s21, v1;
	v6 =	vsel vm0, $0xD, v9;
	vm0 =	vgt.s32 v4, $0x3F  }
0xcf: {  	v7 =	vsub.s32 $0x0, v8;
	v6 =	vsel vm0, $0xE, v6;
	vm0 =	vgt.s32 v4, $0x5A  }
0xd0: {  	p3 =	por $0x1, $0x1;
	v7 =	vmin.u32 v8, v7;
	v6 =	vsel vm0, $0xF, v6;
	vm0 =	vlt.s32 v4, $0x8  }
.Ltmp8:
0xd1: {  	vm2 =	vlt.s32 v2, v5;
	vm1 =	vgt.s32 v7, $0xB;
	v4 =	vsel vm0, v4, v6;
	(pc) =	sbr.rel @!p3 .LBB2_18-.Ltmp8, $4  }
0xd2: {  	vm0 =	vgt.s32 v7, $0xF;
	v5 =	vsel vm1, $0x9, v3;
	v4 =	vshll.u32 v4, $0x7  }
0xd3: {  	v5 =	vsel vm0, $0xA, v5;
	vm0 =	vgt.s32 v7, $0x16;
	v6 =	vadd.s32 $0x800, v4  }
0xd4: {  	v5 =	vsel vm0, $0xB, v5;
	vm0 =	vgt.s32 v7, $0x1F;
	v4 =	vsel vm2, v6, v4  }
0xd5: {  	s21 =	sadd.s32 $0x20, s10;
	s20 =	simm.s32 $0x30;
	p2 =	por $0x1, $0x1;
	v9 =	vsel vm0, $0xC, v5;
	vm0 =	vgt.s32 v7, $0x2D;
	v6 =	vor.u32 v0, v4  }
0xd6: {  	v5 =	vadd.s32 s21, v1;
	v4 =	vsel vm0, $0xD, v9;
	vm0 =	vgt.s32 v7, $0x3F  }
0xd7: {  	v9 =	vsub.s32 $0x0, v5;
	v10 =	vsel vm0, $0xE, v4;
	vm0 =	vgt.s32 v7, $0x5A  }
0xd8: {  	v4 =	vmin.u32 v5, v9;
	v9 =	vsel vm0, $0xF, v10;
	vm0 =	vlt.s32 v7, $0x8  }
0xd9: {  	p3 =	por $0x1, $0x1;
	v7 =	vsel vm0, v7, v9  }
.Ltmp9:
0xda: {  	vm2 =	vlt.s32 v2, v8;
	vm1 =	vgt.s32 v4, $0xB;
	v7 =	vshll.u32 v7, $0x7;
	(pc) =	sbr.rel @!p3 .LBB2_20-.Ltmp9, $4  }
0xdb: {  	s22 =	simm.s32 $0x0;
	vm0 =	vgt.s32 v4, $0xF;
	v8 =	vsel vm1, $0x9, v3;
	v9 =	vadd.s32 $0x800, v7  }
0xdc: {  	v8 =	vsel vm0, $0xA, v8;
	vm0 =	vgt.s32 v4, $0x16;
	v10 =	vsel vm2, v9, v7;
	v7 =	vld.idx.msk [tilespmem:v6+s22+$0x0], $0xffff  }
0xdd: {  	s21 =	sadd.s32 $0x30, s10;
	v8 =	vsel vm0, $0xB, v8;
	vm0 =	vgt.s32 v4, $0x1F  }
0xde: {  	s23 =	simm.s32 $0x40;
	p0 =	por $0x1, $0x1;
	s19 =	simm.s32 $0x0;
	v9 =	vsel vm0, $0xC, v8;
	vm0 =	vgt.s32 v4, $0x2D;
	v8 =	vor.u32 v0, v10  }
.LBB2_21:
0xdf: {  	p3 =	sne.s32 s23, $0xFF0;
	v10 =	vadd.s32 s21, v1;
	v9 =	vsel vm0, $0xD, v9;
	vm0 =	vgt.s32 v4, $0x3F  }
0xe0: {  	s21 =	sand.u32 $0xFF0, s19;
	s19 =	smov.u32 s16;
	s16 =	smov.u32 s17;
	v11 =	vsub.s32 $0x0, v10;
	v9 =	vsel vm0, $0xE, v9;
	vm0 =	vgt.s32 v4, $0x5A  }
0xe1: {  	s17 =	smov.u32 s20;
	s20 =	smov.u32 s23;
	v11 =	vmin.u32 v10, v11;
	v9 =	vsel vm0, $0xF, v9;
	vm0 =	vlt.s32 v4, $0x8;
	[tilespmem:s21+$0x3000] =	vst v7  }
.Ltmp10:
0xe2: {  	vm2 =	vlt.s32 v2, v5;
	v5 =	vmovc v10;
	vm1 =	vgt.s32 v11, $0xB;
	v7 =	vsel vm0, v4, v9;
	v4 =	vmovc v11;
	(pc) =	sbr.rel @p3 .LBB2_21-.Ltmp10, $4  }
0xe3: {  	v9 =	vsel vm1, $0x9, v3;
	vm0 =	vgt.s32 v4, $0xF;
	v10 =	vshll.u32 v7, $0x7;
	v7 =	vld.idx.msk [tilespmem:v8+s22+$0x0], $0xffff  }
0xe4: {  	v8 =	vsel vm0, $0xA, v9;
	vm0 =	vgt.s32 v4, $0x16;
	v9 =	vadd.s32 $0x800, v10  }
0xe5: {  	v8 =	vsel vm0, $0xB, v8;
	vm0 =	vgt.s32 v4, $0x1F;
	v10 =	vsel vm2, v9, v10  }
0xe6: {  	s23 =	sadd.s32 $0x10, s23;
	s21 =	sadd.s32 s20, s10;
	v9 =	vsel vm0, $0xC, v8;
	vm0 =	vgt.s32 v4, $0x2D;
	v8 =	vor.u32 v0, v10  }
0xe7: {  	s22 =	smov.u32 s16;
	s16 =	smov.u32 s20  }
.LBB2_23:
0xe8: {  	v10 =	vadd.s32 s21, v1;
	v9 =	vsel @p1 vm0, $0xD, v9;
	vm0 =	vgt.s32 @p1 v4, $0x3F  }
0xe9: {  	v11 =	vsub.s32 $0x0, v10;
	v9 =	vsel @p1 vm0, $0xE, v9;
	vm0 =	vgt.s32 @p1 v4, $0x5A  }
0xea: {  	v11 =	vmin.u32 v10, v11;
	v9 =	vsel @p1 vm0, $0xF, v9;
	vm0 =	vlt.s32 @p1 v4, $0x8  }
0xeb: {  	vm1 =	vlt.s32 @p1 v2, v5;
	v4 =	vsel @p1 vm0, v4, v9;
	vm7 =	vgt.s32 v11, $0xB  }
0xec: {  	s19 =	sand.u32 @p0 $0xFF0, s19;
	vm8 =	vgt.s32 v11, $0xF;
	v5 =	vsel vm7, $0x9, v3;
	v4 =	vshll.u32 @p1 v4, $0x7  }
0xed: {  	[tilespmem:s19+$0x3000] =	vst @p0 v7;
	s19 =	simm.s32 @p2 $0x0;
	vm9 =	vgt.s32 v11, $0x16;
	v5 =	vsel vm8, $0xA, v5;
	v7 =	vadd.s32 @p1 $0x800, v4  }
0xee: {  	v8 =	vld.idx.msk @p2 [tilespmem:v8+s19+$0x0], $0xffff;
	vm10 =	vgt.s32 v11, $0x1F;
	v5 =	vsel vm9, $0xB, v5;
	v4 =	vsel @p1 vm1, v7, v4  }
0xef: {  	vm11 =	vgt.s32 v11, $0x2D;
	v5 =	vsel vm10, $0xC, v5;
	v4 =	vor.u32 @p1 v0, v4  }
0xf0: {  	vm12 =	vgt.s32 v11, $0x3F;
	v4 =	vpsel p1, v4, v6;
	v5 =	vsel vm11, $0xD, v5  }
0xf1: {  	s19 =	smov.u32 @p2 s22;
	vm13 =	vgt.s32 v11, $0x5A;
	v5 =	vsel vm12, $0xE, v5  }
0xf2: {  	s19 =	smov.u32 @p2 s19;
	vm14 =	vlt.s32 v11, $0x8;
	v5 =	vsel vm13, $0xF, v5  }
0xf3: {  	s19 =	sand.u32 @p2 $0xFF0, s19;
	v6 =	vpsel p2, v8, v0;
	v5 =	vsel vm14, v11, v5  }
0xf4: {  	[tilespmem:s19+$0x3000] =	vst @p2 v6;
	s19 =	simm.s32 @p1 $0x0;
	v5 =	vshll.u32 v5, $0x7  }
0xf5: {  	vm15 =	vlt.s32 v2, v10;
	v4 =	vld.idx.msk @p1 [tilespmem:v4+s19+$0x0], $0xffff;
	v63 =	vadd.s32 $0x800, v5  }
0xf6: {  	v5 =	vsel vm15, v63, v5  }
0xf7: {  	v5 =	vor.u32 v0, v5  }
0xf8: {  	s15 =	smov.u32 @p1 s17  }
0xf9: {  	s15 =	smov.u32 @p1 s15  }
0xfa: {  	s15 =	sand.u32 @p1 $0xFF0, s15;
	v4 =	vpsel p1, v4, v0  }
0xfb: {  	[tilespmem:s15+$0x3000] =	vst @p1 v4;
	s15 =	simm.s32 $0x0  }
0xfc: {  	p3 =	por $0x1, $0x1;
	v4 =	vld.idx.msk [tilespmem:v5+s15+$0x0], $0xffff  }
.Ltmp11:
0xfd: {  	_ = 	snop;
	(pc) =	sbr.rel @!p3 .LBB2_24-.Ltmp11, $3  }
0xfe: {  	_ =	sdelay $0x1  }
0xff: {  	s23 =	sand.u32 $0xFF0, s16;
	s21 =	sadd.s32 $0x0, s11;
	s16 =	simm.s32 $0x10  }
0x100: {  	p0 =	por $0x0, $0x0;
	p2 =	por $0x0, $0x0;
	p1 =	por $0x0, $0x0;
	[tilespmem:s23+$0x3000] =	vst v4  }
0x101: {  	v5 =	vadd.s32 s21, v1  }
0x102: {  	v4 =	vsub.s32 $0x0, v5  }
0x103: {  	p3 =	por $0x1, $0x1;
	v4 =	vmin.u32 v5, v4  }
.Ltmp12:
0x104: {  	vm0 =	vgt.s32 v4, $0xB;
	(pc) =	sbr.rel @!p3 .LBB2_26-.Ltmp12, $4  }
0x105: {  	v6 =	vsel vm0, $0x9, v3;
	vm0 =	vgt.s32 v4, $0xF  }
0x106: {  	v6 =	vsel vm0, $0xA, v6;
	vm0 =	vgt.s32 v4, $0x16  }
0x107: {  	v6 =	vsel vm0, $0xB, v6;
	vm0 =	vgt.s32 v4, $0x1F  }
0x108: {  	s21 =	sadd.s32 $0x10, s11;
	s17 =	simm.s32 $0x20;
	p0 =	por $0x1, $0x1;
	v9 =	vsel vm0, $0xC, v6;
	vm0 =	vgt.s32 v4, $0x2D  }
0x109: {  	v8 =	vadd.s32 s21, v1;
	v6 =	vsel vm0, $0xD, v9;
	vm0 =	vgt.s32 v4, $0x3F  }
0x10a: {  	v7 =	vsub.s32 $0x0, v8;
	v6 =	vsel vm0, $0xE, v6;
	vm0 =	vgt.s32 v4, $0x5A  }
0x10b: {  	p3 =	por $0x1, $0x1;
	v7 =	vmin.u32 v8, v7;
	v6 =	vsel vm0, $0xF, v6;
	vm0 =	vlt.s32 v4, $0x8  }
.Ltmp13:
0x10c: {  	vm2 =	vlt.s32 v2, v5;
	vm1 =	vgt.s32 v7, $0xB;
	v4 =	vsel vm0, v4, v6;
	(pc) =	sbr.rel @!p3 .LBB2_28-.Ltmp13, $4  }
0x10d: {  	vm0 =	vgt.s32 v7, $0xF;
	v5 =	vsel vm1, $0x9, v3;
	v4 =	vshll.u32 v4, $0x7  }
0x10e: {  	v5 =	vsel vm0, $0xA, v5;
	vm0 =	vgt.s32 v7, $0x16;
	v6 =	vadd.s32 $0x800, v4  }
0x10f: {  	v5 =	vsel vm0, $0xB, v5;
	vm0 =	vgt.s32 v7, $0x1F;
	v4 =	vsel vm2, v6, v4  }
0x110: {  	s21 =	sadd.s32 $0x20, s11;
	s20 =	simm.s32 $0x30;
	p1 =	por $0x1, $0x1;
	v9 =	vsel vm0, $0xC, v5;
	vm0 =	vgt.s32 v7, $0x2D;
	v6 =	vor.u32 v0, v4  }
0x111: {  	v5 =	vadd.s32 s21, v1;
	v4 =	vsel vm0, $0xD, v9;
	vm0 =	vgt.s32 v7, $0x3F  }
0x112: {  	v9 =	vsub.s32 $0x0, v5;
	v10 =	vsel vm0, $0xE, v4;
	vm0 =	vgt.s32 v7, $0x5A  }
0x113: {  	v4 =	vmin.u32 v5, v9;
	v9 =	vsel vm0, $0xF, v10;
	vm0 =	vlt.s32 v7, $0x8  }
0x114: {  	p3 =	por $0x1, $0x1;
	v7 =	vsel vm0, v7, v9  }
.Ltmp14:
0x115: {  	vm2 =	vlt.s32 v2, v8;
	vm1 =	vgt.s32 v4, $0xB;
	v7 =	vshll.u32 v7, $0x7;
	(pc) =	sbr.rel @!p3 .LBB2_30-.Ltmp14, $4  }
0x116: {  	vm0 =	vgt.s32 v4, $0xF;
	v8 =	vsel vm1, $0x9, v3;
	v9 =	vadd.s32 $0x800, v7  }
0x117: {  	v8 =	vsel vm0, $0xA, v8;
	vm0 =	vgt.s32 v4, $0x16;
	v10 =	vsel vm2, v9, v7;
	v7 =	vld.idx.msk [tilespmem:v6+s1+$0x0], $0xffff  }
0x118: {  	s21 =	sadd.s32 $0x30, s11;
	v8 =	vsel vm0, $0xB, v8;
	vm0 =	vgt.s32 v4, $0x1F  }
0x119: {  	s22 =	simm.s32 $0x40;
	p2 =	por $0x1, $0x1;
	s19 =	simm.s32 $0x0;
	v9 =	vsel vm0, $0xC, v8;
	vm0 =	vgt.s32 v4, $0x2D;
	v8 =	vor.u32 v0, v10  }
.LBB2_31:
0x11a: {  	p3 =	sne.s32 s22, $0xFF0;
	v10 =	vadd.s32 s21, v1;
	v9 =	vsel vm0, $0xD, v9;
	vm0 =	vgt.s32 v4, $0x3F  }
0x11b: {  	s21 =	sand.u32 $0xFF0, s19;
	s19 =	smov.u32 s16;
	s16 =	smov.u32 s17;
	v11 =	vsub.s32 $0x0, v10;
	v9 =	vsel vm0, $0xE, v9;
	vm0 =	vgt.s32 v4, $0x5A  }
0x11c: {  	s17 =	smov.u32 s20;
	s20 =	smov.u32 s22;
	v11 =	vmin.u32 v10, v11;
	v9 =	vsel vm0, $0xF, v9;
	vm0 =	vlt.s32 v4, $0x8;
	[tilespmem:s21+$0x4000] =	vst v7  }
.Ltmp15:
0x11d: {  	vm2 =	vlt.s32 v2, v5;
	v5 =	vmovc v10;
	vm1 =	vgt.s32 v11, $0xB;
	v7 =	vsel vm0, v4, v9;
	v4 =	vmovc v11;
	(pc) =	sbr.rel @p3 .LBB2_31-.Ltmp15, $4  }
0x11e: {  	v9 =	vsel vm1, $0x9, v3;
	vm0 =	vgt.s32 v4, $0xF;
	v10 =	vshll.u32 v7, $0x7;
	v7 =	vld.idx.msk [tilespmem:v8+s1+$0x0], $0xffff  }
0x11f: {  	v8 =	vsel vm0, $0xA, v9;
	vm0 =	vgt.s32 v4, $0x16;
	v9 =	vadd.s32 $0x800, v10  }
0x120: {  	v8 =	vsel vm0, $0xB, v8;
	vm0 =	vgt.s32 v4, $0x1F;
	v10 =	vsel vm2, v9, v10  }
0x121: {  	s22 =	sadd.s32 $0x10, s22;
	s21 =	sadd.s32 s20, s11;
	v9 =	vsel vm0, $0xC, v8;
	vm0 =	vgt.s32 v4, $0x2D;
	v8 =	vor.u32 v0, v10  }
0x122: {  	s22 =	smov.u32 s16;
	s16 =	smov.u32 s20  }
.LBB2_33:
0x123: {  	v10 =	vadd.s32 s21, v1;
	v9 =	vsel @p0 vm0, $0xD, v9;
	vm0 =	vgt.s32 @p0 v4, $0x3F  }
0x124: {  	v11 =	vsub.s32 $0x0, v10;
	v9 =	vsel @p0 vm0, $0xE, v9;
	vm0 =	vgt.s32 @p0 v4, $0x5A  }
0x125: {  	v11 =	vmin.u32 v10, v11;
	v9 =	vsel @p0 vm0, $0xF, v9;
	vm0 =	vlt.s32 @p0 v4, $0x8  }
0x126: {  	vm1 =	vlt.s32 @p0 v2, v5;
	v4 =	vsel @p0 vm0, v4, v9;
	vm7 =	vgt.s32 v11, $0xB  }
0x127: {  	s19 =	sand.u32 @p2 $0xFF0, s19;
	vm8 =	vgt.s32 v11, $0xF;
	v5 =	vsel vm7, $0x9, v3;
	v4 =	vshll.u32 @p0 v4, $0x7  }
0x128: {  	[tilespmem:s19+$0x4000] =	vst @p2 v7;
	vm9 =	vgt.s32 v11, $0x16;
	v5 =	vsel vm8, $0xA, v5;
	v7 =	vadd.s32 @p0 $0x800, v4  }
0x129: {  	v8 =	vld.idx.msk @p1 [tilespmem:v8+s1+$0x0], $0xffff;
	vm10 =	vgt.s32 v11, $0x1F;
	v5 =	vsel vm9, $0xB, v5;
	v4 =	vsel @p0 vm1, v7, v4  }
0x12a: {  	vm11 =	vgt.s32 v11, $0x2D;
	v5 =	vsel vm10, $0xC, v5;
	v4 =	vor.u32 @p0 v0, v4  }
0x12b: {  	vm12 =	vgt.s32 v11, $0x3F;
	v4 =	vpsel p0, v4, v6;
	v5 =	vsel vm11, $0xD, v5  }
0x12c: {  	s19 =	smov.u32 @p1 s22;
	vm13 =	vgt.s32 v11, $0x5A;
	v5 =	vsel vm12, $0xE, v5  }
0x12d: {  	s19 =	smov.u32 @p1 s19;
	vm14 =	vlt.s32 v11, $0x8;
	v5 =	vsel vm13, $0xF, v5  }
0x12e: {  	s19 =	sand.u32 @p1 $0xFF0, s19;
	v6 =	vpsel p1, v8, v0;
	v5 =	vsel vm14, v11, v5  }
0x12f: {  	[tilespmem:s19+$0x4000] =	vst @p1 v6;
	v5 =	vshll.u32 v5, $0x7  }
0x130: {  	vm15 =	vlt.s32 v2, v10;
	v4 =	vld.idx.msk @p0 [tilespmem:v4+s1+$0x0], $0xffff;
	v63 =	vadd.s32 $0x800, v5  }
0x131: {  	v5 =	vsel vm15, v63, v5  }
0x132: {  	v5 =	vor.u32 v0, v5  }
0x133: {  	s15 =	smov.u32 @p0 s17  }
0x134: {  	s15 =	smov.u32 @p0 s15  }
0x135: {  	s15 =	sand.u32 @p0 $0xFF0, s15;
	v4 =	vpsel p0, v4, v0  }
0x136: {  	[tilespmem:s15+$0x4000] =	vst @p0 v4  }
0x137: {  	v4 =	vld.idx.msk [tilespmem:v5+s1+$0x0], $0xffff;
	_ =	sdelay $0x3  }
0x138: {  	s21 =	sand.u32 $0xFF0, s16;
	s17 =	rddreg [dreg:$0x4]  }
0x139: {  	s23 =	simm.s32 $0x1078;
	s22 =	rddreg [dreg:$0x3];
	[tilespmem:s21+$0x4000] =	vst v4  }
0x13a: {  	[hbm4b:s22+s1] =	stream.linear.scatter [tilespmem:s23], [sflag:$0x1], $0xF80, $0x38;
	[tilespmem:$0x5000] =	vst v63  }
0x13b: {  	s20 =	rddreg [dreg:$0x5];
	s19 =	simm.s32 $0x1070  }
0x13c: {  	[hbm4b:s17+s1] =	stream.linear.scatter [tilespmem:s19], [sflag:$0x1], $0xF80, $0x38;
	[tilespmem:$0x5000] =	vst v63  }
0x13d: {  	s21 =	simm.s32 $0x1068;
	s22 =	rddreg [dreg:$0x6]  }
0x13e: {  	[hbm4b:s20+s1] =	stream.linear.scatter [tilespmem:s21], [sflag:$0x1], $0xF80, $0x38;
	[tilespmem:$0x5000] =	vst v63  }
0x13f: {  	s23 =	simm.s32 $0x1060;
	s17 =	rddreg [dreg:$0x7]  }
0x140: {  	[hbm4b:s22+s1] =	stream.linear.scatter [tilespmem:s23], [sflag:$0x1], $0xF80, $0x38;
	[tilespmem:$0x5000] =	vst v63  }
0x141: {  	s19 =	simm.s32 $0x1058;
	s20 =	rddreg [dreg:$0x8]  }
0x142: {  	[hbm4b:s17+s1] =	stream.linear.scatter [tilespmem:s19], [sflag:$0x1], $0xF80, $0x38;
	[tilespmem:$0x5000] =	vst v63  }
0x143: {  	s21 =	simm.s32 $0x1050;
	s22 =	rddreg [dreg:$0x9]  }
0x144: {  	[hbm4b:s20+s1] =	stream.linear.scatter [tilespmem:s21], [sflag:$0x1], $0xF80, $0x38;
	[tilespmem:$0x5000] =	vst v63  }
0x145: {  	s23 =	simm.s32 $0x1048;
	s17 =	rddreg [dreg:$0xa]  }
0x146: {  	[hbm4b:s22+s1] =	stream.linear.scatter [tilespmem:s23], [sflag:$0x1], $0xF80, $0x38;
	[tilespmem:$0x5000] =	vst v63  }
0x147: {  	s19 =	simm.s32 $0x1040;
	s20 =	rddreg [dreg:$0xb]  }
0x148: {  	[hbm4b:s17+s1] =	stream.linear.scatter [tilespmem:s19], [sflag:$0x1], $0xF80, $0x38;
	[tilespmem:$0x5000] =	vst v63  }
0x149: {  	s21 =	simm.s32 $0x1038;
	s22 =	rddreg [dreg:$0xc]  }
0x14a: {  	[hbm4b:s20+s1] =	stream.linear.scatter [tilespmem:s21], [sflag:$0x1], $0xF80, $0x38;
	[tilespmem:$0x5000] =	vst v63  }
0x14b: {  	s23 =	simm.s32 $0x1030;
	s17 =	rddreg [dreg:$0xd]  }
0x14c: {  	[hbm4b:s22+s1] =	stream.linear.scatter [tilespmem:s23], [sflag:$0x1], $0xF80, $0x38;
	[tilespmem:$0x5000] =	vst v63  }
0x14d: {  	s19 =	simm.s32 $0x1028;
	s20 =	rddreg [dreg:$0xe]  }
0x14e: {  	[hbm4b:s17+s1] =	stream.linear.scatter [tilespmem:s19], [sflag:$0x1], $0xF80, $0x38;
	[tilespmem:$0x5000] =	vst v63  }
0x14f: {  	s21 =	simm.s32 $0x1020;
	s22 =	rddreg [dreg:$0xf]  }
0x150: {  	[hbm4b:s20+s1] =	stream.linear.scatter [tilespmem:s21], [sflag:$0x1], $0xF80, $0x38;
	[tilespmem:$0x5000] =	vst v63  }
0x151: {  	s23 =	simm.s32 $0x1018;
	s17 =	rddreg [dreg:$0x10]  }
0x152: {  	[hbm4b:s22+s1] =	stream.linear.scatter [tilespmem:s23], [sflag:$0x1], $0xF80, $0x38;
	[tilespmem:$0x5000] =	vst v63  }
0x153: {  	s19 =	simm.s32 $0x1010;
	s20 =	rddreg [dreg:$0x11]  }
0x154: {  	[hbm4b:s17+s1] =	stream.linear.scatter [tilespmem:s19], [sflag:$0x1], $0xF80, $0x38;
	[tilespmem:$0x5000] =	vst v63  }
0x155: {  	s21 =	simm.s32 $0x1008;
	s22 =	rddreg [dreg:$0x12]  }
0x156: {  	[hbm4b:s20+s1] =	stream.linear.scatter [tilespmem:s21], [sflag:$0x1], $0xF80, $0x38;
	[tilespmem:$0x5000] =	vst v63  }
0x157: {  	s23 =	simm.s32 $0x1000;
	s17 =	rddreg [dreg:$0x14]  }
0x158: {  	[hbm4b:s22+s1] =	stream.linear.scatter [tilespmem:s23], [sflag:$0x1], $0xF80, $0x38;
	[tilespmem:$0x5000] =	vst v63  }
0x159: {  	s19 =	simm.s32 $0x2078;
	s20 =	rddreg [dreg:$0x17]  }
0x15a: {  	[hbm4b:s17+s1] =	stream.linear.scatter [tilespmem:s19], [sflag:$0x1], $0xF80, $0x38;
	[tilespmem:$0x5000] =	vst v63  }
0x15b: {  	s21 =	simm.s32 $0x2070;
	s22 =	rddreg [dreg:$0x1a]  }
0x15c: {  	[hbm4b:s20+s1] =	stream.linear.scatter [tilespmem:s21], [sflag:$0x1], $0xF80, $0x38;
	[tilespmem:$0x5000] =	vst v63  }
0x15d: {  	s23 =	simm.s32 $0x2068;
	s17 =	rddreg [dreg:$0x1d]  }
0x15e: {  	[hbm4b:s22+s1] =	stream.linear.scatter [tilespmem:s23], [sflag:$0x1], $0xF80, $0x38;
	[tilespmem:$0x5000] =	vst v63  }
0x15f: {  	s19 =	simm.s32 $0x2060;
	s20 =	sld [smem:$0x7E8]  }
0x160: {  	[hbm4b:s17+s1] =	stream.linear.scatter [tilespmem:s19], [sflag:$0x1], $0xF80, $0x38;
	[tilespmem:$0x5000] =	vst v63  }
0x161: {  	s21 =	simm.s32 $0x2058;
	s22 =	sld [smem:$0x7EB]  }
0x162: {  	[hbm4b:s20+s1] =	stream.linear.scatter [tilespmem:s21], [sflag:$0x1], $0xF80, $0x38;
	[tilespmem:$0x5000] =	vst v63  }
0x163: {  	s23 =	simm.s32 $0x2050;
	s17 =	sld [smem:$0x7EE]  }
0x164: {  	[hbm4b:s22+s1] =	stream.linear.scatter [tilespmem:s23], [sflag:$0x1], $0xF80, $0x38;
	[tilespmem:$0x5000] =	vst v63  }
0x165: {  	s19 =	simm.s32 $0x2048;
	s20 =	sld [smem:$0x7F1]  }
0x166: {  	[hbm4b:s17+s1] =	stream.linear.scatter [tilespmem:s19], [sflag:$0x1], $0xF80, $0x38;
	[tilespmem:$0x5000] =	vst v63  }
0x167: {  	s21 =	simm.s32 $0x2040;
	s22 =	sld [smem:$0x7F4]  }
0x168: {  	[hbm4b:s20+s1] =	stream.linear.scatter [tilespmem:s21], [sflag:$0x1], $0xF80, $0x38;
	[tilespmem:$0x5000] =	vst v63  }
0x169: {  	s16 =	sld [smem:$0x7F7];
	s23 =	simm.s32 $0x2038  }
0x16a: {  	[hbm4b:s22+s1] =	stream.linear.scatter [tilespmem:s23], [sflag:$0x1], $0xF80, $0x38;
	[tilespmem:$0x5000] =	vst v63  }
0x16b: {  	s17 =	simm.s32 $0x2030;
	s19 =	sld [smem:$0x7FA]  }
0x16c: {  	[hbm4b:s16+s1] =	stream.linear.scatter [tilespmem:s17], [sflag:$0x1], $0xF80, $0x38;
	[tilespmem:$0x5000] =	vst v63  }
0x16d: {  	s20 =	simm.s32 $0x2028;
	s21 =	sld [smem:$0x7FD]  }
0x16e: {  	[hbm4b:s19+s1] =	stream.linear.scatter [tilespmem:s20], [sflag:$0x1], $0xF80, $0x38;
	[tilespmem:$0x5000] =	vst v63  }
0x16f: {  	s22 =	simm.s32 $0x2020  }
0x170: {  	[hbm4b:s21+s1] =	stream.linear.scatter [tilespmem:s22], [sflag:$0x1], $0xF80, $0x38;
	[tilespmem:$0x5000] =	vst v63  }
0x171: {  	s23 =	simm.s32 $0x2018  }
0x172: {  	[hbm4b:s26+s1] =	stream.linear.scatter [tilespmem:s23], [sflag:$0x1], $0xF80, $0x38;
	[tilespmem:$0x5000] =	vst v63  }
0x173: {  	s16 =	simm.s32 $0x2010  }
0x174: {  	[hbm4b:s30+s1] =	stream.linear.scatter [tilespmem:s16], [sflag:$0x1], $0xF80, $0x38;
	[tilespmem:$0x5000] =	vst v63  }
0x175: {  	s17 =	simm.s32 $0x2008  }
0x176: {  	[hbm4b:s0+s1] =	stream.linear.scatter [tilespmem:s17], [sflag:$0x1], $0xF80, $0x38;
	[tilespmem:$0x5000] =	vst v63  }
0x177: {  	s19 =	simm.s32 $0x2000;
	s20 =	rddreg [dreg:$0x15]  }
0x178: {  	[hbm4b:s4+s1] =	stream.linear.scatter [tilespmem:s19], [sflag:$0x1], $0xF80, $0x38;
	[tilespmem:$0x5000] =	vst v63  }
0x179: {  	s21 =	simm.s32 $0x3078;
	s22 =	rddreg [dreg:$0x18]  }
0x17a: {  	[hbm4b:s20+s1] =	stream.linear.scatter [tilespmem:s21], [sflag:$0x1], $0xF80, $0x38;
	[tilespmem:$0x5000] =	vst v63  }
0x17b: {  	s23 =	simm.s32 $0x3070;
	s17 =	rddreg [dreg:$0x1b]  }
0x17c: {  	[hbm4b:s22+s1] =	stream.linear.scatter [tilespmem:s23], [sflag:$0x1], $0xF80, $0x38;
	[tilespmem:$0x5000] =	vst v63  }
0x17d: {  	s19 =	simm.s32 $0x3068;
	s20 =	rddreg [dreg:$0x1e]  }
0x17e: {  	[hbm4b:s17+s1] =	stream.linear.scatter [tilespmem:s19], [sflag:$0x1], $0xF80, $0x38;
	[tilespmem:$0x5000] =	vst v63  }
0x17f: {  	s21 =	simm.s32 $0x3060;
	s22 =	sld [smem:$0x7E9]  }
0x180: {  	[hbm4b:s20+s1] =	stream.linear.scatter [tilespmem:s21], [sflag:$0x1], $0xF80, $0x38;
	[tilespmem:$0x5000] =	vst v63  }
0x181: {  	s23 =	simm.s32 $0x3058;
	s17 =	sld [smem:$0x7EC]  }
0x182: {  	[hbm4b:s22+s1] =	stream.linear.scatter [tilespmem:s23], [sflag:$0x1], $0xF80, $0x38;
	[tilespmem:$0x5000] =	vst v63  }
0x183: {  	s19 =	simm.s32 $0x3050;
	s20 =	sld [smem:$0x7EF]  }
0x184: {  	[hbm4b:s17+s1] =	stream.linear.scatter [tilespmem:s19], [sflag:$0x1], $0xF80, $0x38;
	[tilespmem:$0x5000] =	vst v63  }
0x185: {  	s21 =	simm.s32 $0x3048;
	s22 =	sld [smem:$0x7F2]  }
0x186: {  	[hbm4b:s20+s1] =	stream.linear.scatter [tilespmem:s21], [sflag:$0x1], $0xF80, $0x38;
	[tilespmem:$0x5000] =	vst v63  }
0x187: {  	s23 =	simm.s32 $0x3040;
	s17 =	sld [smem:$0x7F5]  }
0x188: {  	[hbm4b:s22+s1] =	stream.linear.scatter [tilespmem:s23], [sflag:$0x1], $0xF80, $0x38;
	[tilespmem:$0x5000] =	vst v63  }
0x189: {  	s19 =	simm.s32 $0x3038;
	s20 =	sld [smem:$0x7F8]  }
0x18a: {  	[hbm4b:s17+s1] =	stream.linear.scatter [tilespmem:s19], [sflag:$0x1], $0xF80, $0x38;
	[tilespmem:$0x5000] =	vst v63  }
0x18b: {  	s21 =	simm.s32 $0x3030;
	s22 =	sld [smem:$0x7FB]  }
0x18c: {  	[hbm4b:s20+s1] =	stream.linear.scatter [tilespmem:s21], [sflag:$0x1], $0xF80, $0x38;
	[tilespmem:$0x5000] =	vst v63  }
0x18d: {  	s23 =	simm.s32 $0x3028  }
0x18e: {  	[hbm4b:s22+s1] =	stream.linear.scatter [tilespmem:s23], [sflag:$0x1], $0xF80, $0x38;
	[tilespmem:$0x5000] =	vst v63  }
0x18f: {  	s16 =	simm.s32 $0x3020  }
0x190: {  	[hbm4b:s24+s1] =	stream.linear.scatter [tilespmem:s16], [sflag:$0x1], $0xF80, $0x38;
	[tilespmem:$0x5000] =	vst v63  }
0x191: {  	s17 =	simm.s32 $0x3018  }
0x192: {  	[hbm4b:s28+s1] =	stream.linear.scatter [tilespmem:s17], [sflag:$0x1], $0xF80, $0x38;
	[tilespmem:$0x5000] =	vst v63  }
0x193: {  	s19 =	simm.s32 $0x3010  }
0x194: {  	[hbm4b:s31+s1] =	stream.linear.scatter [tilespmem:s19], [sflag:$0x1], $0xF80, $0x38;
	[tilespmem:$0x5000] =	vst v63  }
0x195: {  	s20 =	simm.s32 $0x3008  }
0x196: {  	[hbm4b:s2+s1] =	stream.linear.scatter [tilespmem:s20], [sflag:$0x1], $0xF80, $0x38;
	[tilespmem:$0x5000] =	vst v63  }
0x197: {  	s21 =	simm.s32 $0x3000;
	s22 =	rddreg [dreg:$0x16]  }
0x198: {  	[hbm4b:s5+s1] =	stream.linear.scatter [tilespmem:s21], [sflag:$0x1], $0xF80, $0x38;
	[tilespmem:$0x5000] =	vst v63  }
0x199: {  	s23 =	simm.s32 $0x4078;
	s17 =	rddreg [dreg:$0x19]  }
0x19a: {  	[hbm4b:s22+s1] =	stream.linear.scatter [tilespmem:s23], [sflag:$0x1], $0xF80, $0x38;
	[tilespmem:$0x5000] =	vst v63  }
0x19b: {  	s19 =	simm.s32 $0x4070;
	s20 =	rddreg [dreg:$0x1c]  }
0x19c: {  	[hbm4b:s17+s1] =	stream.linear.scatter [tilespmem:s19], [sflag:$0x1], $0xF80, $0x38;
	[tilespmem:$0x5000] =	vst v63  }
0x19d: {  	s21 =	simm.s32 $0x4068;
	s22 =	rddreg [dreg:$0x1f]  }
0x19e: {  	[hbm4b:s20+s1] =	stream.linear.scatter [tilespmem:s21], [sflag:$0x1], $0xF80, $0x38;
	[tilespmem:$0x5000] =	vst v63  }
0x19f: {  	s23 =	simm.s32 $0x4060;
	s17 =	sld [smem:$0x7EA]  }
0x1a0: {  	[hbm4b:s22+s1] =	stream.linear.scatter [tilespmem:s23], [sflag:$0x1], $0xF80, $0x38;
	[tilespmem:$0x5000] =	vst v63  }
0x1a1: {  	s19 =	simm.s32 $0x4058;
	s20 =	sld [smem:$0x7ED]  }
0x1a2: {  	[hbm4b:s17+s1] =	stream.linear.scatter [tilespmem:s19], [sflag:$0x1], $0xF80, $0x38;
	[tilespmem:$0x5000] =	vst v63  }
0x1a3: {  	s21 =	simm.s32 $0x4050;
	s22 =	sld [smem:$0x7F0]  }
0x1a4: {  	[hbm4b:s20+s1] =	stream.linear.scatter [tilespmem:s21], [sflag:$0x1], $0xF80, $0x38;
	[tilespmem:$0x5000] =	vst v63  }
0x1a5: {  	s23 =	simm.s32 $0x4048;
	s17 =	sld [smem:$0x7F3]  }
0x1a6: {  	[hbm4b:s22+s1] =	stream.linear.scatter [tilespmem:s23], [sflag:$0x1], $0xF80, $0x38;
	[tilespmem:$0x5000] =	vst v63  }
0x1a7: {  	s19 =	simm.s32 $0x4040;
	s20 =	sld [smem:$0x7F6]  }
0x1a8: {  	[hbm4b:s17+s1] =	stream.linear.scatter [tilespmem:s19], [sflag:$0x1], $0xF80, $0x38;
	[tilespmem:$0x5000] =	vst v63  }
0x1a9: {  	s21 =	simm.s32 $0x4038;
	s22 =	sld [smem:$0x7F9]  }
0x1aa: {  	[hbm4b:s20+s1] =	stream.linear.scatter [tilespmem:s21], [sflag:$0x1], $0xF80, $0x38;
	[tilespmem:$0x5000] =	vst v63  }
0x1ab: {  	s16 =	sld [smem:$0x7FC];
	s23 =	simm.s32 $0x4030  }
0x1ac: {  	[hbm4b:s22+s1] =	stream.linear.scatter [tilespmem:s23], [sflag:$0x1], $0xF80, $0x38;
	[tilespmem:$0x5000] =	vst v63  }
0x1ad: {  	s17 =	simm.s32 $0x4028  }
0x1ae: {  	[hbm4b:s16+s1] =	stream.linear.scatter [tilespmem:s17], [sflag:$0x1], $0xF80, $0x38;
	[tilespmem:$0x5000] =	vst v63  }
0x1af: {  	s19 =	simm.s32 $0x4020  }
0x1b0: {  	[hbm4b:s25+s1] =	stream.linear.scatter [tilespmem:s19], [sflag:$0x1], $0xF80, $0x38;
	[tilespmem:$0x5000] =	vst v63  }
0x1b1: {  	s20 =	simm.s32 $0x4018  }
0x1b2: {  	[hbm4b:s29+s1] =	stream.linear.scatter [tilespmem:s20], [sflag:$0x1], $0xF80, $0x38;
	[tilespmem:$0x5000] =	vst v63  }
0x1b3: {  	s21 =	simm.s32 $0x4010  }
0x1b4: {  	[hbm4b:s18+s1] =	stream.linear.scatter [tilespmem:s21], [sflag:$0x1], $0xF80, $0x38;
	[tilespmem:$0x5000] =	vst v63  }
0x1b5: {  	s22 =	simm.s32 $0x4008  }
0x1b6: {  	[hbm4b:s3+s1] =	stream.linear.scatter [tilespmem:s22], [sflag:$0x1], $0xF80, $0x38;
	[tilespmem:$0x5000] =	vst v63  }
0x1b7: {  	s23 =	simm.s32 $0x4000  }
0x1b8: {  	[hbm4b:s6+s1] =	stream.linear.scatter [tilespmem:s23], [sflag:$0x1], $0xF80, $0x38;
	[tilespmem:$0x5000] =	vst v63  }
0x1b9: {  	_ =	swait.ge [sflag:s13], $0xF80  }
0x1ba: {  	[sflag:s13] =	ssyncset.done $0x0  }
0x1bb: {  	[sflag:s13] =	ssyncadd.s32 $0xFFFFF080  }
0x1bc: {  	_ =	swait.ge [sflag:s13], $0xF80  }
0x1bd: {  	[sflag:s13] =	ssyncset.done $0x0  }
0x1be: {  	[sflag:s13] =	ssyncadd.s32 $0xFFFFF080  }
0x1bf: {  	_ =	swait.ge [sflag:s13], $0xF80  }
0x1c0: {  	[sflag:s13] =	ssyncset.done $0x0  }
0x1c1: {  	[sflag:s13] =	ssyncadd.s32 $0xFFFFF080  }
0x1c2: {  	_ =	swait.ge [sflag:s13], $0xF80  }
0x1c3: {  	[sflag:s13] =	ssyncset.done $0x0  }
0x1c4: {  	[sflag:s13] =	ssyncadd.s32 $0xFFFFF080  }
0x1c5: {  	_ =	swait.ge [sflag:s13], $0xF80  }
0x1c6: {  	[sflag:s13] =	ssyncset.done $0x0  }
0x1c7: {  	[sflag:s13] =	ssyncadd.s32 $0xFFFFF080  }
0x1c8: {  	_ =	swait.ge [sflag:s13], $0xF80  }
0x1c9: {  	[sflag:s13] =	ssyncset.done $0x0  }
0x1ca: {  	[sflag:s13] =	ssyncadd.s32 $0xFFFFF080  }
0x1cb: {  	_ =	swait.ge [sflag:s13], $0xF80  }
0x1cc: {  	[sflag:s13] =	ssyncset.done $0x0  }
0x1cd: {  	[sflag:s13] =	ssyncadd.s32 $0xFFFFF080  }
0x1ce: {  	_ =	swait.ge [sflag:s13], $0xF80  }
0x1cf: {  	[sflag:s13] =	ssyncset.done $0x0  }
0x1d0: {  	[sflag:s13] =	ssyncadd.s32 $0xFFFFF080  }
0x1d1: {  	_ =	swait.ge [sflag:s13], $0xF80  }
0x1d2: {  	[sflag:s13] =	ssyncset.done $0x0  }
0x1d3: {  	[sflag:s13] =	ssyncadd.s32 $0xFFFFF080  }
0x1d4: {  	_ =	swait.ge [sflag:s13], $0xF80  }
0x1d5: {  	[sflag:s13] =	ssyncset.done $0x0  }
0x1d6: {  	[sflag:s13] =	ssyncadd.s32 $0xFFFFF080  }
0x1d7: {  	_ =	swait.ge [sflag:s13], $0xF80  }
0x1d8: {  	[sflag:s13] =	ssyncset.done $0x0  }
0x1d9: {  	[sflag:s13] =	ssyncadd.s32 $0xFFFFF080  }
0x1da: {  	_ =	swait.ge [sflag:s13], $0xF80  }
0x1db: {  	[sflag:s13] =	ssyncset.done $0x0  }
0x1dc: {  	[sflag:s13] =	ssyncadd.s32 $0xFFFFF080  }
0x1dd: {  	_ =	swait.ge [sflag:s13], $0xF80  }
0x1de: {  	[sflag:s13] =	ssyncset.done $0x0  }
0x1df: {  	[sflag:s13] =	ssyncadd.s32 $0xFFFFF080  }
0x1e0: {  	_ =	swait.ge [sflag:s13], $0xF80  }
0x1e1: {  	[sflag:s13] =	ssyncset.done $0x0  }
0x1e2: {  	[sflag:s13] =	ssyncadd.s32 $0xFFFFF080  }
0x1e3: {  	_ =	swait.ge [sflag:s13], $0xF80  }
0x1e4: {  	[sflag:s13] =	ssyncset.done $0x0  }
0x1e5: {  	[sflag:s13] =	ssyncadd.s32 $0xFFFFF080  }
0x1e6: {  	_ =	swait.ge [sflag:s13], $0xF80  }
0x1e7: {  	[sflag:s13] =	ssyncset.done $0x0  }
0x1e8: {  	[sflag:s13] =	ssyncadd.s32 $0xFFFFF080  }
0x1e9: {  	_ =	swait.ge [sflag:s13], $0xF80  }
0x1ea: {  	[sflag:s13] =	ssyncset.done $0x0  }
0x1eb: {  	[sflag:s13] =	ssyncadd.s32 $0xFFFFF080  }
0x1ec: {  	_ =	swait.ge [sflag:s13], $0xF80  }
0x1ed: {  	[sflag:s13] =	ssyncset.done $0x0  }
0x1ee: {  	[sflag:s13] =	ssyncadd.s32 $0xFFFFF080  }
0x1ef: {  	_ =	swait.ge [sflag:s13], $0xF80  }
0x1f0: {  	[sflag:s13] =	ssyncset.done $0x0  }
0x1f1: {  	[sflag:s13] =	ssyncadd.s32 $0xFFFFF080  }
0x1f2: {  	_ =	swait.ge [sflag:s13], $0xF80  }
0x1f3: {  	[sflag:s13] =	ssyncset.done $0x0  }
0x1f4: {  	[sflag:s13] =	ssyncadd.s32 $0xFFFFF080  }
0x1f5: {  	_ =	swait.ge [sflag:s13], $0xF80  }
0x1f6: {  	[sflag:s13] =	ssyncset.done $0x0  }
0x1f7: {  	[sflag:s13] =	ssyncadd.s32 $0xFFFFF080  }
0x1f8: {  	_ =	swait.ge [sflag:s13], $0xF80  }
0x1f9: {  	[sflag:s13] =	ssyncset.done $0x0  }
0x1fa: {  	[sflag:s13] =	ssyncadd.s32 $0xFFFFF080  }
0x1fb: {  	_ =	swait.ge [sflag:s13], $0xF80  }
0x1fc: {  	[sflag:s13] =	ssyncset.done $0x0  }
0x1fd: {  	[sflag:s13] =	ssyncadd.s32 $0xFFFFF080  }
0x1fe: {  	_ =	swait.ge [sflag:s13], $0xF80  }
0x1ff: {  	[sflag:s13] =	ssyncset.done $0x0  }
0x200: {  	[sflag:s13] =	ssyncadd.s32 $0xFFFFF080  }
0x201: {  	_ =	swait.ge [sflag:s13], $0xF80  }
0x202: {  	[sflag:s13] =	ssyncset.done $0x0  }
0x203: {  	[sflag:s13] =	ssyncadd.s32 $0xFFFFF080  }
0x204: {  	_ =	swait.ge [sflag:s13], $0xF80  }
0x205: {  	[sflag:s13] =	ssyncset.done $0x0  }
0x206: {  	[sflag:s13] =	ssyncadd.s32 $0xFFFFF080  }
0x207: {  	_ =	swait.ge [sflag:s13], $0xF80  }
0x208: {  	[sflag:s13] =	ssyncset.done $0x0  }
0x209: {  	[sflag:s13] =	ssyncadd.s32 $0xFFFFF080  }
0x20a: {  	_ =	swait.ge [sflag:s13], $0xF80  }
0x20b: {  	[sflag:s13] =	ssyncset.done $0x0  }
0x20c: {  	[sflag:s13] =	ssyncadd.s32 $0xFFFFF080  }
0x20d: {  	_ =	swait.ge [sflag:s13], $0xF80  }
0x20e: {  	[sflag:s13] =	ssyncset.done $0x0  }
0x20f: {  	[sflag:s13] =	ssyncadd.s32 $0xFFFFF080  }
0x210: {  	_ =	swait.ge [sflag:s13], $0xF80  }
0x211: {  	[sflag:s13] =	ssyncset.done $0x0  }
0x212: {  	[sflag:s13] =	ssyncadd.s32 $0xFFFFF080  }
0x213: {  	_ =	swait.ge [sflag:s13], $0xF80  }
0x214: {  	[sflag:s13] =	ssyncset.done $0x0  }
0x215: {  	[sflag:s13] =	ssyncadd.s32 $0xFFFFF080  }
0x216: {  	_ =	swait.ge [sflag:s13], $0xF80  }
0x217: {  	[sflag:s13] =	ssyncset.done $0x0  }
0x218: {  	[sflag:s13] =	ssyncadd.s32 $0xFFFFF080  }
0x219: {  	_ =	swait.ge [sflag:s13], $0xF80  }
0x21a: {  	[sflag:s13] =	ssyncset.done $0x0  }
0x21b: {  	[sflag:s13] =	ssyncadd.s32 $0xFFFFF080  }
0x21c: {  	_ =	swait.ge [sflag:s13], $0xF80  }
0x21d: {  	[sflag:s13] =	ssyncset.done $0x0  }
0x21e: {  	[sflag:s13] =	ssyncadd.s32 $0xFFFFF080  }
0x21f: {  	_ =	swait.ge [sflag:s13], $0xF80  }
0x220: {  	[sflag:s13] =	ssyncset.done $0x0  }
0x221: {  	[sflag:s13] =	ssyncadd.s32 $0xFFFFF080  }
0x222: {  	_ =	swait.ge [sflag:s13], $0xF80  }
0x223: {  	[sflag:s13] =	ssyncset.done $0x0  }
0x224: {  	[sflag:s13] =	ssyncadd.s32 $0xFFFFF080  }
0x225: {  	_ =	swait.ge [sflag:s13], $0xF80  }
0x226: {  	[sflag:s13] =	ssyncset.done $0x0  }
0x227: {  	[sflag:s13] =	ssyncadd.s32 $0xFFFFF080  }
0x228: {  	_ =	swait.ge [sflag:s13], $0xF80  }
0x229: {  	[sflag:s13] =	ssyncset.done $0x0  }
0x22a: {  	[sflag:s13] =	ssyncadd.s32 $0xFFFFF080  }
0x22b: {  	_ =	swait.ge [sflag:s13], $0xF80  }
0x22c: {  	[sflag:s13] =	ssyncset.done $0x0  }
0x22d: {  	[sflag:s13] =	ssyncadd.s32 $0xFFFFF080  }
0x22e: {  	_ =	swait.ge [sflag:s13], $0xF80  }
0x22f: {  	[sflag:s13] =	ssyncset.done $0x0  }
0x230: {  	[sflag:s13] =	ssyncadd.s32 $0xFFFFF080  }
0x231: {  	_ =	swait.ge [sflag:s13], $0xF80  }
0x232: {  	[sflag:s13] =	ssyncset.done $0x0  }
0x233: {  	[sflag:s13] =	ssyncadd.s32 $0xFFFFF080  }
0x234: {  	_ =	swait.ge [sflag:s13], $0xF80  }
0x235: {  	[sflag:s13] =	ssyncset.done $0x0  }
0x236: {  	[sflag:s13] =	ssyncadd.s32 $0xFFFFF080  }
0x237: {  	_ =	swait.ge [sflag:s13], $0xF80  }
0x238: {  	[sflag:s13] =	ssyncset.done $0x0  }
0x239: {  	[sflag:s13] =	ssyncadd.s32 $0xFFFFF080  }
0x23a: {  	_ =	swait.ge [sflag:s13], $0xF80  }
0x23b: {  	[sflag:s13] =	ssyncset.done $0x0  }
0x23c: {  	[sflag:s13] =	ssyncadd.s32 $0xFFFFF080  }
0x23d: {  	_ =	swait.ge [sflag:s13], $0xF80  }
0x23e: {  	[sflag:s13] =	ssyncset.done $0x0  }
0x23f: {  	[sflag:s13] =	ssyncadd.s32 $0xFFFFF080  }
0x240: {  	_ =	swait.ge [sflag:s13], $0xF80  }
0x241: {  	[sflag:s13] =	ssyncset.done $0x0  }
0x242: {  	[sflag:s13] =	ssyncadd.s32 $0xFFFFF080  }
0x243: {  	_ =	swait.ge [sflag:s13], $0xF80  }
0x244: {  	[sflag:s13] =	ssyncset.done $0x0  }
0x245: {  	[sflag:s13] =	ssyncadd.s32 $0xFFFFF080  }
0x246: {  	_ =	swait.ge [sflag:s13], $0xF80  }
0x247: {  	[sflag:s13] =	ssyncset.done $0x0  }
0x248: {  	[sflag:s13] =	ssyncadd.s32 $0xFFFFF080  }
0x249: {  	_ =	swait.ge [sflag:s13], $0xF80  }
0x24a: {  	[sflag:s13] =	ssyncset.done $0x0  }
0x24b: {  	[sflag:s13] =	ssyncadd.s32 $0xFFFFF080  }
0x24c: {  	_ =	swait.ge [sflag:s13], $0xF80  }
0x24d: {  	[sflag:s13] =	ssyncset.done $0x0  }
0x24e: {  	[sflag:s13] =	ssyncadd.s32 $0xFFFFF080  }
0x24f: {  	_ =	swait.ge [sflag:s13], $0xF80  }
0x250: {  	[sflag:s13] =	ssyncset.done $0x0  }
0x251: {  	[sflag:s13] =	ssyncadd.s32 $0xFFFFF080  }
0x252: {  	_ =	swait.ge [sflag:s13], $0xF80  }
0x253: {  	[sflag:s13] =	ssyncset.done $0x0  }
0x254: {  	[sflag:s13] =	ssyncadd.s32 $0xFFFFF080  }
0x255: {  	_ =	swait.ge [sflag:s13], $0xF80  }
0x256: {  	[sflag:s13] =	ssyncset.done $0x0  }
0x257: {  	[sflag:s13] =	ssyncadd.s32 $0xFFFFF080  }
0x258: {  	_ =	swait.ge [sflag:s13], $0xF80  }
0x259: {  	[sflag:s13] =	ssyncset.done $0x0  }
0x25a: {  	[sflag:s13] =	ssyncadd.s32 $0xFFFFF080  }
0x25b: {  	_ =	swait.ge [sflag:s13], $0xF80  }
0x25c: {  	[sflag:s13] =	ssyncset.done $0x0  }
0x25d: {  	[sflag:s13] =	ssyncadd.s32 $0xFFFFF080  }
0x25e: {  	_ =	swait.ge [sflag:s13], $0xF80  }
0x25f: {  	[sflag:s13] =	ssyncset.done $0x0  }
0x260: {  	[sflag:s13] =	ssyncadd.s32 $0xFFFFF080  }
0x261: {  	_ =	swait.ge [sflag:s13], $0xF80  }
0x262: {  	[sflag:s13] =	ssyncset.done $0x0  }
0x263: {  	[sflag:s13] =	ssyncadd.s32 $0xFFFFF080  }
0x264: {  	_ =	swait.ge [sflag:s13], $0xF80  }
0x265: {  	[sflag:s13] =	ssyncset.done $0x0  }
0x266: {  	[sflag:s13] =	ssyncadd.s32 $0xFFFFF080  }
0x267: {  	_ =	swait.ge [sflag:s13], $0xF80  }
0x268: {  	[sflag:s13] =	ssyncset.done $0x0  }
0x269: {  	[sflag:s13] =	ssyncadd.s32 $0xFFFFF080  }
0x26a: {  	_ =	swait.ge [sflag:s13], $0xF80  }
0x26b: {  	[sflag:s13] =	ssyncset.done $0x0  }
0x26c: {  	[sflag:s13] =	ssyncadd.s32 $0xFFFFF080  }
0x26d: {  	_ =	swait.ge [sflag:s13], $0xF80  }
0x26e: {  	[sflag:s13] =	ssyncset.done $0x0  }
0x26f: {  	[sflag:s13] =	ssyncadd.s32 $0xFFFFF080  }
0x270: {  	_ =	swait.ge [sflag:s13], $0xF80  }
0x271: {  	[sflag:s13] =	ssyncset.done $0x0  }
0x272: {  	s14 =	sadd.s32 $0x1, s14;
	[sflag:s13] =	ssyncadd.s32 $0xFFFFF080  }
0x273: {  	p0 =	sne.s32 s14, s7;
	_ =	swait.ge [sflag:s13], $0xF80  }
.Ltmp16:
0x274: {  	[sflag:s13] =	ssyncset.done $0x0;
	(pc) =	sbr.rel @p0 .LBB2_1-.Ltmp16, $4  }
.Ltmp17:
0x275: {  	[sflag:s13] =	ssyncadd.s32 $0xFFFFF080;
	(pc) =	sbr.rel @!p0 .LBB2_34-.Ltmp17, $4  }
0x276: {  	_ =	swait.ge [sflag:s13], $0xF80  }
0x277: {  	[sflag:s13] =	ssyncset.done $0x0  }
0x278: {  	[sflag:s13] =	ssyncadd.s32 $0xFFFFF080  }
0x279: {  	_ = 	snop  }
.LBB2_4:
.Ltmp18:
0x27a: {  	(pc) =	sbr.rel .LBB2_13-.Ltmp18, $2  }
0x27b: {  	_ =	sdelay $0x2  }
0x27c: {  	s21 =	simm.s32 $0x0;
	p4 =	por $0x0, $0x0  }
.LBB2_14:
.Ltmp19:
0x27d: {  	(pc) =	sbr.rel .LBB2_23-.Ltmp19, $2  }
0x27e: {  	_ =	sdelay $0x2  }
0x27f: {  	s16 =	smov.u32 s15;
	p1 =	por $0x0, $0x0;
	p2 =	por $0x0, $0x0  }
.LBB2_24:
.Ltmp20:
0x280: {  	(pc) =	sbr.rel .LBB2_33-.Ltmp20, $2  }
0x281: {  	_ =	sdelay $0x2  }
0x282: {  	s16 =	simm.s32 $0x0  }
.LBB2_6:
.Ltmp21:
0x283: {  	(pc) =	sbr.rel .LBB2_13-.Ltmp21, $2  }
0x284: {  	_ =	sdelay $0x2  }
0x285: {  	s23 =	simm.s32 $0x0;
	s21 =	simm.s32 $0x10;
	p4 =	por $0x0, $0x0  }
.LBB2_16:
.Ltmp22:
0x286: {  	(pc) =	sbr.rel .LBB2_23-.Ltmp22, $2  }
0x287: {  	_ =	sdelay $0x2  }
0x288: {  	s17 =	smov.u32 s15;
	p2 =	por $0x0, $0x0  }
.LBB2_26:
.Ltmp23:
0x289: {  	(pc) =	sbr.rel .LBB2_33-.Ltmp23, $2  }
0x28a: {  	_ =	sdelay $0x2  }
0x28b: {  	s17 =	simm.s32 $0x0  }
.LBB2_8:
.Ltmp24:
0x28c: {  	(pc) =	sbr.rel .LBB2_13-.Ltmp24, $2  }
0x28d: {  	_ =	sdelay $0x2  }
0x28e: {  	v4 =	vmov v7;
	s19 =	simm.s32 $0x0;
	s23 =	simm.s32 $0x10;
	v5 =	vmov v8;
	v8 =	vmov v6;
	p4 =	por $0x0, $0x0  }
.LBB2_18:
.Ltmp25:
0x28f: {  	(pc) =	sbr.rel .LBB2_23-.Ltmp25, $2  }
0x290: {  	_ =	sdelay $0x2  }
0x291: {  	v4 =	vmov v7;
	s22 =	smov.u32 s15;
	s17 =	simm.s32 $0x10;
	s16 =	simm.s32 $0x20;
	v5 =	vmov v8;
	v8 =	vmov v6  }
.LBB2_28:
.Ltmp26:
0x292: {  	(pc) =	sbr.rel .LBB2_33-.Ltmp26, $2  }
0x293: {  	_ =	sdelay $0x2  }
0x294: {  	v4 =	vmov v7;
	s22 =	simm.s32 $0x0;
	s17 =	simm.s32 $0x10;
	s16 =	simm.s32 $0x20;
	v5 =	vmov v8;
	v8 =	vmov v6  }
.LBB2_10:
.Ltmp27:
0x295: {  	(pc) =	sbr.rel .LBB2_13-.Ltmp27, $3  }
0x296: {  	_ =	sdelay $0x1  }
0x297: {  	s20 =	simm.s32 $0x0  }
0x298: {  	s19 =	simm.s32 $0x10;
	s23 =	simm.s32 $0x20;
	s21 =	simm.s32 $0x30  }
.LBB2_20:
.Ltmp28:
0x299: {  	(pc) =	sbr.rel .LBB2_23-.Ltmp28, $2  }
0x29a: {  	_ =	sdelay $0x2  }
0x29b: {  	s19 =	smov.u32 s15;
	s22 =	simm.s32 $0x10;
	s16 =	simm.s32 $0x30  }
.LBB2_30:
.Ltmp29:
0x29c: {  	(pc) =	sbr.rel .LBB2_33-.Ltmp29, $2  }
0x29d: {  	_ =	sdelay $0x2  }
0x29e: {  	s19 =	simm.s32 $0x0;
	s22 =	simm.s32 $0x10;
	s16 =	simm.s32 $0x30  }
.LBB2_34:
0x29f: {  	_ =	sfence.sel $0x180000  }
0x2a0: {  	[bflag:$0x0] =	sbarrier.arrive $0xFFFF  }
0x2a1: {  	_ =	strace $0x90000047  }
0x2a2: {  	s0 =	stileid.u32;
	[bflag:$0x2] =	sbarrier.arrive $0xFFFF  }
0x2a3: {  	p0 =	sne.s32 s0, $0x0;
	s0 =	rddreg [dreg:$0x2]  }
0x2a4: {  	s0 =	sadd.s32 @!p0 $0x100000, s0  }
0x2a5: {  	[sflag:s0] =	ssyncadd.tile.s32 @!p0 $0x1;
	_ =	shalt  }
.Lfunc_end2:
_tile_overlayer_lowered:
.L_overlay_start_2:
0x2a6: {  	(tag) =	ssettag $0x2  }
0x2a7: {  	s0 =	rddreg [dreg:$0x0];
	s2 =	stileid.u32  }
0x2a8: {  	s1 =	rddreg [dreg:$0x1];
	p0 =	sne.s32 s2, $0x0  }
0x2a9: {  	s3 =	rddreg [dreg:$0x2];
	[bflag:$0x3] =	sbarrier.arrive $0xFFFF;
	s2 =	simm.s32 @!p0 $0x1C02  }
0x2aa: {  	[timem:s3], [sflag:s2] =	dma.local @!p0 [hbm:s0], s1  }
0x2ab: {  	s0 =	simm.s32 @!p0 $0x2  }
0x2ac: {  	_ =	swait.ge @!p0 [sflag:s0], s1  }
0x2ad: {  	s1 =	ssub.s32 @!p0 $0x0, s1;
	[sflag:s0] =	ssyncset.done @!p0 $0x0  }
0x2ae: {  	[sflag:s0] =	ssyncadd.s32 @!p0 s1  }
0x2af: {  	[bflag:$0x3] =	sbarrier.arrive $0xFFFF  }
0x2b0: {  	_ =	shalt  }

</sc_bundles>
